<compile_context>
chip_gen: v7x
topology: tpu7x:2x2x1
jax: 0.10.2.dev20260603
libtpu: 0.0.44.dev20260713+nightly
codegen_flags: <defaults>
</compile_context>

<pallas_src>
import functools

import jax
import jax.numpy as jnp
from jax import lax
from jax.experimental import pallas as pl
from jax.experimental.pallas import tpu as pltpu
from jax.experimental.pallas import tpu_sc as plsc

N = 10000
E = 320000
D = 128
N_PAD = 10240
NC, NS = 2, 16
NW = NC * NS
CH = 128
NCHUNK = 79
EW = NCHUNK * CH
E_PAD = NW * EW
PAD_DST = N
RPT = N_PAD // NS
NZ = RPT // CH
BM = 512



def _sc_body(with_counts, ch, nchunk, *refs):
    nz = RPT // ch
    if with_counts:
        (y_hbm, eidx_hbm, zmat_hbm, zo16_hbm, widx_hbm,
         acc_out, cnt_out,
         acc_sh, cnt_sh, p0_v, p1_v, rows_v, rows_b, c16_v,
         sem, sem_b) = refs
    else:
        (y_hbm, eidx_hbm, zmat_hbm,
         acc_out,
         acc_sh, p0_v, p1_v, rows_v, rows_b, sem, sem_b) = refs

    c = lax.axis_index("c")
    s = lax.axis_index("s")
    wid = s * NC + c
    r0 = s * RPT

    pltpu.sync_copy(zmat_hbm.at[pl.ds(0, ch)], rows_v)

    @pl.loop(0, nz)
    def _zero_acc(j):
        pltpu.sync_copy(rows_v, acc_sh.at[pl.ds(r0 + j * ch, ch)])

    if with_counts:
        pltpu.sync_copy(zo16_hbm.at[0, pl.ds(0, ch)], c16_v)

        @pl.loop(0, nz)
        def _zero_cnt(j):
            pltpu.sync_copy(widx_hbm.at[s, j], p0_v.at[0])
            pltpu.sync_copy(c16_v, cnt_sh.at[p0_v.at[0, 0]])

        pltpu.sync_copy(zo16_hbm.at[1, pl.ds(0, ch)], c16_v)

    plsc.subcore_barrier()

    def _drain(buf, dsem):
        pltpu.make_async_copy(y_hbm.at[pl.ds(0, ch)], buf, dsem).wait()

    def _scat(buf, didx):
        pltpu.sync_copy(buf, acc_sh.at[didx], add=True)
        if with_counts:
            pltpu.sync_copy(c16_v, cnt_sh.at[didx], add=True)

    pltpu.sync_copy(eidx_hbm.at[wid, pl.ds(0, 2)], p0_v)
    pltpu.async_copy(y_hbm.at[p0_v.at[0, 0]], rows_v, sem)

    @pl.loop(0, (nchunk - 1) // 4)
    def _edges(q):
        k = 4 * q
        pltpu.async_copy(y_hbm.at[p0_v.at[1, 0]], rows_b, sem_b)
        _drain(rows_v, sem)
        _scat(rows_v, p0_v.at[0, 1])
        pltpu.sync_copy(eidx_hbm.at[wid, pl.ds(k + 2, 2)], p1_v)
        pltpu.async_copy(y_hbm.at[p1_v.at[0, 0]], rows_v, sem)
        _drain(rows_b, sem_b)
        _scat(rows_b, p0_v.at[1, 1])
        pltpu.async_copy(y_hbm.at[p1_v.at[1, 0]], rows_b, sem_b)
        _drain(rows_v, sem)
        _scat(rows_v, p1_v.at[0, 1])
        pltpu.sync_copy(eidx_hbm.at[wid, pl.ds(k + 4, 2)], p0_v)
        pltpu.async_copy(y_hbm.at[p0_v.at[0, 0]], rows_v, sem)
        _drain(rows_b, sem_b)
        _scat(rows_b, p1_v.at[1, 1])

    _drain(rows_v, sem)
    _scat(rows_v, p0_v.at[0, 1])

    plsc.subcore_barrier()

    @pl.loop(0, nz)
    def _writeout(j):
        rr = r0 + j * ch
        pltpu.async_copy(acc_sh.at[pl.ds(rr, ch)], rows_v, sem).wait()
        pltpu.sync_copy(rows_v, acc_out.at[c, pl.ds(rr, ch)])

    if with_counts:

        @pl.loop(0, nz)
        def _writeout_cnt(j):
            rr = r0 + j * ch
            pltpu.sync_copy(widx_hbm.at[s, j], p0_v.at[0])
            pltpu.async_copy(cnt_sh.at[p0_v.at[0, 0]], c16_v, sem).wait()
            pltpu.sync_copy(c16_v, cnt_out.at[c, pl.ds(rr, ch)])


def _make_sc(with_counts, ch, nchunk):
    mesh = plsc.VectorSubcoreMesh(core_axis_name="c", subcore_axis_name="s",
                                  num_cores=NC, num_subcores=NS)
    out_type = [jax.ShapeDtypeStruct((NC, N_PAD, D), jnp.float32)]
    scratch = [
        pltpu.VMEM_SHARED((N_PAD, D), jnp.float32),
        pltpu.VMEM((2, 2, ch), jnp.int32),
        pltpu.VMEM((2, 2, ch), jnp.int32),
        pltpu.VMEM((ch, D), jnp.float32),
        pltpu.VMEM((ch, D), jnp.float32),
        pltpu.SemaphoreType.DMA,
        pltpu.SemaphoreType.DMA,
    ]
    if with_counts:
        out_type.append(jax.ShapeDtypeStruct((NC, N_PAD, 16), jnp.float32))
        scratch.insert(1, pltpu.VMEM_SHARED((N_PAD, 16), jnp.float32))
        scratch.insert(6, pltpu.VMEM((ch, 16), jnp.float32))
    return pl.kernel(
        functools.partial(_sc_body, with_counts, ch, nchunk),
        out_type=out_type,
        mesh=mesh,
        scratch_types=scratch,
    )


CH1 = 80
NCHUNK1 = E // NW // CH1
_sc_agg_cnt = _make_sc(True, CH1, NCHUNK1)
_sc_agg = _make_sc(False, CH1, NCHUNK1)



_DN = (((1,), (1,)), ((), ()))


def _tc_in_body(x_ref, wl_ref, wr_ref, b_ref, y_ref, z_ref):
    x = x_ref[...]
    y_ref[...] = lax.dot_general(x, wl_ref[...], _DN,
                                 preferred_element_type=jnp.float32)
    z_ref[...] = lax.dot_general(x, wr_ref[...], _DN,
                                 preferred_element_type=jnp.float32) + b_ref[...]


def _tc_mid_body(acc_ref, cnt_ref, z1_ref, wl_ref, wr_ref, b_ref,
                 y2_ref, z2_ref):
    ssum = acc_ref[0] + acc_ref[1]
    cnt = cnt_ref[0, :, 0:1] + cnt_ref[1, :, 0:1]
    h = ssum / jnp.maximum(cnt, 1.0) + z1_ref[...]
    h = jnp.maximum(h, 0.0)
    y2_ref[...] = lax.dot_general(h, wl_ref[...], _DN,
                                  preferred_element_type=jnp.float32)
    z2_ref[...] = lax.dot_general(h, wr_ref[...], _DN,
                                  preferred_element_type=jnp.float32) + b_ref[...]


def _tc_out_body(acc_ref, cnt_ref, z2_ref, out_ref):
    ssum = acc_ref[0] + acc_ref[1]
    cnt = cnt_ref[0, :, 0:1] + cnt_ref[1, :, 0:1]
    out_ref[...] = ssum / jnp.maximum(cnt, 1.0) + z2_ref[...]


def _row_spec(bm=BM):
    return pl.BlockSpec((bm, D), lambda i: (i, 0))


_W_SPEC = pl.BlockSpec((D, D), lambda i: (0, 0))
_B_SPEC = pl.BlockSpec((1, D), lambda i: (0, 0))
_ACC_SPEC = pl.BlockSpec((NC, BM, D), lambda i: (0, i, 0))
_CNT_SPEC = pl.BlockSpec((NC, BM, 16), lambda i: (0, i, 0))
_GRID = (N_PAD // BM,)

_tc_in = pl.pallas_call(
    _tc_in_body,
    grid=_GRID,
    in_specs=[_row_spec(), _W_SPEC, _W_SPEC, _B_SPEC],
    out_specs=[_row_spec(), _row_spec()],
    out_shape=[jax.ShapeDtypeStruct((N_PAD, D), jnp.float32)] * 2,
)

_tc_mid = pl.pallas_call(
    _tc_mid_body,
    grid=_GRID,
    in_specs=[_ACC_SPEC, _CNT_SPEC, _row_spec(), _W_SPEC, _W_SPEC, _B_SPEC],
    out_specs=[_row_spec(), _row_spec()],
    out_shape=[jax.ShapeDtypeStruct((N_PAD, D), jnp.float32)] * 2,
)

_tc_out = pl.pallas_call(
    _tc_out_body,
    grid=_GRID,
    in_specs=[_ACC_SPEC, _CNT_SPEC, _row_spec()],
    out_specs=_row_spec(),
    out_shape=jax.ShapeDtypeStruct((N_PAD, D), jnp.float32),
)



def kernel(x, edge_index, W_l1, b1, W_r1, W_l2, b2, W_r2):
    x_pad = jnp.pad(x, ((0, N_PAD - N), (0, 0)))
    ei = edge_index.astype(jnp.int32)
    src1 = ei[0].reshape(NW, NCHUNK1, 1, CH1)
    dst1 = ei[1].reshape(NW, NCHUNK1, 1, CH1)
    eidx1 = jnp.concatenate([src1, dst1], axis=2)
    eidx1 = jnp.pad(eidx1, ((0, 0), (0, 1), (0, 0), (0, 0)))
    zmat = jnp.zeros((CH, D), jnp.float32)
    nz1 = RPT // CH1
    wrow = jnp.arange(NS * RPT, dtype=jnp.int32).reshape(NS, nz1, 1, CH1)
    widx = jnp.concatenate([wrow, wrow], axis=2)
    zo16 = jnp.concatenate(
        [jnp.zeros((1, CH, 16), jnp.float32), jnp.ones((1, CH, 16), jnp.float32)])
    b1r = b1.reshape(1, D)
    b2r = b2.reshape(1, D)

    y1, z1 = _tc_in(x_pad, W_l1, W_r1, b1r)
    acc1, cnt = _sc_agg_cnt(y1, eidx1, zmat, zo16, widx)
    y2, z2 = _tc_mid(acc1, cnt, z1, W_l2, W_r2, b2r)
    (acc2,) = _sc_agg(y2, eidx1, zmat)
    out = _tc_out(acc2, cnt, z2)
    return out[:N]

# --- scband reference (transcript-rebuilt; emitter-appended) ---
"""Pipeline reference for scband-graph-sage-23673859735793 (READ-ONLY COPY).

The authoritative reference and input builder live on the scoring server;
editing this copy changes nothing except your own understanding.
"""

import jax, jax.numpy as jnp
import numpy as np

N = 10000
E = 320000
D_IN = 128
D_HID = 128
D_OUT = 128


def _glorot(key, shape):
    fan_in, fan_out = shape[1], shape[0]
    limit = jnp.sqrt(6.0 / (fan_in + fan_out))
    return jax.random.uniform(key, shape, jnp.float32, -limit, limit)


def setup_inputs(seed: int = 0) -> dict:
    key = jax.random.key(seed)
    ks = jax.random.split(key, 8)
    x = jax.random.normal(ks[0], (N, D_IN), dtype=jnp.float32)
    edge_index = jax.random.randint(ks[1], (2, E), 0, N, dtype=jnp.int64)
    # conv1 params (PyG SAGEConv: lin_l on mean-aggregated neighbors with bias, lin_r on root)
    W_l1 = _glorot(ks[2], (D_HID, D_IN))
    b1 = jnp.zeros((D_HID,), dtype=jnp.float32)
    W_r1 = _glorot(ks[3], (D_HID, D_IN))
    # conv2 params
    W_l2 = _glorot(ks[4], (D_OUT, D_HID))
    b2 = jnp.zeros((D_OUT,), dtype=jnp.float32)
    W_r2 = _glorot(ks[5], (D_OUT, D_HID))
    return {"x": x, "edge_index": edge_index, "W_l1": W_l1, "b1": b1, "W_r1": W_r1,
            "W_l2": W_l2, "b2": b2, "W_r2": W_r2}


def _sage_conv(x, edge_index, W_l, b, W_r):
    src = edge_index[0]
    dst = edge_index[1]
    msgs = jnp.take(x, src, axis=0)                                   # gather
    agg = jax.ops.segment_sum(msgs, dst, num_segments=x.shape[0])     # scatter-add
    cnt = jax.ops.segment_sum(jnp.ones((edge_index.shape[1],), x.dtype), dst,
                              num_segments=x.shape[0])
    agg = agg / jnp.maximum(cnt, 1.0)[:, None]                        # mean aggregation
    return agg @ W_l.T + b + x @ W_r.T


def reference(x, edge_index, W_l1, b1, W_r1, W_l2, b2, W_r2):
    # eval mode: dropout is identity
    h = _sage_conv(x, edge_index, W_l1, b1, W_r1)
    h = jax.nn.relu(h)
    out = _sage_conv(h, edge_index, W_l2, b2, W_r2)
    return out

if __name__ == "__main__":
    import jax
    _d = setup_inputs()
    print(jax.jit(kernel)(*tuple(_d.values())))

</pallas_src>

<mosaic_0001>
#map = affine_map<(d0, d1) -> (0, 0)>
#map1 = affine_map<(d0, d1) -> (0, 0, 0, 0)>
#map2 = affine_map<(d0, d1) -> (0, 0, 0)>
module attributes {stable_mosaic.version = 14 : i64} {
  func.func @_sc_body(%arg0: i32, %arg1: i32, %arg2: memref<10240x128xf32, #tpu.memory_space<hbm>>, %arg3: memref<32x126x2x80xi32, #tpu.memory_space<hbm>>, %arg4: memref<128x128xf32, #tpu.memory_space<hbm>>, %arg5: memref<2x128x16xf32, #tpu.memory_space<hbm>>, %arg6: memref<16x8x2x80xi32, #tpu.memory_space<hbm>>, %arg7: memref<2x10240x128xf32, #tpu.memory_space<hbm>>, %arg8: memref<2x10240x16xf32, #tpu.memory_space<hbm>>, %arg9: memref<10240x128xf32, #tpu.memory_space<vmem_shared>>, %arg10: memref<10240x16xf32, #tpu.memory_space<vmem_shared>>, %arg11: memref<2x2x80xi32, #tpu.memory_space<vmem>>, %arg12: memref<2x2x80xi32, #tpu.memory_space<vmem>>, %arg13: memref<80x128xf32, #tpu.memory_space<vmem>>, %arg14: memref<80x128xf32, #tpu.memory_space<vmem>>, %arg15: memref<80x16xf32, #tpu.memory_space<vmem>>, %arg16: memref<!tpu.dma_semaphore, #tpu.memory_space<semaphore_mem>>, %arg17: memref<!tpu.dma_semaphore, #tpu.memory_space<semaphore_mem>>) attributes {dimension_semantics = [#tpu.dimension_semantics<core_parallel>, #tpu.dimension_semantics<subcore_parallel>], iteration_bounds = array<i64: 2, 16>, scalar_prefetch = 0 : i64, scratch_operands = 9 : i64, tpu.core_type = #tpu.core_type<sc_vector_subcore>, window_params = [{transform_indices = #map}, {transform_indices = #map1}, {transform_indices = #map}, {transform_indices = #map2}, {transform_indices = #map1}, {transform_indices = #map2}, {transform_indices = #map2}]} {
    %mul3A = arith.constant 2 : i32
    %mul3A_0 = arith.muli %arg1, %mul3A : i32
    %add3A = arith.addi %mul3A_0, %arg0 : i32
    %mul3A_1 = arith.constant 640 : i32
    %mul3A_2 = arith.muli %arg1, %mul3A_1 : i32
    "tpu.region"() ({
      %run_scoped3A_45 = tpu.sem_alloc : memref<!tpu.dma_semaphore, #tpu.memory_space<semaphore_mem>>
      %dma_start3A_46 = arith.constant 0 : i32
      %dma_start3A_47 = arith.constant 0 : i32
      %dma_start3A_48 = tpu.memref_slice %arg4[%dma_start3A_46, %dma_start3A_47] : memref<128x128xf32, #tpu.memory_space<hbm>> -> memref<80x128xf32, #tpu.memory_space<hbm>>
      %dma_start3A_49 = arith.constant 0 : i32
      %dma_start3A_50 = arith.constant 0 : i32
      %dma_start3A_51 = tpu.memref_slice %arg4[%dma_start3A_49, %dma_start3A_50] : memref<128x128xf32, #tpu.memory_space<hbm>> -> memref<80x128xf32, #tpu.memory_space<hbm>>
      tpu.enqueue_dma source(%dma_start3A_51 : memref<80x128xf32, #tpu.memory_space<hbm>>) target(%arg13 : memref<80x128xf32, #tpu.memory_space<vmem>>) target_semaphore(%run_scoped3A_45 : memref<!tpu.dma_semaphore, #tpu.memory_space<semaphore_mem>>)
      %dma_wait3A_52 = arith.constant 0 : i32
      %dma_wait3A_53 = arith.constant 0 : i32
      %dma_wait3A_54 = tpu.memref_slice %arg4[%dma_wait3A_52, %dma_wait3A_53] : memref<128x128xf32, #tpu.memory_space<hbm>> -> memref<80x128xf32, #tpu.memory_space<hbm>>
      %dma_wait3A_55 = arith.constant 0 : i32
      %dma_wait3A_56 = arith.constant 0 : i32
      %dma_wait3A_57 = tpu.memref_slice %arg4[%dma_wait3A_55, %dma_wait3A_56] : memref<128x128xf32, #tpu.memory_space<hbm>> -> memref<80x128xf32, #tpu.memory_space<hbm>>
      tpu.wait_dma2 semaphore(%run_scoped3A_45 : memref<!tpu.dma_semaphore, #tpu.memory_space<semaphore_mem>>) src(%dma_wait3A_57 : memref<80x128xf32, #tpu.memory_space<hbm>>) dst(%arg13 : memref<80x128xf32, #tpu.memory_space<vmem>>)
      tpu.yield
    }) : () -> ()
    %scan3A = arith.constant 0 : i32
    %scan3A_3 = arith.constant 8 : i32
    %scan3A_4 = arith.addi %scan3A, %scan3A_3 : i32
    %scan3A_5 = arith.constant 1 : i32
    scf.for %scan3A_45 = %scan3A to %scan3A_4 step %scan3A_5  : i32 {
      %mul3A_46 = arith.constant 1 : i32
      %mul3A_47 = arith.muli %scan3A_45, %mul3A_46 : i32
      %add3A_48 = arith.constant 0 : i32
      %add3A_49 = arith.addi %add3A_48, %mul3A_47 : i32
      %mul3A_50 = arith.constant 80 : i32
      %mul3A_51 = arith.muli %add3A_49, %mul3A_50 : i32
      %add3A_52 = arith.addi %mul3A_2, %mul3A_51 : i32
      "tpu.region"() ({
        %run_scoped3A_53 = tpu.sem_alloc : memref<!tpu.dma_semaphore, #tpu.memory_space<semaphore_mem>>
        %dma_start3A_54 = arith.constant 0 : i32
        %dma_start3A_55 = tpu.memref_slice %arg9[%add3A_52, %dma_start3A_54] : memref<10240x128xf32, #tpu.memory_space<vmem_shared>> -> memref<80x128xf32, #tpu.memory_space<vmem_shared>>
        %dma_start3A_56 = arith.constant 0 : i32
        %dma_start3A_57 = tpu.memref_slice %arg9[%add3A_52, %dma_start3A_56] : memref<10240x128xf32, #tpu.memory_space<vmem_shared>> -> memref<80x128xf32, #tpu.memory_space<vmem_shared>>
        tpu.enqueue_dma source(%arg13 : memref<80x128xf32, #tpu.memory_space<vmem>>) target(%dma_start3A_57 : memref<80x128xf32, #tpu.memory_space<vmem_shared>>) target_semaphore(%run_scoped3A_53 : memref<!tpu.dma_semaphore, #tpu.memory_space<semaphore_mem>>)
        %dma_wait3A_58 = arith.constant 0 : i32
        %dma_wait3A_59 = tpu.memref_slice %arg9[%add3A_52, %dma_wait3A_58] : memref<10240x128xf32, #tpu.memory_space<vmem_shared>> -> memref<80x128xf32, #tpu.memory_space<vmem_shared>>
        %dma_wait3A_60 = arith.constant 0 : i32
        %dma_wait3A_61 = tpu.memref_slice %arg9[%add3A_52, %dma_wait3A_60] : memref<10240x128xf32, #tpu.memory_space<vmem_shared>> -> memref<80x128xf32, #tpu.memory_space<vmem_shared>>
        tpu.wait_dma2 semaphore(%run_scoped3A_53 : memref<!tpu.dma_semaphore, #tpu.memory_space<semaphore_mem>>) src(%arg13 : memref<80x128xf32, #tpu.memory_space<vmem>>) dst(%dma_wait3A_61 : memref<80x128xf32, #tpu.memory_space<vmem_shared>>)
        tpu.yield
      }) : () -> ()
    }
    %scan3A_6 = arith.constant 8 : i32
    %run_scoped3A = arith.constant 0 : i32
    "tpu.region"() ({
      %run_scoped3A_45 = tpu.sem_alloc : memref<!tpu.dma_semaphore, #tpu.memory_space<semaphore_mem>>
      %dma_start3A_46 = arith.constant 0 : i32
      %dma_start3A_47 = arith.constant 0 : i32
      %dma_start3A_48 = tpu.memref_slice %arg5[%run_scoped3A, %dma_start3A_46, %dma_start3A_47] : memref<2x128x16xf32, #tpu.memory_space<hbm>> -> memref<1x80x16xf32, #tpu.memory_space<hbm>>
      %dma_start3A_49 = tpu.memref_squeeze %dma_start3A_48 : memref<1x80x16xf32, #tpu.memory_space<hbm>> -> memref<80x16xf32, #tpu.memory_space<hbm>>
      %dma_start3A_50 = arith.constant 0 : i32
      %dma_start3A_51 = arith.constant 0 : i32
      %dma_start3A_52 = tpu.memref_slice %arg5[%run_scoped3A, %dma_start3A_50, %dma_start3A_51] : memref<2x128x16xf32, #tpu.memory_space<hbm>> -> memref<1x80x16xf32, #tpu.memory_space<hbm>>
      %dma_start3A_53 = tpu.memref_squeeze %dma_start3A_52 : memref<1x80x16xf32, #tpu.memory_space<hbm>> -> memref<80x16xf32, #tpu.memory_space<hbm>>
      tpu.enqueue_dma source(%dma_start3A_53 : memref<80x16xf32, #tpu.memory_space<hbm>>) target(%arg15 : memref<80x16xf32, #tpu.memory_space<vmem>>) target_semaphore(%run_scoped3A_45 : memref<!tpu.dma_semaphore, #tpu.memory_space<semaphore_mem>>)
      %dma_wait3A_54 = arith.constant 0 : i32
      %dma_wait3A_55 = arith.constant 0 : i32
      %dma_wait3A_56 = tpu.memref_slice %arg5[%run_scoped3A, %dma_wait3A_54, %dma_wait3A_55] : memref<2x128x16xf32, #tpu.memory_space<hbm>> -> memref<1x80x16xf32, #tpu.memory_space<hbm>>
      %dma_wait3A_57 = tpu.memref_squeeze %dma_wait3A_56 : memref<1x80x16xf32, #tpu.memory_space<hbm>> -> memref<80x16xf32, #tpu.memory_space<hbm>>
      %dma_wait3A_58 = arith.constant 0 : i32
      %dma_wait3A_59 = arith.constant 0 : i32
      %dma_wait3A_60 = tpu.memref_slice %arg5[%run_scoped3A, %dma_wait3A_58, %dma_wait3A_59] : memref<2x128x16xf32, #tpu.memory_space<hbm>> -> memref<1x80x16xf32, #tpu.memory_space<hbm>>
      %dma_wait3A_61 = tpu.memref_squeeze %dma_wait3A_60 : memref<1x80x16xf32, #tpu.memory_space<hbm>> -> memref<80x16xf32, #tpu.memory_space<hbm>>
      tpu.wait_dma2 semaphore(%run_scoped3A_45 : memref<!tpu.dma_semaphore, #tpu.memory_space<semaphore_mem>>) src(%dma_wait3A_61 : memref<80x16xf32, #tpu.memory_space<hbm>>) dst(%arg15 : memref<80x16xf32, #tpu.memory_space<vmem>>)
      tpu.yield
    }) : () -> ()
    %scan3A_7 = arith.constant 0 : i32
    %scan3A_8 = arith.constant 8 : i32
    %scan3A_9 = arith.addi %scan3A_7, %scan3A_8 : i32
    %scan3A_10 = arith.constant 1 : i32
    scf.for %scan3A_45 = %scan3A_7 to %scan3A_9 step %scan3A_10  : i32 {
      %mul3A_46 = arith.constant 1 : i32
      %mul3A_47 = arith.muli %scan3A_45, %mul3A_46 : i32
      %add3A_48 = arith.constant 0 : i32
      %add3A_49 = arith.addi %add3A_48, %mul3A_47 : i32
      %run_scoped3A_50 = arith.constant 0 : i32
      "tpu.region"() ({
        %run_scoped3A_53 = tpu.sem_alloc : memref<!tpu.dma_semaphore, #tpu.memory_space<semaphore_mem>>
        %dma_start3A_54 = arith.constant 0 : i32
        %dma_start3A_55 = arith.constant 0 : i32
        %dma_start3A_56 = tpu.memref_slice %arg11[%run_scoped3A_50, %dma_start3A_54, %dma_start3A_55] : memref<2x2x80xi32, #tpu.memory_space<vmem>> -> memref<1x2x80xi32, #tpu.memory_space<vmem>>
        %dma_start3A_57 = tpu.memref_squeeze %dma_start3A_56 : memref<1x2x80xi32, #tpu.memory_space<vmem>> -> memref<2x80xi32, #tpu.memory_space<vmem>>
        %dma_start3A_58 = arith.constant 0 : i32
        %dma_start3A_59 = arith.constant 0 : i32
        %dma_start3A_60 = tpu.memref_slice %arg6[%arg1, %add3A_49, %dma_start3A_58, %dma_start3A_59] : memref<16x8x2x80xi32, #tpu.memory_space<hbm>> -> memref<1x1x2x80xi32, #tpu.memory_space<hbm>>
        %dma_start3A_61 = tpu.memref_squeeze %dma_start3A_60 : memref<1x1x2x80xi32, #tpu.memory_space<hbm>> -> memref<2x80xi32, #tpu.memory_space<hbm>>
        %dma_start3A_62 = arith.constant 0 : i32
        %dma_start3A_63 = arith.constant 0 : i32
        %dma_start3A_64 = tpu.memref_slice %arg11[%run_scoped3A_50, %dma_start3A_62, %dma_start3A_63] : memref<2x2x80xi32, #tpu.memory_space<vmem>> -> memref<1x2x80xi32, #tpu.memory_space<vmem>>
        %dma_start3A_65 = tpu.memref_squeeze %dma_start3A_64 : memref<1x2x80xi32, #tpu.memory_space<vmem>> -> memref<2x80xi32, #tpu.memory_space<vmem>>
        %dma_start3A_66 = arith.constant 0 : i32
        %dma_start3A_67 = arith.constant 0 : i32
        %dma_start3A_68 = tpu.memref_slice %arg6[%arg1, %add3A_49, %dma_start3A_66, %dma_start3A_67] : memref<16x8x2x80xi32, #tpu.memory_space<hbm>> -> memref<1x1x2x80xi32, #tpu.memory_space<hbm>>
        %dma_start3A_69 = tpu.memref_squeeze %dma_start3A_68 : memref<1x1x2x80xi32, #tpu.memory_space<hbm>> -> memref<2x80xi32, #tpu.memory_space<hbm>>
        tpu.enqueue_dma source(%dma_start3A_69 : memref<2x80xi32, #tpu.memory_space<hbm>>) target(%dma_start3A_65 : memref<2x80xi32, #tpu.memory_space<vmem>>) target_semaphore(%run_scoped3A_53 : memref<!tpu.dma_semaphore, #tpu.memory_space<semaphore_mem>>)
        %dma_wait3A_70 = arith.constant 0 : i32
        %dma_wait3A_71 = arith.constant 0 : i32
        %dma_wait3A_72 = tpu.memref_slice %arg11[%run_scoped3A_50, %dma_wait3A_70, %dma_wait3A_71] : memref<2x2x80xi32, #tpu.memory_space<vmem>> -> memref<1x2x80xi32, #tpu.memory_space<vmem>>
        %dma_wait3A_73 = tpu.memref_squeeze %dma_wait3A_72 : memref<1x2x80xi32, #tpu.memory_space<vmem>> -> memref<2x80xi32, #tpu.memory_space<vmem>>
        %dma_wait3A_74 = arith.constant 0 : i32
        %dma_wait3A_75 = arith.constant 0 : i32
        %dma_wait3A_76 = tpu.memref_slice %arg6[%arg1, %add3A_49, %dma_wait3A_74, %dma_wait3A_75] : memref<16x8x2x80xi32, #tpu.memory_space<hbm>> -> memref<1x1x2x80xi32, #tpu.memory_space<hbm>>
        %dma_wait3A_77 = tpu.memref_squeeze %dma_wait3A_76 : memref<1x1x2x80xi32, #tpu.memory_space<hbm>> -> memref<2x80xi32, #tpu.memory_space<hbm>>
        %dma_wait3A_78 = arith.constant 0 : i32
        %dma_wait3A_79 = arith.constant 0 : i32
        %dma_wait3A_80 = tpu.memref_slice %arg11[%run_scoped3A_50, %dma_wait3A_78, %dma_wait3A_79] : memref<2x2x80xi32, #tpu.memory_space<vmem>> -> memref<1x2x80xi32, #tpu.memory_space<vmem>>
        %dma_wait3A_81 = tpu.memref_squeeze %dma_wait3A_80 : memref<1x2x80xi32, #tpu.memory_space<vmem>> -> memref<2x80xi32, #tpu.memory_space<vmem>>
        %dma_wait3A_82 = arith.constant 0 : i32
        %dma_wait3A_83 = arith.constant 0 : i32
        %dma_wait3A_84 = tpu.memref_slice %arg6[%arg1, %add3A_49, %dma_wait3A_82, %dma_wait3A_83] : memref<16x8x2x80xi32, #tpu.memory_space<hbm>> -> memref<1x1x2x80xi32, #tpu.memory_space<hbm>>
        %dma_wait3A_85 = tpu.memref_squeeze %dma_wait3A_84 : memref<1x1x2x80xi32, #tpu.memory_space<hbm>> -> memref<2x80xi32, #tpu.memory_space<hbm>>
        tpu.wait_dma2 semaphore(%run_scoped3A_53 : memref<!tpu.dma_semaphore, #tpu.memory_space<semaphore_mem>>) src(%dma_wait3A_85 : memref<2x80xi32, #tpu.memory_space<hbm>>) dst(%dma_wait3A_81 : memref<2x80xi32, #tpu.memory_space<vmem>>)
        tpu.yield
      }) : () -> ()
      %run_scoped3A_51 = arith.constant 0 : i32
      %run_scoped3A_52 = arith.constant 0 : i32
      "tpu.region"() ({
        %run_scoped3A_53 = tpu.sem_alloc : memref<!tpu.dma_semaphore, #tpu.memory_space<semaphore_mem>>
        %dma_start3A_54 = arith.constant 0 : i32
        %dma_start3A_55 = tpu.memref_slice %arg11[%run_scoped3A_51, %run_scoped3A_52, %dma_start3A_54] : memref<2x2x80xi32, #tpu.memory_space<vmem>> -> memref<1x1x80xi32, #tpu.memory_space<vmem>>
        %dma_start3A_56 = tpu.memref_squeeze %dma_start3A_55 : memref<1x1x80xi32, #tpu.memory_space<vmem>> -> memref<80xi32, #tpu.memory_space<vmem>>
        %dma_start3A_57 = arith.constant 0 : i32
        %dma_start3A_58 = arith.constant 0 : i32
        %dma_start3A_59 = tpu.memref_slice %arg10[%dma_start3A_57, %dma_start3A_58] : memref<10240x16xf32, #tpu.memory_space<vmem_shared>> -> memref<10240x16xf32, #tpu.memory_space<vmem_shared>>
        tpu.enqueue_indirect_dma source(%arg15 : memref<80x16xf32, #tpu.memory_space<vmem>>) target(%dma_start3A_59 : memref<10240x16xf32, #tpu.memory_space<vmem_shared>>) offsets(%dma_start3A_56 : memref<80xi32, #tpu.memory_space<vmem>>) semaphore(%run_scoped3A_53 : memref<!tpu.dma_semaphore, #tpu.memory_space<semaphore_mem>>)
        %dma_wait3A_60 = arith.constant 0 : i32
        %dma_wait3A_61 = tpu.memref_slice %arg11[%run_scoped3A_51, %run_scoped3A_52, %dma_wait3A_60] : memref<2x2x80xi32, #tpu.memory_space<vmem>> -> memref<1x1x80xi32, #tpu.memory_space<vmem>>
        %dma_wait3A_62 = tpu.memref_squeeze %dma_wait3A_61 : memref<1x1x80xi32, #tpu.memory_space<vmem>> -> memref<80xi32, #tpu.memory_space<vmem>>
        %dma_wait3A_63 = arith.constant 0 : i32
        %dma_wait3A_64 = arith.constant 0 : i32
        %dma_wait3A_65 = tpu.memref_slice %arg10[%dma_wait3A_63, %dma_wait3A_64] : memref<10240x16xf32, #tpu.memory_space<vmem_shared>> -> memref<10240x16xf32, #tpu.memory_space<vmem_shared>>
        tpu.wait_indirect_dma semaphore(%run_scoped3A_53 : memref<!tpu.dma_semaphore, #tpu.memory_space<semaphore_mem>>) src(%arg15 : memref<80x16xf32, #tpu.memory_space<vmem>>) dst(%dma_wait3A_65 : memref<10240x16xf32, #tpu.memory_space<vmem_shared>>)
        tpu.yield
      }) : () -> ()
    }
    %scan3A_11 = arith.constant 8 : i32
    %run_scoped3A_12 = arith.constant 1 : i32
    "tpu.region"() ({
      %run_scoped3A_45 = tpu.sem_alloc : memref<!tpu.dma_semaphore, #tpu.memory_space<semaphore_mem>>
      %dma_start3A_46 = arith.constant 0 : i32
      %dma_start3A_47 = arith.constant 0 : i32
      %dma_start3A_48 = tpu.memref_slice %arg5[%run_scoped3A_12, %dma_start3A_46, %dma_start3A_47] : memref<2x128x16xf32, #tpu.memory_space<hbm>> -> memref<1x80x16xf32, #tpu.memory_space<hbm>>
      %dma_start3A_49 = tpu.memref_squeeze %dma_start3A_48 : memref<1x80x16xf32, #tpu.memory_space<hbm>> -> memref<80x16xf32, #tpu.memory_space<hbm>>
      %dma_start3A_50 = arith.constant 0 : i32
      %dma_start3A_51 = arith.constant 0 : i32
      %dma_start3A_52 = tpu.memref_slice %arg5[%run_scoped3A_12, %dma_start3A_50, %dma_start3A_51] : memref<2x128x16xf32, #tpu.memory_space<hbm>> -> memref<1x80x16xf32, #tpu.memory_space<hbm>>
      %dma_start3A_53 = tpu.memref_squeeze %dma_start3A_52 : memref<1x80x16xf32, #tpu.memory_space<hbm>> -> memref<80x16xf32, #tpu.memory_space<hbm>>
      tpu.enqueue_dma source(%dma_start3A_53 : memref<80x16xf32, #tpu.memory_space<hbm>>) target(%arg15 : memref<80x16xf32, #tpu.memory_space<vmem>>) target_semaphore(%run_scoped3A_45 : memref<!tpu.dma_semaphore, #tpu.memory_space<semaphore_mem>>)
      %dma_wait3A_54 = arith.constant 0 : i32
      %dma_wait3A_55 = arith.constant 0 : i32
      %dma_wait3A_56 = tpu.memref_slice %arg5[%run_scoped3A_12, %dma_wait3A_54, %dma_wait3A_55] : memref<2x128x16xf32, #tpu.memory_space<hbm>> -> memref<1x80x16xf32, #tpu.memory_space<hbm>>
      %dma_wait3A_57 = tpu.memref_squeeze %dma_wait3A_56 : memref<1x80x16xf32, #tpu.memory_space<hbm>> -> memref<80x16xf32, #tpu.memory_space<hbm>>
      %dma_wait3A_58 = arith.constant 0 : i32
      %dma_wait3A_59 = arith.constant 0 : i32
      %dma_wait3A_60 = tpu.memref_slice %arg5[%run_scoped3A_12, %dma_wait3A_58, %dma_wait3A_59] : memref<2x128x16xf32, #tpu.memory_space<hbm>> -> memref<1x80x16xf32, #tpu.memory_space<hbm>>
      %dma_wait3A_61 = tpu.memref_squeeze %dma_wait3A_60 : memref<1x80x16xf32, #tpu.memory_space<hbm>> -> memref<80x16xf32, #tpu.memory_space<hbm>>
      tpu.wait_dma2 semaphore(%run_scoped3A_45 : memref<!tpu.dma_semaphore, #tpu.memory_space<semaphore_mem>>) src(%dma_wait3A_61 : memref<80x16xf32, #tpu.memory_space<hbm>>) dst(%arg15 : memref<80x16xf32, #tpu.memory_space<vmem>>)
      tpu.yield
    }) : () -> ()
    %barrier3A = arith.constant 0 : index
    tpu.barrier barrier_id(%barrier3A)
    "tpu.region"() ({
      %run_scoped3A_45 = tpu.sem_alloc : memref<!tpu.dma_semaphore, #tpu.memory_space<semaphore_mem>>
      %dma_start3A_46 = arith.constant 0 : i32
      %dma_start3A_47 = arith.constant 0 : i32
      %dma_start3A_48 = arith.constant 0 : i32
      %dma_start3A_49 = tpu.memref_slice %arg3[%add3A, %dma_start3A_46, %dma_start3A_47, %dma_start3A_48] : memref<32x126x2x80xi32, #tpu.memory_space<hbm>> -> memref<1x2x2x80xi32, #tpu.memory_space<hbm>>
      %dma_start3A_50 = tpu.memref_squeeze %dma_start3A_49 : memref<1x2x2x80xi32, #tpu.memory_space<hbm>> -> memref<2x2x80xi32, #tpu.memory_space<hbm>>
      %dma_start3A_51 = arith.constant 0 : i32
      %dma_start3A_52 = arith.constant 0 : i32
      %dma_start3A_53 = arith.constant 0 : i32
      %dma_start3A_54 = tpu.memref_slice %arg3[%add3A, %dma_start3A_51, %dma_start3A_52, %dma_start3A_53] : memref<32x126x2x80xi32, #tpu.memory_space<hbm>> -> memref<1x2x2x80xi32, #tpu.memory_space<hbm>>
      %dma_start3A_55 = tpu.memref_squeeze %dma_start3A_54 : memref<1x2x2x80xi32, #tpu.memory_space<hbm>> -> memref<2x2x80xi32, #tpu.memory_space<hbm>>
      tpu.enqueue_dma source(%dma_start3A_55 : memref<2x2x80xi32, #tpu.memory_space<hbm>>) target(%arg11 : memref<2x2x80xi32, #tpu.memory_space<vmem>>) target_semaphore(%run_scoped3A_45 : memref<!tpu.dma_semaphore, #tpu.memory_space<semaphore_mem>>)
      %dma_wait3A_56 = arith.constant 0 : i32
      %dma_wait3A_57 = arith.constant 0 : i32
      %dma_wait3A_58 = arith.constant 0 : i32
      %dma_wait3A_59 = tpu.memref_slice %arg3[%add3A, %dma_wait3A_56, %dma_wait3A_57, %dma_wait3A_58] : memref<32x126x2x80xi32, #tpu.memory_space<hbm>> -> memref<1x2x2x80xi32, #tpu.memory_space<hbm>>
      %dma_wait3A_60 = tpu.memref_squeeze %dma_wait3A_59 : memref<1x2x2x80xi32, #tpu.memory_space<hbm>> -> memref<2x2x80xi32, #tpu.memory_space<hbm>>
      %dma_wait3A_61 = arith.constant 0 : i32
      %dma_wait3A_62 = arith.constant 0 : i32
      %dma_wait3A_63 = arith.constant 0 : i32
      %dma_wait3A_64 = tpu.memref_slice %arg3[%add3A, %dma_wait3A_61, %dma_wait3A_62, %dma_wait3A_63] : memref<32x126x2x80xi32, #tpu.memory_space<hbm>> -> memref<1x2x2x80xi32, #tpu.memory_space<hbm>>
      %dma_wait3A_65 = tpu.memref_squeeze %dma_wait3A_64 : memref<1x2x2x80xi32, #tpu.memory_space<hbm>> -> memref<2x2x80xi32, #tpu.memory_space<hbm>>
      tpu.wait_dma2 semaphore(%run_scoped3A_45 : memref<!tpu.dma_semaphore, #tpu.memory_space<semaphore_mem>>) src(%dma_wait3A_65 : memref<2x2x80xi32, #tpu.memory_space<hbm>>) dst(%arg11 : memref<2x2x80xi32, #tpu.memory_space<vmem>>)
      tpu.yield
    }) : () -> ()
    %dma_start3A = arith.constant 0 : i32
    %dma_start3A_13 = arith.constant 0 : i32
    %dma_start3A_14 = arith.constant 0 : i32
    %dma_start3A_15 = tpu.memref_slice %arg11[%dma_start3A, %dma_start3A_13, %dma_start3A_14] : memref<2x2x80xi32, #tpu.memory_space<vmem>> -> memref<1x1x80xi32, #tpu.memory_space<vmem>>
    %dma_start3A_16 = tpu.memref_squeeze %dma_start3A_15 : memref<1x1x80xi32, #tpu.memory_space<vmem>> -> memref<80xi32, #tpu.memory_space<vmem>>
    %dma_start3A_17 = arith.constant 0 : i32
    %dma_start3A_18 = arith.constant 0 : i32
    %dma_start3A_19 = tpu.memref_slice %arg2[%dma_start3A_17, %dma_start3A_18] : memref<10240x128xf32, #tpu.memory_space<hbm>> -> memref<10240x128xf32, #tpu.memory_space<hbm>>
    tpu.enqueue_indirect_dma source(%dma_start3A_19 : memref<10240x128xf32, #tpu.memory_space<hbm>>) target(%arg13 : memref<80x128xf32, #tpu.memory_space<vmem>>) offsets(%dma_start3A_16 : memref<80xi32, #tpu.memory_space<vmem>>) semaphore(%arg16 : memref<!tpu.dma_semaphore, #tpu.memory_space<semaphore_mem>>)
    %scan3A_20 = arith.constant 0 : i32
    %scan3A_21 = arith.constant 31 : i32
    %scan3A_22 = arith.addi %scan3A_20, %scan3A_21 : i32
    %scan3A_23 = arith.constant 1 : i32
    scf.for %scan3A_45 = %scan3A_20 to %scan3A_22 step %scan3A_23  : i32 {
      %mul3A_46 = arith.constant 1 : i32
      %mul3A_47 = arith.muli %scan3A_45, %mul3A_46 : i32
      %add3A_48 = arith.constant 0 : i32
      %add3A_49 = arith.addi %add3A_48, %mul3A_47 : i32
      %mul3A_50 = arith.constant 4 : i32
      %mul3A_51 = arith.muli %mul3A_50, %add3A_49 : i32
      %dma_start3A_52 = arith.constant 1 : i32
      %dma_start3A_53 = arith.constant 0 : i32
      %dma_start3A_54 = arith.constant 0 : i32
      %dma_start3A_55 = tpu.memref_slice %arg11[%dma_start3A_52, %dma_start3A_53, %dma_start3A_54] : memref<2x2x80xi32, #tpu.memory_space<vmem>> -> memref<1x1x80xi32, #tpu.memory_space<vmem>>
      %dma_start3A_56 = tpu.memref_squeeze %dma_start3A_55 : memref<1x1x80xi32, #tpu.memory_space<vmem>> -> memref<80xi32, #tpu.memory_space<vmem>>
      %dma_start3A_57 = arith.constant 0 : i32
      %dma_start3A_58 = arith.constant 0 : i32
      %dma_start3A_59 = tpu.memref_slice %arg2[%dma_start3A_57, %dma_start3A_58] : memref<10240x128xf32, #tpu.memory_space<hbm>> -> memref<10240x128xf32, #tpu.memory_space<hbm>>
      tpu.enqueue_indirect_dma source(%dma_start3A_59 : memref<10240x128xf32, #tpu.memory_space<hbm>>) target(%arg14 : memref<80x128xf32, #tpu.memory_space<vmem>>) offsets(%dma_start3A_56 : memref<80xi32, #tpu.memory_space<vmem>>) semaphore(%arg17 : memref<!tpu.dma_semaphore, #tpu.memory_space<semaphore_mem>>)
      %dma_wait3A_60 = arith.constant 0 : i32
      %dma_wait3A_61 = arith.constant 0 : i32
      %dma_wait3A_62 = tpu.memref_slice %arg2[%dma_wait3A_60, %dma_wait3A_61] : memref<10240x128xf32, #tpu.memory_space<hbm>> -> memref<80x128xf32, #tpu.memory_space<hbm>>
      %dma_wait3A_63 = arith.constant 0 : i32
      %dma_wait3A_64 = arith.constant 0 : i32
      %dma_wait3A_65 = tpu.memref_slice %arg2[%dma_wait3A_63, %dma_wait3A_64] : memref<10240x128xf32, #tpu.memory_space<hbm>> -> memref<80x128xf32, #tpu.memory_space<hbm>>
      tpu.wait_dma2 semaphore(%arg16 : memref<!tpu.dma_semaphore, #tpu.memory_space<semaphore_mem>>) src(%dma_wait3A_65 : memref<80x128xf32, #tpu.memory_space<hbm>>) dst(%arg13 : memref<80x128xf32, #tpu.memory_space<vmem>>)
      %run_scoped3A_66 = arith.constant 0 : i32
      %run_scoped3A_67 = arith.constant 1 : i32
      "tpu.region"() ({
        %run_scoped3A_128 = tpu.sem_alloc : memref<!tpu.dma_semaphore, #tpu.memory_space<semaphore_mem>>
        %dma_start3A_129 = arith.constant 0 : i32
        %dma_start3A_130 = tpu.memref_slice %arg11[%run_scoped3A_66, %run_scoped3A_67, %dma_start3A_129] : memref<2x2x80xi32, #tpu.memory_space<vmem>> -> memref<1x1x80xi32, #tpu.memory_space<vmem>>
        %dma_start3A_131 = tpu.memref_squeeze %dma_start3A_130 : memref<1x1x80xi32, #tpu.memory_space<vmem>> -> memref<80xi32, #tpu.memory_space<vmem>>
        %dma_start3A_132 = arith.constant 0 : i32
        %dma_start3A_133 = arith.constant 0 : i32
        %dma_start3A_134 = tpu.memref_slice %arg9[%dma_start3A_132, %dma_start3A_133] : memref<10240x128xf32, #tpu.memory_space<vmem_shared>> -> memref<10240x128xf32, #tpu.memory_space<vmem_shared>>
        tpu.enqueue_indirect_dma source(%arg13 : memref<80x128xf32, #tpu.memory_space<vmem>>) target(%dma_start3A_134 : memref<10240x128xf32, #tpu.memory_space<vmem_shared>>) offsets(%dma_start3A_131 : memref<80xi32, #tpu.memory_space<vmem>>) semaphore(%run_scoped3A_128 : memref<!tpu.dma_semaphore, #tpu.memory_space<semaphore_mem>>) {add = true}
        %dma_wait3A_135 = arith.constant 0 : i32
        %dma_wait3A_136 = tpu.memref_slice %arg11[%run_scoped3A_66, %run_scoped3A_67, %dma_wait3A_135] : memref<2x2x80xi32, #tpu.memory_space<vmem>> -> memref<1x1x80xi32, #tpu.memory_space<vmem>>
        %dma_wait3A_137 = tpu.memref_squeeze %dma_wait3A_136 : memref<1x1x80xi32, #tpu.memory_space<vmem>> -> memref<80xi32, #tpu.memory_space<vmem>>
        %dma_wait3A_138 = arith.constant 0 : i32
        %dma_wait3A_139 = arith.constant 0 : i32
        %dma_wait3A_140 = tpu.memref_slice %arg9[%dma_wait3A_138, %dma_wait3A_139] : memref<10240x128xf32, #tpu.memory_space<vmem_shared>> -> memref<10240x128xf32, #tpu.memory_space<vmem_shared>>
        tpu.wait_indirect_dma semaphore(%run_scoped3A_128 : memref<!tpu.dma_semaphore, #tpu.memory_space<semaphore_mem>>) src(%arg13 : memref<80x128xf32, #tpu.memory_space<vmem>>) dst(%dma_wait3A_140 : memref<10240x128xf32, #tpu.memory_space<vmem_shared>>)
        tpu.yield
      }) : () -> ()
      %run_scoped3A_68 = arith.constant 0 : i32
      %run_scoped3A_69 = arith.constant 1 : i32
      "tpu.region"() ({
        %run_scoped3A_128 = tpu.sem_alloc : memref<!tpu.dma_semaphore, #tpu.memory_space<semaphore_mem>>
        %dma_start3A_129 = arith.constant 0 : i32
        %dma_start3A_130 = tpu.memref_slice %arg11[%run_scoped3A_68, %run_scoped3A_69, %dma_start3A_129] : memref<2x2x80xi32, #tpu.memory_space<vmem>> -> memref<1x1x80xi32, #tpu.memory_space<vmem>>
        %dma_start3A_131 = tpu.memref_squeeze %dma_start3A_130 : memref<1x1x80xi32, #tpu.memory_space<vmem>> -> memref<80xi32, #tpu.memory_space<vmem>>
        %dma_start3A_132 = arith.constant 0 : i32
        %dma_start3A_133 = arith.constant 0 : i32
        %dma_start3A_134 = tpu.memref_slice %arg10[%dma_start3A_132, %dma_start3A_133] : memref<10240x16xf32, #tpu.memory_space<vmem_shared>> -> memref<10240x16xf32, #tpu.memory_space<vmem_shared>>
        tpu.enqueue_indirect_dma source(%arg15 : memref<80x16xf32, #tpu.memory_space<vmem>>) target(%dma_start3A_134 : memref<10240x16xf32, #tpu.memory_space<vmem_shared>>) offsets(%dma_start3A_131 : memref<80xi32, #tpu.memory_space<vmem>>) semaphore(%run_scoped3A_128 : memref<!tpu.dma_semaphore, #tpu.memory_space<semaphore_mem>>) {add = true}
        %dma_wait3A_135 = arith.constant 0 : i32
        %dma_wait3A_136 = tpu.memref_slice %arg11[%run_scoped3A_68, %run_scoped3A_69, %dma_wait3A_135] : memref<2x2x80xi32, #tpu.memory_space<vmem>> -> memref<1x1x80xi32, #tpu.memory_space<vmem>>
        %dma_wait3A_137 = tpu.memref_squeeze %dma_wait3A_136 : memref<1x1x80xi32, #tpu.memory_space<vmem>> -> memref<80xi32, #tpu.memory_space<vmem>>
        %dma_wait3A_138 = arith.constant 0 : i32
        %dma_wait3A_139 = arith.constant 0 : i32
        %dma_wait3A_140 = tpu.memref_slice %arg10[%dma_wait3A_138, %dma_wait3A_139] : memref<10240x16xf32, #tpu.memory_space<vmem_shared>> -> memref<10240x16xf32, #tpu.memory_space<vmem_shared>>
        tpu.wait_indirect_dma semaphore(%run_scoped3A_128 : memref<!tpu.dma_semaphore, #tpu.memory_space<semaphore_mem>>) src(%arg15 : memref<80x16xf32, #tpu.memory_space<vmem>>) dst(%dma_wait3A_140 : memref<10240x16xf32, #tpu.memory_space<vmem_shared>>)
        tpu.yield
      }) : () -> ()
      %add3A_70 = arith.constant 2 : i32
      %add3A_71 = arith.addi %mul3A_51, %add3A_70 : i32
      "tpu.region"() ({
        %run_scoped3A_128 = tpu.sem_alloc : memref<!tpu.dma_semaphore, #tpu.memory_space<semaphore_mem>>
        %dma_start3A_129 = arith.constant 0 : i32
        %dma_start3A_130 = arith.constant 0 : i32
        %dma_start3A_131 = tpu.memref_slice %arg3[%add3A, %add3A_71, %dma_start3A_129, %dma_start3A_130] : memref<32x126x2x80xi32, #tpu.memory_space<hbm>> -> memref<1x2x2x80xi32, #tpu.memory_space<hbm>>
        %dma_start3A_132 = tpu.memref_squeeze %dma_start3A_131 : memref<1x2x2x80xi32, #tpu.memory_space<hbm>> -> memref<2x2x80xi32, #tpu.memory_space<hbm>>
        %dma_start3A_133 = arith.constant 0 : i32
        %dma_start3A_134 = arith.constant 0 : i32
        %dma_start3A_135 = tpu.memref_slice %arg3[%add3A, %add3A_71, %dma_start3A_133, %dma_start3A_134] : memref<32x126x2x80xi32, #tpu.memory_space<hbm>> -> memref<1x2x2x80xi32, #tpu.memory_space<hbm>>
        %dma_start3A_136 = tpu.memref_squeeze %dma_start3A_135 : memref<1x2x2x80xi32, #tpu.memory_space<hbm>> -> memref<2x2x80xi32, #tpu.memory_space<hbm>>
        tpu.enqueue_dma source(%dma_start3A_136 : memref<2x2x80xi32, #tpu.memory_space<hbm>>) target(%arg12 : memref<2x2x80xi32, #tpu.memory_space<vmem>>) target_semaphore(%run_scoped3A_128 : memref<!tpu.dma_semaphore, #tpu.memory_space<semaphore_mem>>)
        %dma_wait3A_137 = arith.constant 0 : i32
        %dma_wait3A_138 = arith.constant 0 : i32
        %dma_wait3A_139 = tpu.memref_slice %arg3[%add3A, %add3A_71, %dma_wait3A_137, %dma_wait3A_138] : memref<32x126x2x80xi32, #tpu.memory_space<hbm>> -> memref<1x2x2x80xi32, #tpu.memory_space<hbm>>
        %dma_wait3A_140 = tpu.memref_squeeze %dma_wait3A_139 : memref<1x2x2x80xi32, #tpu.memory_space<hbm>> -> memref<2x2x80xi32, #tpu.memory_space<hbm>>
        %dma_wait3A_141 = arith.constant 0 : i32
        %dma_wait3A_142 = arith.constant 0 : i32
        %dma_wait3A_143 = tpu.memref_slice %arg3[%add3A, %add3A_71, %dma_wait3A_141, %dma_wait3A_142] : memref<32x126x2x80xi32, #tpu.memory_space<hbm>> -> memref<1x2x2x80xi32, #tpu.memory_space<hbm>>
        %dma_wait3A_144 = tpu.memref_squeeze %dma_wait3A_143 : memref<1x2x2x80xi32, #tpu.memory_space<hbm>> -> memref<2x2x80xi32, #tpu.memory_space<hbm>>
        tpu.wait_dma2 semaphore(%run_scoped3A_128 : memref<!tpu.dma_semaphore, #tpu.memory_space<semaphore_mem>>) src(%dma_wait3A_144 : memref<2x2x80xi32, #tpu.memory_space<hbm>>) dst(%arg12 : memref<2x2x80xi32, #tpu.memory_space<vmem>>)
        tpu.yield
      }) : () -> ()
      %dma_start3A_72 = arith.constant 0 : i32
      %dma_start3A_73 = arith.constant 0 : i32
      %dma_start3A_74 = arith.constant 0 : i32
      %dma_start3A_75 = tpu.memref_slice %arg12[%dma_start3A_72, %dma_start3A_73, %dma_start3A_74] : memref<2x2x80xi32, #tpu.memory_space<vmem>> -> memref<1x1x80xi32, #tpu.memory_space<vmem>>
      %dma_start3A_76 = tpu.memref_squeeze %dma_start3A_75 : memref<1x1x80xi32, #tpu.memory_space<vmem>> -> memref<80xi32, #tpu.memory_space<vmem>>
      %dma_start3A_77 = arith.constant 0 : i32
      %dma_start3A_78 = arith.constant 0 : i32
      %dma_start3A_79 = tpu.memref_slice %arg2[%dma_start3A_77, %dma_start3A_78] : memref<10240x128xf32, #tpu.memory_space<hbm>> -> memref<10240x128xf32, #tpu.memory_space<hbm>>
      tpu.enqueue_indirect_dma source(%dma_start3A_79 : memref<10240x128xf32, #tpu.memory_space<hbm>>) target(%arg13 : memref<80x128xf32, #tpu.memory_space<vmem>>) offsets(%dma_start3A_76 : memref<80xi32, #tpu.memory_space<vmem>>) semaphore(%arg16 : memref<!tpu.dma_semaphore, #tpu.memory_space<semaphore_mem>>)
      %dma_wait3A_80 = arith.constant 0 : i32
      %dma_wait3A_81 = arith.constant 0 : i32
      %dma_wait3A_82 = tpu.memref_slice %arg2[%dma_wait3A_80, %dma_wait3A_81] : memref<10240x128xf32, #tpu.memory_space<hbm>> -> memref<80x128xf32, #tpu.memory_space<hbm>>
      %dma_wait3A_83 = arith.constant 0 : i32
      %dma_wait3A_84 = arith.constant 0 : i32
      %dma_wait3A_85 = tpu.memref_slice %arg2[%dma_wait3A_83, %dma_wait3A_84] : memref<10240x128xf32, #tpu.memory_space<hbm>> -> memref<80x128xf32, #tpu.memory_space<hbm>>
      tpu.wait_dma2 semaphore(%arg17 : memref<!tpu.dma_semaphore, #tpu.memory_space<semaphore_mem>>) src(%dma_wait3A_85 : memref<80x128xf32, #tpu.memory_space<hbm>>) dst(%arg14 : memref<80x128xf32, #tpu.memory_space<vmem>>)
      %run_scoped3A_86 = arith.constant 1 : i32
      %run_scoped3A_87 = arith.constant 1 : i32
      "tpu.region"() ({
        %run_scoped3A_128 = tpu.sem_alloc : memref<!tpu.dma_semaphore, #tpu.memory_space<semaphore_mem>>
        %dma_start3A_129 = arith.constant 0 : i32
        %dma_start3A_130 = tpu.memref_slice %arg11[%run_scoped3A_86, %run_scoped3A_87, %dma_start3A_129] : memref<2x2x80xi32, #tpu.memory_space<vmem>> -> memref<1x1x80xi32, #tpu.memory_space<vmem>>
        %dma_start3A_131 = tpu.memref_squeeze %dma_start3A_130 : memref<1x1x80xi32, #tpu.memory_space<vmem>> -> memref<80xi32, #tpu.memory_space<vmem>>
        %dma_start3A_132 = arith.constant 0 : i32
        %dma_start3A_133 = arith.constant 0 : i32
        %dma_start3A_134 = tpu.memref_slice %arg9[%dma_start3A_132, %dma_start3A_133] : memref<10240x128xf32, #tpu.memory_space<vmem_shared>> -> memref<10240x128xf32, #tpu.memory_space<vmem_shared>>
        tpu.enqueue_indirect_dma source(%arg14 : memref<80x128xf32, #tpu.memory_space<vmem>>) target(%dma_start3A_134 : memref<10240x128xf32, #tpu.memory_space<vmem_shared>>) offsets(%dma_start3A_131 : memref<80xi32, #tpu.memory_space<vmem>>) semaphore(%run_scoped3A_128 : memref<!tpu.dma_semaphore, #tpu.memory_space<semaphore_mem>>) {add = true}
        %dma_wait3A_135 = arith.constant 0 : i32
        %dma_wait3A_136 = tpu.memref_slice %arg11[%run_scoped3A_86, %run_scoped3A_87, %dma_wait3A_135] : memref<2x2x80xi32, #tpu.memory_space<vmem>> -> memref<1x1x80xi32, #tpu.memory_space<vmem>>
        %dma_wait3A_137 = tpu.memref_squeeze %dma_wait3A_136 : memref<1x1x80xi32, #tpu.memory_space<vmem>> -> memref<80xi32, #tpu.memory_space<vmem>>
        %dma_wait3A_138 = arith.constant 0 : i32
        %dma_wait3A_139 = arith.constant 0 : i32
        %dma_wait3A_140 = tpu.memref_slice %arg9[%dma_wait3A_138, %dma_wait3A_139] : memref<10240x128xf32, #tpu.memory_space<vmem_shared>> -> memref<10240x128xf32, #tpu.memory_space<vmem_shared>>
        tpu.wait_indirect_dma semaphore(%run_scoped3A_128 : memref<!tpu.dma_semaphore, #tpu.memory_space<semaphore_mem>>) src(%arg14 : memref<80x128xf32, #tpu.memory_space<vmem>>) dst(%dma_wait3A_140 : memref<10240x128xf32, #tpu.memory_space<vmem_shared>>)
        tpu.yield
      }) : () -> ()
      %run_scoped3A_88 = arith.constant 1 : i32
      %run_scoped3A_89 = arith.constant 1 : i32
      "tpu.region"() ({
        %run_scoped3A_128 = tpu.sem_alloc : memref<!tpu.dma_semaphore, #tpu.memory_space<semaphore_mem>>
        %dma_start3A_129 = arith.constant 0 : i32
        %dma_start3A_130 = tpu.memref_slice %arg11[%run_scoped3A_88, %run_scoped3A_89, %dma_start3A_129] : memref<2x2x80xi32, #tpu.memory_space<vmem>> -> memref<1x1x80xi32, #tpu.memory_space<vmem>>
        %dma_start3A_131 = tpu.memref_squeeze %dma_start3A_130 : memref<1x1x80xi32, #tpu.memory_space<vmem>> -> memref<80xi32, #tpu.memory_space<vmem>>
        %dma_start3A_132 = arith.constant 0 : i32
        %dma_start3A_133 = arith.constant 0 : i32
        %dma_start3A_134 = tpu.memref_slice %arg10[%dma_start3A_132, %dma_start3A_133] : memref<10240x16xf32, #tpu.memory_space<vmem_shared>> -> memref<10240x16xf32, #tpu.memory_space<vmem_shared>>
        tpu.enqueue_indirect_dma source(%arg15 : memref<80x16xf32, #tpu.memory_space<vmem>>) target(%dma_start3A_134 : memref<10240x16xf32, #tpu.memory_space<vmem_shared>>) offsets(%dma_start3A_131 : memref<80xi32, #tpu.memory_space<vmem>>) semaphore(%run_scoped3A_128 : memref<!tpu.dma_semaphore, #tpu.memory_space<semaphore_mem>>) {add = true}
        %dma_wait3A_135 = arith.constant 0 : i32
        %dma_wait3A_136 = tpu.memref_slice %arg11[%run_scoped3A_88, %run_scoped3A_89, %dma_wait3A_135] : memref<2x2x80xi32, #tpu.memory_space<vmem>> -> memref<1x1x80xi32, #tpu.memory_space<vmem>>
        %dma_wait3A_137 = tpu.memref_squeeze %dma_wait3A_136 : memref<1x1x80xi32, #tpu.memory_space<vmem>> -> memref<80xi32, #tpu.memory_space<vmem>>
        %dma_wait3A_138 = arith.constant 0 : i32
        %dma_wait3A_139 = arith.constant 0 : i32
        %dma_wait3A_140 = tpu.memref_slice %arg10[%dma_wait3A_138, %dma_wait3A_139] : memref<10240x16xf32, #tpu.memory_space<vmem_shared>> -> memref<10240x16xf32, #tpu.memory_space<vmem_shared>>
        tpu.wait_indirect_dma semaphore(%run_scoped3A_128 : memref<!tpu.dma_semaphore, #tpu.memory_space<semaphore_mem>>) src(%arg15 : memref<80x16xf32, #tpu.memory_space<vmem>>) dst(%dma_wait3A_140 : memref<10240x16xf32, #tpu.memory_space<vmem_shared>>)
        tpu.yield
      }) : () -> ()
      %dma_start3A_90 = arith.constant 1 : i32
      %dma_start3A_91 = arith.constant 0 : i32
      %dma_start3A_92 = arith.constant 0 : i32
      %dma_start3A_93 = tpu.memref_slice %arg12[%dma_start3A_90, %dma_start3A_91, %dma_start3A_92] : memref<2x2x80xi32, #tpu.memory_space<vmem>> -> memref<1x1x80xi32, #tpu.memory_space<vmem>>
      %dma_start3A_94 = tpu.memref_squeeze %dma_start3A_93 : memref<1x1x80xi32, #tpu.memory_space<vmem>> -> memref<80xi32, #tpu.memory_space<vmem>>
      %dma_start3A_95 = arith.constant 0 : i32
      %dma_start3A_96 = arith.constant 0 : i32
      %dma_start3A_97 = tpu.memref_slice %arg2[%dma_start3A_95, %dma_start3A_96] : memref<10240x128xf32, #tpu.memory_space<hbm>> -> memref<10240x128xf32, #tpu.memory_space<hbm>>
      tpu.enqueue_indirect_dma source(%dma_start3A_97 : memref<10240x128xf32, #tpu.memory_space<hbm>>) target(%arg14 : memref<80x128xf32, #tpu.memory_space<vmem>>) offsets(%dma_start3A_94 : memref<80xi32, #tpu.memory_space<vmem>>) semaphore(%arg17 : memref<!tpu.dma_semaphore, #tpu.memory_space<semaphore_mem>>)
      %dma_wait3A_98 = arith.constant 0 : i32
      %dma_wait3A_99 = arith.constant 0 : i32
      %dma_wait3A_100 = tpu.memref_slice %arg2[%dma_wait3A_98, %dma_wait3A_99] : memref<10240x128xf32, #tpu.memory_space<hbm>> -> memref<80x128xf32, #tpu.memory_space<hbm>>
      %dma_wait3A_101 = arith.constant 0 : i32
      %dma_wait3A_102 = arith.constant 0 : i32
      %dma_wait3A_103 = tpu.memref_slice %arg2[%dma_wait3A_101, %dma_wait3A_102] : memref<10240x128xf32, #tpu.memory_space<hbm>> -> memref<80x128xf32, #tpu.memory_space<hbm>>
      tpu.wait_dma2 semaphore(%arg16 : memref<!tpu.dma_semaphore, #tpu.memory_space<semaphore_mem>>) src(%dma_wait3A_103 : memref<80x128xf32, #tpu.memory_space<hbm>>) dst(%arg13 : memref<80x128xf32, #tpu.memory_space<vmem>>)
      %run_scoped3A_104 = arith.constant 0 : i32
      %run_scoped3A_105 = arith.constant 1 : i32
      "tpu.region"() ({
        %run_scoped3A_128 = tpu.sem_alloc : memref<!tpu.dma_semaphore, #tpu.memory_space<semaphore_mem>>
        %dma_start3A_129 = arith.constant 0 : i32
        %dma_start3A_130 = tpu.memref_slice %arg12[%run_scoped3A_104, %run_scoped3A_105, %dma_start3A_129] : memref<2x2x80xi32, #tpu.memory_space<vmem>> -> memref<1x1x80xi32, #tpu.memory_space<vmem>>
        %dma_start3A_131 = tpu.memref_squeeze %dma_start3A_130 : memref<1x1x80xi32, #tpu.memory_space<vmem>> -> memref<80xi32, #tpu.memory_space<vmem>>
        %dma_start3A_132 = arith.constant 0 : i32
        %dma_start3A_133 = arith.constant 0 : i32
        %dma_start3A_134 = tpu.memref_slice %arg9[%dma_start3A_132, %dma_start3A_133] : memref<10240x128xf32, #tpu.memory_space<vmem_shared>> -> memref<10240x128xf32, #tpu.memory_space<vmem_shared>>
        tpu.enqueue_indirect_dma source(%arg13 : memref<80x128xf32, #tpu.memory_space<vmem>>) target(%dma_start3A_134 : memref<10240x128xf32, #tpu.memory_space<vmem_shared>>) offsets(%dma_start3A_131 : memref<80xi32, #tpu.memory_space<vmem>>) semaphore(%run_scoped3A_128 : memref<!tpu.dma_semaphore, #tpu.memory_space<semaphore_mem>>) {add = true}
        %dma_wait3A_135 = arith.constant 0 : i32
        %dma_wait3A_136 = tpu.memref_slice %arg12[%run_scoped3A_104, %run_scoped3A_105, %dma_wait3A_135] : memref<2x2x80xi32, #tpu.memory_space<vmem>> -> memref<1x1x80xi32, #tpu.memory_space<vmem>>
        %dma_wait3A_137 = tpu.memref_squeeze %dma_wait3A_136 : memref<1x1x80xi32, #tpu.memory_space<vmem>> -> memref<80xi32, #tpu.memory_space<vmem>>
        %dma_wait3A_138 = arith.constant 0 : i32
        %dma_wait3A_139 = arith.constant 0 : i32
        %dma_wait3A_140 = tpu.memref_slice %arg9[%dma_wait3A_138, %dma_wait3A_139] : memref<10240x128xf32, #tpu.memory_space<vmem_shared>> -> memref<10240x128xf32, #tpu.memory_space<vmem_shared>>
        tpu.wait_indirect_dma semaphore(%run_scoped3A_128 : memref<!tpu.dma_semaphore, #tpu.memory_space<semaphore_mem>>) src(%arg13 : memref<80x128xf32, #tpu.memory_space<vmem>>) dst(%dma_wait3A_140 : memref<10240x128xf32, #tpu.memory_space<vmem_shared>>)
        tpu.yield
      }) : () -> ()
      %run_scoped3A_106 = arith.constant 0 : i32
      %run_scoped3A_107 = arith.constant 1 : i32
      "tpu.region"() ({
        %run_scoped3A_128 = tpu.sem_alloc : memref<!tpu.dma_semaphore, #tpu.memory_space<semaphore_mem>>
        %dma_start3A_129 = arith.constant 0 : i32
        %dma_start3A_130 = tpu.memref_slice %arg12[%run_scoped3A_106, %run_scoped3A_107, %dma_start3A_129] : memref<2x2x80xi32, #tpu.memory_space<vmem>> -> memref<1x1x80xi32, #tpu.memory_space<vmem>>
        %dma_start3A_131 = tpu.memref_squeeze %dma_start3A_130 : memref<1x1x80xi32, #tpu.memory_space<vmem>> -> memref<80xi32, #tpu.memory_space<vmem>>
        %dma_start3A_132 = arith.constant 0 : i32
        %dma_start3A_133 = arith.constant 0 : i32
        %dma_start3A_134 = tpu.memref_slice %arg10[%dma_start3A_132, %dma_start3A_133] : memref<10240x16xf32, #tpu.memory_space<vmem_shared>> -> memref<10240x16xf32, #tpu.memory_space<vmem_shared>>
        tpu.enqueue_indirect_dma source(%arg15 : memref<80x16xf32, #tpu.memory_space<vmem>>) target(%dma_start3A_134 : memref<10240x16xf32, #tpu.memory_space<vmem_shared>>) offsets(%dma_start3A_131 : memref<80xi32, #tpu.memory_space<vmem>>) semaphore(%run_scoped3A_128 : memref<!tpu.dma_semaphore, #tpu.memory_space<semaphore_mem>>) {add = true}
        %dma_wait3A_135 = arith.constant 0 : i32
        %dma_wait3A_136 = tpu.memref_slice %arg12[%run_scoped3A_106, %run_scoped3A_107, %dma_wait3A_135] : memref<2x2x80xi32, #tpu.memory_space<vmem>> -> memref<1x1x80xi32, #tpu.memory_space<vmem>>
        %dma_wait3A_137 = tpu.memref_squeeze %dma_wait3A_136 : memref<1x1x80xi32, #tpu.memory_space<vmem>> -> memref<80xi32, #tpu.memory_space<vmem>>
        %dma_wait3A_138 = arith.constant 0 : i32
        %dma_wait3A_139 = arith.constant 0 : i32
        %dma_wait3A_140 = tpu.memref_slice %arg10[%dma_wait3A_138, %dma_wait3A_139] : memref<10240x16xf32, #tpu.memory_space<vmem_shared>> -> memref<10240x16xf32, #tpu.memory_space<vmem_shared>>
        tpu.wait_indirect_dma semaphore(%run_scoped3A_128 : memref<!tpu.dma_semaphore, #tpu.memory_space<semaphore_mem>>) src(%arg15 : memref<80x16xf32, #tpu.memory_space<vmem>>) dst(%dma_wait3A_140 : memref<10240x16xf32, #tpu.memory_space<vmem_shared>>)
        tpu.yield
      }) : () -> ()
      %add3A_108 = arith.constant 4 : i32
      %add3A_109 = arith.addi %mul3A_51, %add3A_108 : i32
      "tpu.region"() ({
        %run_scoped3A_128 = tpu.sem_alloc : memref<!tpu.dma_semaphore, #tpu.memory_space<semaphore_mem>>
        %dma_start3A_129 = arith.constant 0 : i32
        %dma_start3A_130 = arith.constant 0 : i32
        %dma_start3A_131 = tpu.memref_slice %arg3[%add3A, %add3A_109, %dma_start3A_129, %dma_start3A_130] : memref<32x126x2x80xi32, #tpu.memory_space<hbm>> -> memref<1x2x2x80xi32, #tpu.memory_space<hbm>>
        %dma_start3A_132 = tpu.memref_squeeze %dma_start3A_131 : memref<1x2x2x80xi32, #tpu.memory_space<hbm>> -> memref<2x2x80xi32, #tpu.memory_space<hbm>>
        %dma_start3A_133 = arith.constant 0 : i32
        %dma_start3A_134 = arith.constant 0 : i32
        %dma_start3A_135 = tpu.memref_slice %arg3[%add3A, %add3A_109, %dma_start3A_133, %dma_start3A_134] : memref<32x126x2x80xi32, #tpu.memory_space<hbm>> -> memref<1x2x2x80xi32, #tpu.memory_space<hbm>>
        %dma_start3A_136 = tpu.memref_squeeze %dma_start3A_135 : memref<1x2x2x80xi32, #tpu.memory_space<hbm>> -> memref<2x2x80xi32, #tpu.memory_space<hbm>>
        tpu.enqueue_dma source(%dma_start3A_136 : memref<2x2x80xi32, #tpu.memory_space<hbm>>) target(%arg11 : memref<2x2x80xi32, #tpu.memory_space<vmem>>) target_semaphore(%run_scoped3A_128 : memref<!tpu.dma_semaphore, #tpu.memory_space<semaphore_mem>>)
        %dma_wait3A_137 = arith.constant 0 : i32
        %dma_wait3A_138 = arith.constant 0 : i32
        %dma_wait3A_139 = tpu.memref_slice %arg3[%add3A, %add3A_109, %dma_wait3A_137, %dma_wait3A_138] : memref<32x126x2x80xi32, #tpu.memory_space<hbm>> -> memref<1x2x2x80xi32, #tpu.memory_space<hbm>>
        %dma_wait3A_140 = tpu.memref_squeeze %dma_wait3A_139 : memref<1x2x2x80xi32, #tpu.memory_space<hbm>> -> memref<2x2x80xi32, #tpu.memory_space<hbm>>
        %dma_wait3A_141 = arith.constant 0 : i32
        %dma_wait3A_142 = arith.constant 0 : i32
        %dma_wait3A_143 = tpu.memref_slice %arg3[%add3A, %add3A_109, %dma_wait3A_141, %dma_wait3A_142] : memref<32x126x2x80xi32, #tpu.memory_space<hbm>> -> memref<1x2x2x80xi32, #tpu.memory_space<hbm>>
        %dma_wait3A_144 = tpu.memref_squeeze %dma_wait3A_143 : memref<1x2x2x80xi32, #tpu.memory_space<hbm>> -> memref<2x2x80xi32, #tpu.memory_space<hbm>>
        tpu.wait_dma2 semaphore(%run_scoped3A_128 : memref<!tpu.dma_semaphore, #tpu.memory_space<semaphore_mem>>) src(%dma_wait3A_144 : memref<2x2x80xi32, #tpu.memory_space<hbm>>) dst(%arg11 : memref<2x2x80xi32, #tpu.memory_space<vmem>>)
        tpu.yield
      }) : () -> ()
      %dma_start3A_110 = arith.constant 0 : i32
      %dma_start3A_111 = arith.constant 0 : i32
      %dma_start3A_112 = arith.constant 0 : i32
      %dma_start3A_113 = tpu.memref_slice %arg11[%dma_start3A_110, %dma_start3A_111, %dma_start3A_112] : memref<2x2x80xi32, #tpu.memory_space<vmem>> -> memref<1x1x80xi32, #tpu.memory_space<vmem>>
      %dma_start3A_114 = tpu.memref_squeeze %dma_start3A_113 : memref<1x1x80xi32, #tpu.memory_space<vmem>> -> memref<80xi32, #tpu.memory_space<vmem>>
      %dma_start3A_115 = arith.constant 0 : i32
      %dma_start3A_116 = arith.constant 0 : i32
      %dma_start3A_117 = tpu.memref_slice %arg2[%dma_start3A_115, %dma_start3A_116] : memref<10240x128xf32, #tpu.memory_space<hbm>> -> memref<10240x128xf32, #tpu.memory_space<hbm>>
      tpu.enqueue_indirect_dma source(%dma_start3A_117 : memref<10240x128xf32, #tpu.memory_space<hbm>>) target(%arg13 : memref<80x128xf32, #tpu.memory_space<vmem>>) offsets(%dma_start3A_114 : memref<80xi32, #tpu.memory_space<vmem>>) semaphore(%arg16 : memref<!tpu.dma_semaphore, #tpu.memory_space<semaphore_mem>>)
      %dma_wait3A_118 = arith.constant 0 : i32
      %dma_wait3A_119 = arith.constant 0 : i32
      %dma_wait3A_120 = tpu.memref_slice %arg2[%dma_wait3A_118, %dma_wait3A_119] : memref<10240x128xf32, #tpu.memory_space<hbm>> -> memref<80x128xf32, #tpu.memory_space<hbm>>
      %dma_wait3A_121 = arith.constant 0 : i32
      %dma_wait3A_122 = arith.constant 0 : i32
      %dma_wait3A_123 = tpu.memref_slice %arg2[%dma_wait3A_121, %dma_wait3A_122] : memref<10240x128xf32, #tpu.memory_space<hbm>> -> memref<80x128xf32, #tpu.memory_space<hbm>>
      tpu.wait_dma2 semaphore(%arg17 : memref<!tpu.dma_semaphore, #tpu.memory_space<semaphore_mem>>) src(%dma_wait3A_123 : memref<80x128xf32, #tpu.memory_space<hbm>>) dst(%arg14 : memref<80x128xf32, #tpu.memory_space<vmem>>)
      %run_scoped3A_124 = arith.constant 1 : i32
      %run_scoped3A_125 = arith.constant 1 : i32
      "tpu.region"() ({
        %run_scoped3A_128 = tpu.sem_alloc : memref<!tpu.dma_semaphore, #tpu.memory_space<semaphore_mem>>
        %dma_start3A_129 = arith.constant 0 : i32
        %dma_start3A_130 = tpu.memref_slice %arg12[%run_scoped3A_124, %run_scoped3A_125, %dma_start3A_129] : memref<2x2x80xi32, #tpu.memory_space<vmem>> -> memref<1x1x80xi32, #tpu.memory_space<vmem>>
        %dma_start3A_131 = tpu.memref_squeeze %dma_start3A_130 : memref<1x1x80xi32, #tpu.memory_space<vmem>> -> memref<80xi32, #tpu.memory_space<vmem>>
        %dma_start3A_132 = arith.constant 0 : i32
        %dma_start3A_133 = arith.constant 0 : i32
        %dma_start3A_134 = tpu.memref_slice %arg9[%dma_start3A_132, %dma_start3A_133] : memref<10240x128xf32, #tpu.memory_space<vmem_shared>> -> memref<10240x128xf32, #tpu.memory_space<vmem_shared>>
        tpu.enqueue_indirect_dma source(%arg14 : memref<80x128xf32, #tpu.memory_space<vmem>>) target(%dma_start3A_134 : memref<10240x128xf32, #tpu.memory_space<vmem_shared>>) offsets(%dma_start3A_131 : memref<80xi32, #tpu.memory_space<vmem>>) semaphore(%run_scoped3A_128 : memref<!tpu.dma_semaphore, #tpu.memory_space<semaphore_mem>>) {add = true}
        %dma_wait3A_135 = arith.constant 0 : i32
        %dma_wait3A_136 = tpu.memref_slice %arg12[%run_scoped3A_124, %run_scoped3A_125, %dma_wait3A_135] : memref<2x2x80xi32, #tpu.memory_space<vmem>> -> memref<1x1x80xi32, #tpu.memory_space<vmem>>
        %dma_wait3A_137 = tpu.memref_squeeze %dma_wait3A_136 : memref<1x1x80xi32, #tpu.memory_space<vmem>> -> memref<80xi32, #tpu.memory_space<vmem>>
        %dma_wait3A_138 = arith.constant 0 : i32
        %dma_wait3A_139 = arith.constant 0 : i32
        %dma_wait3A_140 = tpu.memref_slice %arg9[%dma_wait3A_138, %dma_wait3A_139] : memref<10240x128xf32, #tpu.memory_space<vmem_shared>> -> memref<10240x128xf32, #tpu.memory_space<vmem_shared>>
        tpu.wait_indirect_dma semaphore(%run_scoped3A_128 : memref<!tpu.dma_semaphore, #tpu.memory_space<semaphore_mem>>) src(%arg14 : memref<80x128xf32, #tpu.memory_space<vmem>>) dst(%dma_wait3A_140 : memref<10240x128xf32, #tpu.memory_space<vmem_shared>>)
        tpu.yield
      }) : () -> ()
      %run_scoped3A_126 = arith.constant 1 : i32
      %run_scoped3A_127 = arith.constant 1 : i32
      "tpu.region"() ({
        %run_scoped3A_128 = tpu.sem_alloc : memref<!tpu.dma_semaphore, #tpu.memory_space<semaphore_mem>>
        %dma_start3A_129 = arith.constant 0 : i32
        %dma_start3A_130 = tpu.memref_slice %arg12[%run_scoped3A_126, %run_scoped3A_127, %dma_start3A_129] : memref<2x2x80xi32, #tpu.memory_space<vmem>> -> memref<1x1x80xi32, #tpu.memory_space<vmem>>
        %dma_start3A_131 = tpu.memref_squeeze %dma_start3A_130 : memref<1x1x80xi32, #tpu.memory_space<vmem>> -> memref<80xi32, #tpu.memory_space<vmem>>
        %dma_start3A_132 = arith.constant 0 : i32
        %dma_start3A_133 = arith.constant 0 : i32
        %dma_start3A_134 = tpu.memref_slice %arg10[%dma_start3A_132, %dma_start3A_133] : memref<10240x16xf32, #tpu.memory_space<vmem_shared>> -> memref<10240x16xf32, #tpu.memory_space<vmem_shared>>
        tpu.enqueue_indirect_dma source(%arg15 : memref<80x16xf32, #tpu.memory_space<vmem>>) target(%dma_start3A_134 : memref<10240x16xf32, #tpu.memory_space<vmem_shared>>) offsets(%dma_start3A_131 : memref<80xi32, #tpu.memory_space<vmem>>) semaphore(%run_scoped3A_128 : memref<!tpu.dma_semaphore, #tpu.memory_space<semaphore_mem>>) {add = true}
        %dma_wait3A_135 = arith.constant 0 : i32
        %dma_wait3A_136 = tpu.memref_slice %arg12[%run_scoped3A_126, %run_scoped3A_127, %dma_wait3A_135] : memref<2x2x80xi32, #tpu.memory_space<vmem>> -> memref<1x1x80xi32, #tpu.memory_space<vmem>>
        %dma_wait3A_137 = tpu.memref_squeeze %dma_wait3A_136 : memref<1x1x80xi32, #tpu.memory_space<vmem>> -> memref<80xi32, #tpu.memory_space<vmem>>
        %dma_wait3A_138 = arith.constant 0 : i32
        %dma_wait3A_139 = arith.constant 0 : i32
        %dma_wait3A_140 = tpu.memref_slice %arg10[%dma_wait3A_138, %dma_wait3A_139] : memref<10240x16xf32, #tpu.memory_space<vmem_shared>> -> memref<10240x16xf32, #tpu.memory_space<vmem_shared>>
        tpu.wait_indirect_dma semaphore(%run_scoped3A_128 : memref<!tpu.dma_semaphore, #tpu.memory_space<semaphore_mem>>) src(%arg15 : memref<80x16xf32, #tpu.memory_space<vmem>>) dst(%dma_wait3A_140 : memref<10240x16xf32, #tpu.memory_space<vmem_shared>>)
        tpu.yield
      }) : () -> ()
    }
    %scan3A_24 = arith.constant 31 : i32
    %dma_wait3A = arith.constant 0 : i32
    %dma_wait3A_25 = arith.constant 0 : i32
    %dma_wait3A_26 = tpu.memref_slice %arg2[%dma_wait3A, %dma_wait3A_25] : memref<10240x128xf32, #tpu.memory_space<hbm>> -> memref<80x128xf32, #tpu.memory_space<hbm>>
    %dma_wait3A_27 = arith.constant 0 : i32
    %dma_wait3A_28 = arith.constant 0 : i32
    %dma_wait3A_29 = tpu.memref_slice %arg2[%dma_wait3A_27, %dma_wait3A_28] : memref<10240x128xf32, #tpu.memory_space<hbm>> -> memref<80x128xf32, #tpu.memory_space<hbm>>
    tpu.wait_dma2 semaphore(%arg16 : memref<!tpu.dma_semaphore, #tpu.memory_space<semaphore_mem>>) src(%dma_wait3A_29 : memref<80x128xf32, #tpu.memory_space<hbm>>) dst(%arg13 : memref<80x128xf32, #tpu.memory_space<vmem>>)
    %run_scoped3A_30 = arith.constant 0 : i32
    %run_scoped3A_31 = arith.constant 1 : i32
    "tpu.region"() ({
      %run_scoped3A_45 = tpu.sem_alloc : memref<!tpu.dma_semaphore, #tpu.memory_space<semaphore_mem>>
      %dma_start3A_46 = arith.constant 0 : i32
      %dma_start3A_47 = tpu.memref_slice %arg11[%run_scoped3A_30, %run_scoped3A_31, %dma_start3A_46] : memref<2x2x80xi32, #tpu.memory_space<vmem>> -> memref<1x1x80xi32, #tpu.memory_space<vmem>>
      %dma_start3A_48 = tpu.memref_squeeze %dma_start3A_47 : memref<1x1x80xi32, #tpu.memory_space<vmem>> -> memref<80xi32, #tpu.memory_space<vmem>>
      %dma_start3A_49 = arith.constant 0 : i32
      %dma_start3A_50 = arith.constant 0 : i32
      %dma_start3A_51 = tpu.memref_slice %arg9[%dma_start3A_49, %dma_start3A_50] : memref<10240x128xf32, #tpu.memory_space<vmem_shared>> -> memref<10240x128xf32, #tpu.memory_space<vmem_shared>>
      tpu.enqueue_indirect_dma source(%arg13 : memref<80x128xf32, #tpu.memory_space<vmem>>) target(%dma_start3A_51 : memref<10240x128xf32, #tpu.memory_space<vmem_shared>>) offsets(%dma_start3A_48 : memref<80xi32, #tpu.memory_space<vmem>>) semaphore(%run_scoped3A_45 : memref<!tpu.dma_semaphore, #tpu.memory_space<semaphore_mem>>) {add = true}
      %dma_wait3A_52 = arith.constant 0 : i32
      %dma_wait3A_53 = tpu.memref_slice %arg11[%run_scoped3A_30, %run_scoped3A_31, %dma_wait3A_52] : memref<2x2x80xi32, #tpu.memory_space<vmem>> -> memref<1x1x80xi32, #tpu.memory_space<vmem>>
      %dma_wait3A_54 = tpu.memref_squeeze %dma_wait3A_53 : memref<1x1x80xi32, #tpu.memory_space<vmem>> -> memref<80xi32, #tpu.memory_space<vmem>>
      %dma_wait3A_55 = arith.constant 0 : i32
      %dma_wait3A_56 = arith.constant 0 : i32
      %dma_wait3A_57 = tpu.memref_slice %arg9[%dma_wait3A_55, %dma_wait3A_56] : memref<10240x128xf32, #tpu.memory_space<vmem_shared>> -> memref<10240x128xf32, #tpu.memory_space<vmem_shared>>
      tpu.wait_indirect_dma semaphore(%run_scoped3A_45 : memref<!tpu.dma_semaphore, #tpu.memory_space<semaphore_mem>>) src(%arg13 : memref<80x128xf32, #tpu.memory_space<vmem>>) dst(%dma_wait3A_57 : memref<10240x128xf32, #tpu.memory_space<vmem_shared>>)
      tpu.yield
    }) : () -> ()
    %run_scoped3A_32 = arith.constant 0 : i32
    %run_scoped3A_33 = arith.constant 1 : i32
    "tpu.region"() ({
      %run_scoped3A_45 = tpu.sem_alloc : memref<!tpu.dma_semaphore, #tpu.memory_space<semaphore_mem>>
      %dma_start3A_46 = arith.constant 0 : i32
      %dma_start3A_47 = tpu.memref_slice %arg11[%run_scoped3A_32, %run_scoped3A_33, %dma_start3A_46] : memref<2x2x80xi32, #tpu.memory_space<vmem>> -> memref<1x1x80xi32, #tpu.memory_space<vmem>>
      %dma_start3A_48 = tpu.memref_squeeze %dma_start3A_47 : memref<1x1x80xi32, #tpu.memory_space<vmem>> -> memref<80xi32, #tpu.memory_space<vmem>>
      %dma_start3A_49 = arith.constant 0 : i32
      %dma_start3A_50 = arith.constant 0 : i32
      %dma_start3A_51 = tpu.memref_slice %arg10[%dma_start3A_49, %dma_start3A_50] : memref<10240x16xf32, #tpu.memory_space<vmem_shared>> -> memref<10240x16xf32, #tpu.memory_space<vmem_shared>>
      tpu.enqueue_indirect_dma source(%arg15 : memref<80x16xf32, #tpu.memory_space<vmem>>) target(%dma_start3A_51 : memref<10240x16xf32, #tpu.memory_space<vmem_shared>>) offsets(%dma_start3A_48 : memref<80xi32, #tpu.memory_space<vmem>>) semaphore(%run_scoped3A_45 : memref<!tpu.dma_semaphore, #tpu.memory_space<semaphore_mem>>) {add = true}
      %dma_wait3A_52 = arith.constant 0 : i32
      %dma_wait3A_53 = tpu.memref_slice %arg11[%run_scoped3A_32, %run_scoped3A_33, %dma_wait3A_52] : memref<2x2x80xi32, #tpu.memory_space<vmem>> -> memref<1x1x80xi32, #tpu.memory_space<vmem>>
      %dma_wait3A_54 = tpu.memref_squeeze %dma_wait3A_53 : memref<1x1x80xi32, #tpu.memory_space<vmem>> -> memref<80xi32, #tpu.memory_space<vmem>>
      %dma_wait3A_55 = arith.constant 0 : i32
      %dma_wait3A_56 = arith.constant 0 : i32
      %dma_wait3A_57 = tpu.memref_slice %arg10[%dma_wait3A_55, %dma_wait3A_56] : memref<10240x16xf32, #tpu.memory_space<vmem_shared>> -> memref<10240x16xf32, #tpu.memory_space<vmem_shared>>
      tpu.wait_indirect_dma semaphore(%run_scoped3A_45 : memref<!tpu.dma_semaphore, #tpu.memory_space<semaphore_mem>>) src(%arg15 : memref<80x16xf32, #tpu.memory_space<vmem>>) dst(%dma_wait3A_57 : memref<10240x16xf32, #tpu.memory_space<vmem_shared>>)
      tpu.yield
    }) : () -> ()
    %barrier3A_34 = arith.constant 0 : index
    tpu.barrier barrier_id(%barrier3A_34)
    %scan3A_35 = arith.constant 0 : i32
    %scan3A_36 = arith.constant 8 : i32
    %scan3A_37 = arith.addi %scan3A_35, %scan3A_36 : i32
    %scan3A_38 = arith.constant 1 : i32
    scf.for %scan3A_45 = %scan3A_35 to %scan3A_37 step %scan3A_38  : i32 {
      %mul3A_46 = arith.constant 1 : i32
      %mul3A_47 = arith.muli %scan3A_45, %mul3A_46 : i32
      %add3A_48 = arith.constant 0 : i32
      %add3A_49 = arith.addi %add3A_48, %mul3A_47 : i32
      %mul3A_50 = arith.constant 80 : i32
      %mul3A_51 = arith.muli %add3A_49, %mul3A_50 : i32
      %add3A_52 = arith.addi %mul3A_2, %mul3A_51 : i32
      %dma_start3A_53 = arith.constant 0 : i32
      %dma_start3A_54 = tpu.memref_slice %arg9[%add3A_52, %dma_start3A_53] : memref<10240x128xf32, #tpu.memory_space<vmem_shared>> -> memref<80x128xf32, #tpu.memory_space<vmem_shared>>
      %dma_start3A_55 = arith.constant 0 : i32
      %dma_start3A_56 = tpu.memref_slice %arg9[%add3A_52, %dma_start3A_55] : memref<10240x128xf32, #tpu.memory_space<vmem_shared>> -> memref<80x128xf32, #tpu.memory_space<vmem_shared>>
      tpu.enqueue_dma source(%dma_start3A_56 : memref<80x128xf32, #tpu.memory_space<vmem_shared>>) target(%arg13 : memref<80x128xf32, #tpu.memory_space<vmem>>) target_semaphore(%arg16 : memref<!tpu.dma_semaphore, #tpu.memory_space<semaphore_mem>>)
      %dma_wait3A_57 = arith.constant 0 : i32
      %dma_wait3A_58 = tpu.memref_slice %arg9[%add3A_52, %dma_wait3A_57] : memref<10240x128xf32, #tpu.memory_space<vmem_shared>> -> memref<80x128xf32, #tpu.memory_space<vmem_shared>>
      %dma_wait3A_59 = arith.constant 0 : i32
      %dma_wait3A_60 = tpu.memref_slice %arg9[%add3A_52, %dma_wait3A_59] : memref<10240x128xf32, #tpu.memory_space<vmem_shared>> -> memref<80x128xf32, #tpu.memory_space<vmem_shared>>
      tpu.wait_dma2 semaphore(%arg16 : memref<!tpu.dma_semaphore, #tpu.memory_space<semaphore_mem>>) src(%dma_wait3A_60 : memref<80x128xf32, #tpu.memory_space<vmem_shared>>) dst(%arg13 : memref<80x128xf32, #tpu.memory_space<vmem>>)
      "tpu.region"() ({
        %run_scoped3A_61 = tpu.sem_alloc : memref<!tpu.dma_semaphore, #tpu.memory_space<semaphore_mem>>
        %dma_start3A_62 = arith.constant 0 : i32
        %dma_start3A_63 = tpu.memref_slice %arg7[%arg0, %add3A_52, %dma_start3A_62] : memref<2x10240x128xf32, #tpu.memory_space<hbm>> -> memref<1x80x128xf32, #tpu.memory_space<hbm>>
        %dma_start3A_64 = tpu.memref_squeeze %dma_start3A_63 : memref<1x80x128xf32, #tpu.memory_space<hbm>> -> memref<80x128xf32, #tpu.memory_space<hbm>>
        %dma_start3A_65 = arith.constant 0 : i32
        %dma_start3A_66 = tpu.memref_slice %arg7[%arg0, %add3A_52, %dma_start3A_65] : memref<2x10240x128xf32, #tpu.memory_space<hbm>> -> memref<1x80x128xf32, #tpu.memory_space<hbm>>
        %dma_start3A_67 = tpu.memref_squeeze %dma_start3A_66 : memref<1x80x128xf32, #tpu.memory_space<hbm>> -> memref<80x128xf32, #tpu.memory_space<hbm>>
        tpu.enqueue_dma source(%arg13 : memref<80x128xf32, #tpu.memory_space<vmem>>) target(%dma_start3A_67 : memref<80x128xf32, #tpu.memory_space<hbm>>) target_semaphore(%run_scoped3A_61 : memref<!tpu.dma_semaphore, #tpu.memory_space<semaphore_mem>>)
        %dma_wait3A_68 = arith.constant 0 : i32
        %dma_wait3A_69 = tpu.memref_slice %arg7[%arg0, %add3A_52, %dma_wait3A_68] : memref<2x10240x128xf32, #tpu.memory_space<hbm>> -> memref<1x80x128xf32, #tpu.memory_space<hbm>>
        %dma_wait3A_70 = tpu.memref_squeeze %dma_wait3A_69 : memref<1x80x128xf32, #tpu.memory_space<hbm>> -> memref<80x128xf32, #tpu.memory_space<hbm>>
        %dma_wait3A_71 = arith.constant 0 : i32
        %dma_wait3A_72 = tpu.memref_slice %arg7[%arg0, %add3A_52, %dma_wait3A_71] : memref<2x10240x128xf32, #tpu.memory_space<hbm>> -> memref<1x80x128xf32, #tpu.memory_space<hbm>>
        %dma_wait3A_73 = tpu.memref_squeeze %dma_wait3A_72 : memref<1x80x128xf32, #tpu.memory_space<hbm>> -> memref<80x128xf32, #tpu.memory_space<hbm>>
        tpu.wait_dma2 semaphore(%run_scoped3A_61 : memref<!tpu.dma_semaphore, #tpu.memory_space<semaphore_mem>>) src(%arg13 : memref<80x128xf32, #tpu.memory_space<vmem>>) dst(%dma_wait3A_73 : memref<80x128xf32, #tpu.memory_space<hbm>>)
        tpu.yield
      }) : () -> ()
    }
    %scan3A_39 = arith.constant 8 : i32
    %scan3A_40 = arith.constant 0 : i32
    %scan3A_41 = arith.constant 8 : i32
    %scan3A_42 = arith.addi %scan3A_40, %scan3A_41 : i32
    %scan3A_43 = arith.constant 1 : i32
    scf.for %scan3A_45 = %scan3A_40 to %scan3A_42 step %scan3A_43  : i32 {
      %mul3A_46 = arith.constant 1 : i32
      %mul3A_47 = arith.muli %scan3A_45, %mul3A_46 : i32
      %add3A_48 = arith.constant 0 : i32
      %add3A_49 = arith.addi %add3A_48, %mul3A_47 : i32
      %mul3A_50 = arith.constant 80 : i32
      %mul3A_51 = arith.muli %add3A_49, %mul3A_50 : i32
      %add3A_52 = arith.addi %mul3A_2, %mul3A_51 : i32
      %run_scoped3A_53 = arith.constant 0 : i32
      "tpu.region"() ({
        %run_scoped3A_70 = tpu.sem_alloc : memref<!tpu.dma_semaphore, #tpu.memory_space<semaphore_mem>>
        %dma_start3A_71 = arith.constant 0 : i32
        %dma_start3A_72 = arith.constant 0 : i32
        %dma_start3A_73 = tpu.memref_slice %arg11[%run_scoped3A_53, %dma_start3A_71, %dma_start3A_72] : memref<2x2x80xi32, #tpu.memory_space<vmem>> -> memref<1x2x80xi32, #tpu.memory_space<vmem>>
        %dma_start3A_74 = tpu.memref_squeeze %dma_start3A_73 : memref<1x2x80xi32, #tpu.memory_space<vmem>> -> memref<2x80xi32, #tpu.memory_space<vmem>>
        %dma_start3A_75 = arith.constant 0 : i32
        %dma_start3A_76 = arith.constant 0 : i32
        %dma_start3A_77 = tpu.memref_slice %arg6[%arg1, %add3A_49, %dma_start3A_75, %dma_start3A_76] : memref<16x8x2x80xi32, #tpu.memory_space<hbm>> -> memref<1x1x2x80xi32, #tpu.memory_space<hbm>>
        %dma_start3A_78 = tpu.memref_squeeze %dma_start3A_77 : memref<1x1x2x80xi32, #tpu.memory_space<hbm>> -> memref<2x80xi32, #tpu.memory_space<hbm>>
        %dma_start3A_79 = arith.constant 0 : i32
        %dma_start3A_80 = arith.constant 0 : i32
        %dma_start3A_81 = tpu.memref_slice %arg11[%run_scoped3A_53, %dma_start3A_79, %dma_start3A_80] : memref<2x2x80xi32, #tpu.memory_space<vmem>> -> memref<1x2x80xi32, #tpu.memory_space<vmem>>
        %dma_start3A_82 = tpu.memref_squeeze %dma_start3A_81 : memref<1x2x80xi32, #tpu.memory_space<vmem>> -> memref<2x80xi32, #tpu.memory_space<vmem>>
        %dma_start3A_83 = arith.constant 0 : i32
        %dma_start3A_84 = arith.constant 0 : i32
        %dma_start3A_85 = tpu.memref_slice %arg6[%arg1, %add3A_49, %dma_start3A_83, %dma_start3A_84] : memref<16x8x2x80xi32, #tpu.memory_space<hbm>> -> memref<1x1x2x80xi32, #tpu.memory_space<hbm>>
        %dma_start3A_86 = tpu.memref_squeeze %dma_start3A_85 : memref<1x1x2x80xi32, #tpu.memory_space<hbm>> -> memref<2x80xi32, #tpu.memory_space<hbm>>
        tpu.enqueue_dma source(%dma_start3A_86 : memref<2x80xi32, #tpu.memory_space<hbm>>) target(%dma_start3A_82 : memref<2x80xi32, #tpu.memory_space<vmem>>) target_semaphore(%run_scoped3A_70 : memref<!tpu.dma_semaphore, #tpu.memory_space<semaphore_mem>>)
        %dma_wait3A_87 = arith.constant 0 : i32
        %dma_wait3A_88 = arith.constant 0 : i32
        %dma_wait3A_89 = tpu.memref_slice %arg11[%run_scoped3A_53, %dma_wait3A_87, %dma_wait3A_88] : memref<2x2x80xi32, #tpu.memory_space<vmem>> -> memref<1x2x80xi32, #tpu.memory_space<vmem>>
        %dma_wait3A_90 = tpu.memref_squeeze %dma_wait3A_89 : memref<1x2x80xi32, #tpu.memory_space<vmem>> -> memref<2x80xi32, #tpu.memory_space<vmem>>
        %dma_wait3A_91 = arith.constant 0 : i32
        %dma_wait3A_92 = arith.constant 0 : i32
        %dma_wait3A_93 = tpu.memref_slice %arg6[%arg1, %add3A_49, %dma_wait3A_91, %dma_wait3A_92] : memref<16x8x2x80xi32, #tpu.memory_space<hbm>> -> memref<1x1x2x80xi32, #tpu.memory_space<hbm>>
        %dma_wait3A_94 = tpu.memref_squeeze %dma_wait3A_93 : memref<1x1x2x80xi32, #tpu.memory_space<hbm>> -> memref<2x80xi32, #tpu.memory_space<hbm>>
        %dma_wait3A_95 = arith.constant 0 : i32
        %dma_wait3A_96 = arith.constant 0 : i32
        %dma_wait3A_97 = tpu.memref_slice %arg11[%run_scoped3A_53, %dma_wait3A_95, %dma_wait3A_96] : memref<2x2x80xi32, #tpu.memory_space<vmem>> -> memref<1x2x80xi32, #tpu.memory_space<vmem>>
        %dma_wait3A_98 = tpu.memref_squeeze %dma_wait3A_97 : memref<1x2x80xi32, #tpu.memory_space<vmem>> -> memref<2x80xi32, #tpu.memory_space<vmem>>
        %dma_wait3A_99 = arith.constant 0 : i32
        %dma_wait3A_100 = arith.constant 0 : i32
        %dma_wait3A_101 = tpu.memref_slice %arg6[%arg1, %add3A_49, %dma_wait3A_99, %dma_wait3A_100] : memref<16x8x2x80xi32, #tpu.memory_space<hbm>> -> memref<1x1x2x80xi32, #tpu.memory_space<hbm>>
        %dma_wait3A_102 = tpu.memref_squeeze %dma_wait3A_101 : memref<1x1x2x80xi32, #tpu.memory_space<hbm>> -> memref<2x80xi32, #tpu.memory_space<hbm>>
        tpu.wait_dma2 semaphore(%run_scoped3A_70 : memref<!tpu.dma_semaphore, #tpu.memory_space<semaphore_mem>>) src(%dma_wait3A_102 : memref<2x80xi32, #tpu.memory_space<hbm>>) dst(%dma_wait3A_98 : memref<2x80xi32, #tpu.memory_space<vmem>>)
        tpu.yield
      }) : () -> ()
      %dma_start3A_54 = arith.constant 0 : i32
      %dma_start3A_55 = arith.constant 0 : i32
      %dma_start3A_56 = arith.constant 0 : i32
      %dma_start3A_57 = tpu.memref_slice %arg11[%dma_start3A_54, %dma_start3A_55, %dma_start3A_56] : memref<2x2x80xi32, #tpu.memory_space<vmem>> -> memref<1x1x80xi32, #tpu.memory_space<vmem>>
      %dma_start3A_58 = tpu.memref_squeeze %dma_start3A_57 : memref<1x1x80xi32, #tpu.memory_space<vmem>> -> memref<80xi32, #tpu.memory_space<vmem>>
      %dma_start3A_59 = arith.constant 0 : i32
      %dma_start3A_60 = arith.constant 0 : i32
      %dma_start3A_61 = tpu.memref_slice %arg10[%dma_start3A_59, %dma_start3A_60] : memref<10240x16xf32, #tpu.memory_space<vmem_shared>> -> memref<10240x16xf32, #tpu.memory_space<vmem_shared>>
      tpu.enqueue_indirect_dma source(%dma_start3A_61 : memref<10240x16xf32, #tpu.memory_space<vmem_shared>>) target(%arg15 : memref<80x16xf32, #tpu.memory_space<vmem>>) offsets(%dma_start3A_58 : memref<80xi32, #tpu.memory_space<vmem>>) semaphore(%arg16 : memref<!tpu.dma_semaphore, #tpu.memory_space<semaphore_mem>>)
      %dma_wait3A_62 = arith.constant 0 : i32
      %dma_wait3A_63 = arith.constant 0 : i32
      %dma_wait3A_64 = arith.constant 0 : i32
      %dma_wait3A_65 = tpu.memref_slice %arg11[%dma_wait3A_62, %dma_wait3A_63, %dma_wait3A_64] : memref<2x2x80xi32, #tpu.memory_space<vmem>> -> memref<1x1x80xi32, #tpu.memory_space<vmem>>
      %dma_wait3A_66 = tpu.memref_squeeze %dma_wait3A_65 : memref<1x1x80xi32, #tpu.memory_space<vmem>> -> memref<80xi32, #tpu.memory_space<vmem>>
      %dma_wait3A_67 = arith.constant 0 : i32
      %dma_wait3A_68 = arith.constant 0 : i32
      %dma_wait3A_69 = tpu.memref_slice %arg10[%dma_wait3A_67, %dma_wait3A_68] : memref<10240x16xf32, #tpu.memory_space<vmem_shared>> -> memref<10240x16xf32, #tpu.memory_space<vmem_shared>>
      tpu.wait_indirect_dma semaphore(%arg16 : memref<!tpu.dma_semaphore, #tpu.memory_space<semaphore_mem>>) src(%dma_wait3A_69 : memref<10240x16xf32, #tpu.memory_space<vmem_shared>>) dst(%arg15 : memref<80x16xf32, #tpu.memory_space<vmem>>)
      "tpu.region"() ({
        %run_scoped3A_70 = tpu.sem_alloc : memref<!tpu.dma_semaphore, #tpu.memory_space<semaphore_mem>>
        %dma_start3A_71 = arith.constant 0 : i32
        %dma_start3A_72 = tpu.memref_slice %arg8[%arg0, %add3A_52, %dma_start3A_71] : memref<2x10240x16xf32, #tpu.memory_space<hbm>> -> memref<1x80x16xf32, #tpu.memory_space<hbm>>
        %dma_start3A_73 = tpu.memref_squeeze %dma_start3A_72 : memref<1x80x16xf32, #tpu.memory_space<hbm>> -> memref<80x16xf32, #tpu.memory_space<hbm>>
        %dma_start3A_74 = arith.constant 0 : i32
        %dma_start3A_75 = tpu.memref_slice %arg8[%arg0, %add3A_52, %dma_start3A_74] : memref<2x10240x16xf32, #tpu.memory_space<hbm>> -> memref<1x80x16xf32, #tpu.memory_space<hbm>>
        %dma_start3A_76 = tpu.memref_squeeze %dma_start3A_75 : memref<1x80x16xf32, #tpu.memory_space<hbm>> -> memref<80x16xf32, #tpu.memory_space<hbm>>
        tpu.enqueue_dma source(%arg15 : memref<80x16xf32, #tpu.memory_space<vmem>>) target(%dma_start3A_76 : memref<80x16xf32, #tpu.memory_space<hbm>>) target_semaphore(%run_scoped3A_70 : memref<!tpu.dma_semaphore, #tpu.memory_space<semaphore_mem>>)
        %dma_wait3A_77 = arith.constant 0 : i32
        %dma_wait3A_78 = tpu.memref_slice %arg8[%arg0, %add3A_52, %dma_wait3A_77] : memref<2x10240x16xf32, #tpu.memory_space<hbm>> -> memref<1x80x16xf32, #tpu.memory_space<hbm>>
        %dma_wait3A_79 = tpu.memref_squeeze %dma_wait3A_78 : memref<1x80x16xf32, #tpu.memory_space<hbm>> -> memref<80x16xf32, #tpu.memory_space<hbm>>
        %dma_wait3A_80 = arith.constant 0 : i32
        %dma_wait3A_81 = tpu.memref_slice %arg8[%arg0, %add3A_52, %dma_wait3A_80] : memref<2x10240x16xf32, #tpu.memory_space<hbm>> -> memref<1x80x16xf32, #tpu.memory_space<hbm>>
        %dma_wait3A_82 = tpu.memref_squeeze %dma_wait3A_81 : memref<1x80x16xf32, #tpu.memory_space<hbm>> -> memref<80x16xf32, #tpu.memory_space<hbm>>
        tpu.wait_dma2 semaphore(%run_scoped3A_70 : memref<!tpu.dma_semaphore, #tpu.memory_space<semaphore_mem>>) src(%arg15 : memref<80x16xf32, #tpu.memory_space<vmem>>) dst(%dma_wait3A_82 : memref<80x16xf32, #tpu.memory_space<hbm>>)
        tpu.yield
      }) : () -> ()
    }
    %scan3A_44 = arith.constant 8 : i32
    return
  }
}

#map = affine_map<(d0, d1) -> (0, 0)>
#map1 = affine_map<(d0, d1) -> (0, 0, 0, 0)>
#map2 = affine_map<(d0, d1) -> (0, 0, 0)>
module attributes {stable_mosaic.version = 14 : i64} {
  func.func @_sc_body(%arg0: i32, %arg1: i32, %arg2: memref<10240x128xf32, #tpu.memory_space<hbm>>, %arg3: memref<32x126x2x80xi32, #tpu.memory_space<hbm>>, %arg4: memref<128x128xf32, #tpu.memory_space<hbm>>, %arg5: memref<2x10240x128xf32, #tpu.memory_space<hbm>>, %arg6: memref<10240x128xf32, #tpu.memory_space<vmem_shared>>, %arg7: memref<2x2x80xi32, #tpu.memory_space<vmem>>, %arg8: memref<2x2x80xi32, #tpu.memory_space<vmem>>, %arg9: memref<80x128xf32, #tpu.memory_space<vmem>>, %arg10: memref<80x128xf32, #tpu.memory_space<vmem>>, %arg11: memref<!tpu.dma_semaphore, #tpu.memory_space<semaphore_mem>>, %arg12: memref<!tpu.dma_semaphore, #tpu.memory_space<semaphore_mem>>) attributes {dimension_semantics = [#tpu.dimension_semantics<core_parallel>, #tpu.dimension_semantics<subcore_parallel>], iteration_bounds = array<i64: 2, 16>, scalar_prefetch = 0 : i64, scratch_operands = 7 : i64, tpu.core_type = #tpu.core_type<sc_vector_subcore>, window_params = [{transform_indices = #map}, {transform_indices = #map1}, {transform_indices = #map}, {transform_indices = #map2}]} {
    %mul3A = arith.constant 2 : i32
    %mul3A_0 = arith.muli %arg1, %mul3A : i32
    %add3A = arith.addi %mul3A_0, %arg0 : i32
    %mul3A_1 = arith.constant 640 : i32
    %mul3A_2 = arith.muli %arg1, %mul3A_1 : i32
    "tpu.region"() ({
      %run_scoped3A_31 = tpu.sem_alloc : memref<!tpu.dma_semaphore, #tpu.memory_space<semaphore_mem>>
      %dma_start3A_32 = arith.constant 0 : i32
      %dma_start3A_33 = arith.constant 0 : i32
      %dma_start3A_34 = tpu.memref_slice %arg4[%dma_start3A_32, %dma_start3A_33] : memref<128x128xf32, #tpu.memory_space<hbm>> -> memref<80x128xf32, #tpu.memory_space<hbm>>
      %dma_start3A_35 = arith.constant 0 : i32
      %dma_start3A_36 = arith.constant 0 : i32
      %dma_start3A_37 = tpu.memref_slice %arg4[%dma_start3A_35, %dma_start3A_36] : memref<128x128xf32, #tpu.memory_space<hbm>> -> memref<80x128xf32, #tpu.memory_space<hbm>>
      tpu.enqueue_dma source(%dma_start3A_37 : memref<80x128xf32, #tpu.memory_space<hbm>>) target(%arg9 : memref<80x128xf32, #tpu.memory_space<vmem>>) target_semaphore(%run_scoped3A_31 : memref<!tpu.dma_semaphore, #tpu.memory_space<semaphore_mem>>)
      %dma_wait3A_38 = arith.constant 0 : i32
      %dma_wait3A_39 = arith.constant 0 : i32
      %dma_wait3A_40 = tpu.memref_slice %arg4[%dma_wait3A_38, %dma_wait3A_39] : memref<128x128xf32, #tpu.memory_space<hbm>> -> memref<80x128xf32, #tpu.memory_space<hbm>>
      %dma_wait3A_41 = arith.constant 0 : i32
      %dma_wait3A_42 = arith.constant 0 : i32
      %dma_wait3A_43 = tpu.memref_slice %arg4[%dma_wait3A_41, %dma_wait3A_42] : memref<128x128xf32, #tpu.memory_space<hbm>> -> memref<80x128xf32, #tpu.memory_space<hbm>>
      tpu.wait_dma2 semaphore(%run_scoped3A_31 : memref<!tpu.dma_semaphore, #tpu.memory_space<semaphore_mem>>) src(%dma_wait3A_43 : memref<80x128xf32, #tpu.memory_space<hbm>>) dst(%arg9 : memref<80x128xf32, #tpu.memory_space<vmem>>)
      tpu.yield
    }) : () -> ()
    %scan3A = arith.constant 0 : i32
    %scan3A_3 = arith.constant 8 : i32
    %scan3A_4 = arith.addi %scan3A, %scan3A_3 : i32
    %scan3A_5 = arith.constant 1 : i32
    scf.for %scan3A_31 = %scan3A to %scan3A_4 step %scan3A_5  : i32 {
      %mul3A_32 = arith.constant 1 : i32
      %mul3A_33 = arith.muli %scan3A_31, %mul3A_32 : i32
      %add3A_34 = arith.constant 0 : i32
      %add3A_35 = arith.addi %add3A_34, %mul3A_33 : i32
      %mul3A_36 = arith.constant 80 : i32
      %mul3A_37 = arith.muli %add3A_35, %mul3A_36 : i32
      %add3A_38 = arith.addi %mul3A_2, %mul3A_37 : i32
      "tpu.region"() ({
        %run_scoped3A_39 = tpu.sem_alloc : memref<!tpu.dma_semaphore, #tpu.memory_space<semaphore_mem>>
        %dma_start3A_40 = arith.constant 0 : i32
        %dma_start3A_41 = tpu.memref_slice %arg6[%add3A_38, %dma_start3A_40] : memref<10240x128xf32, #tpu.memory_space<vmem_shared>> -> memref<80x128xf32, #tpu.memory_space<vmem_shared>>
        %dma_start3A_42 = arith.constant 0 : i32
        %dma_start3A_43 = tpu.memref_slice %arg6[%add3A_38, %dma_start3A_42] : memref<10240x128xf32, #tpu.memory_space<vmem_shared>> -> memref<80x128xf32, #tpu.memory_space<vmem_shared>>
        tpu.enqueue_dma source(%arg9 : memref<80x128xf32, #tpu.memory_space<vmem>>) target(%dma_start3A_43 : memref<80x128xf32, #tpu.memory_space<vmem_shared>>) target_semaphore(%run_scoped3A_39 : memref<!tpu.dma_semaphore, #tpu.memory_space<semaphore_mem>>)
        %dma_wait3A_44 = arith.constant 0 : i32
        %dma_wait3A_45 = tpu.memref_slice %arg6[%add3A_38, %dma_wait3A_44] : memref<10240x128xf32, #tpu.memory_space<vmem_shared>> -> memref<80x128xf32, #tpu.memory_space<vmem_shared>>
        %dma_wait3A_46 = arith.constant 0 : i32
        %dma_wait3A_47 = tpu.memref_slice %arg6[%add3A_38, %dma_wait3A_46] : memref<10240x128xf32, #tpu.memory_space<vmem_shared>> -> memref<80x128xf32, #tpu.memory_space<vmem_shared>>
        tpu.wait_dma2 semaphore(%run_scoped3A_39 : memref<!tpu.dma_semaphore, #tpu.memory_space<semaphore_mem>>) src(%arg9 : memref<80x128xf32, #tpu.memory_space<vmem>>) dst(%dma_wait3A_47 : memref<80x128xf32, #tpu.memory_space<vmem_shared>>)
        tpu.yield
      }) : () -> ()
    }
    %scan3A_6 = arith.constant 8 : i32
    %barrier3A = arith.constant 0 : index
    tpu.barrier barrier_id(%barrier3A)
    "tpu.region"() ({
      %run_scoped3A_31 = tpu.sem_alloc : memref<!tpu.dma_semaphore, #tpu.memory_space<semaphore_mem>>
      %dma_start3A_32 = arith.constant 0 : i32
      %dma_start3A_33 = arith.constant 0 : i32
      %dma_start3A_34 = arith.constant 0 : i32
      %dma_start3A_35 = tpu.memref_slice %arg3[%add3A, %dma_start3A_32, %dma_start3A_33, %dma_start3A_34] : memref<32x126x2x80xi32, #tpu.memory_space<hbm>> -> memref<1x2x2x80xi32, #tpu.memory_space<hbm>>
      %dma_start3A_36 = tpu.memref_squeeze %dma_start3A_35 : memref<1x2x2x80xi32, #tpu.memory_space<hbm>> -> memref<2x2x80xi32, #tpu.memory_space<hbm>>
      %dma_start3A_37 = arith.constant 0 : i32
      %dma_start3A_38 = arith.constant 0 : i32
      %dma_start3A_39 = arith.constant 0 : i32
      %dma_start3A_40 = tpu.memref_slice %arg3[%add3A, %dma_start3A_37, %dma_start3A_38, %dma_start3A_39] : memref<32x126x2x80xi32, #tpu.memory_space<hbm>> -> memref<1x2x2x80xi32, #tpu.memory_space<hbm>>
      %dma_start3A_41 = tpu.memref_squeeze %dma_start3A_40 : memref<1x2x2x80xi32, #tpu.memory_space<hbm>> -> memref<2x2x80xi32, #tpu.memory_space<hbm>>
      tpu.enqueue_dma source(%dma_start3A_41 : memref<2x2x80xi32, #tpu.memory_space<hbm>>) target(%arg7 : memref<2x2x80xi32, #tpu.memory_space<vmem>>) target_semaphore(%run_scoped3A_31 : memref<!tpu.dma_semaphore, #tpu.memory_space<semaphore_mem>>)
      %dma_wait3A_42 = arith.constant 0 : i32
      %dma_wait3A_43 = arith.constant 0 : i32
      %dma_wait3A_44 = arith.constant 0 : i32
      %dma_wait3A_45 = tpu.memref_slice %arg3[%add3A, %dma_wait3A_42, %dma_wait3A_43, %dma_wait3A_44] : memref<32x126x2x80xi32, #tpu.memory_space<hbm>> -> memref<1x2x2x80xi32, #tpu.memory_space<hbm>>
      %dma_wait3A_46 = tpu.memref_squeeze %dma_wait3A_45 : memref<1x2x2x80xi32, #tpu.memory_space<hbm>> -> memref<2x2x80xi32, #tpu.memory_space<hbm>>
      %dma_wait3A_47 = arith.constant 0 : i32
      %dma_wait3A_48 = arith.constant 0 : i32
      %dma_wait3A_49 = arith.constant 0 : i32
      %dma_wait3A_50 = tpu.memref_slice %arg3[%add3A, %dma_wait3A_47, %dma_wait3A_48, %dma_wait3A_49] : memref<32x126x2x80xi32, #tpu.memory_space<hbm>> -> memref<1x2x2x80xi32, #tpu.memory_space<hbm>>
      %dma_wait3A_51 = tpu.memref_squeeze %dma_wait3A_50 : memref<1x2x2x80xi32, #tpu.memory_space<hbm>> -> memref<2x2x80xi32, #tpu.memory_space<hbm>>
      tpu.wait_dma2 semaphore(%run_scoped3A_31 : memref<!tpu.dma_semaphore, #tpu.memory_space<semaphore_mem>>) src(%dma_wait3A_51 : memref<2x2x80xi32, #tpu.memory_space<hbm>>) dst(%arg7 : memref<2x2x80xi32, #tpu.memory_space<vmem>>)
      tpu.yield
    }) : () -> ()
    %dma_start3A = arith.constant 0 : i32
    %dma_start3A_7 = arith.constant 0 : i32
    %dma_start3A_8 = arith.constant 0 : i32
    %dma_start3A_9 = tpu.memref_slice %arg7[%dma_start3A, %dma_start3A_7, %dma_start3A_8] : memref<2x2x80xi32, #tpu.memory_space<vmem>> -> memref<1x1x80xi32, #tpu.memory_space<vmem>>
    %dma_start3A_10 = tpu.memref_squeeze %dma_start3A_9 : memref<1x1x80xi32, #tpu.memory_space<vmem>> -> memref<80xi32, #tpu.memory_space<vmem>>
    %dma_start3A_11 = arith.constant 0 : i32
    %dma_start3A_12 = arith.constant 0 : i32
    %dma_start3A_13 = tpu.memref_slice %arg2[%dma_start3A_11, %dma_start3A_12] : memref<10240x128xf32, #tpu.memory_space<hbm>> -> memref<10240x128xf32, #tpu.memory_space<hbm>>
    tpu.enqueue_indirect_dma source(%dma_start3A_13 : memref<10240x128xf32, #tpu.memory_space<hbm>>) target(%arg9 : memref<80x128xf32, #tpu.memory_space<vmem>>) offsets(%dma_start3A_10 : memref<80xi32, #tpu.memory_space<vmem>>) semaphore(%arg11 : memref<!tpu.dma_semaphore, #tpu.memory_space<semaphore_mem>>)
    %scan3A_14 = arith.constant 0 : i32
    %scan3A_15 = arith.constant 31 : i32
    %scan3A_16 = arith.addi %scan3A_14, %scan3A_15 : i32
    %scan3A_17 = arith.constant 1 : i32
    scf.for %scan3A_31 = %scan3A_14 to %scan3A_16 step %scan3A_17  : i32 {
      %mul3A_32 = arith.constant 1 : i32
      %mul3A_33 = arith.muli %scan3A_31, %mul3A_32 : i32
      %add3A_34 = arith.constant 0 : i32
      %add3A_35 = arith.addi %add3A_34, %mul3A_33 : i32
      %mul3A_36 = arith.constant 4 : i32
      %mul3A_37 = arith.muli %mul3A_36, %add3A_35 : i32
      %dma_start3A_38 = arith.constant 1 : i32
      %dma_start3A_39 = arith.constant 0 : i32
      %dma_start3A_40 = arith.constant 0 : i32
      %dma_start3A_41 = tpu.memref_slice %arg7[%dma_start3A_38, %dma_start3A_39, %dma_start3A_40] : memref<2x2x80xi32, #tpu.memory_space<vmem>> -> memref<1x1x80xi32, #tpu.memory_space<vmem>>
      %dma_start3A_42 = tpu.memref_squeeze %dma_start3A_41 : memref<1x1x80xi32, #tpu.memory_space<vmem>> -> memref<80xi32, #tpu.memory_space<vmem>>
      %dma_start3A_43 = arith.constant 0 : i32
      %dma_start3A_44 = arith.constant 0 : i32
      %dma_start3A_45 = tpu.memref_slice %arg2[%dma_start3A_43, %dma_start3A_44] : memref<10240x128xf32, #tpu.memory_space<hbm>> -> memref<10240x128xf32, #tpu.memory_space<hbm>>
      tpu.enqueue_indirect_dma source(%dma_start3A_45 : memref<10240x128xf32, #tpu.memory_space<hbm>>) target(%arg10 : memref<80x128xf32, #tpu.memory_space<vmem>>) offsets(%dma_start3A_42 : memref<80xi32, #tpu.memory_space<vmem>>) semaphore(%arg12 : memref<!tpu.dma_semaphore, #tpu.memory_space<semaphore_mem>>)
      %dma_wait3A_46 = arith.constant 0 : i32
      %dma_wait3A_47 = arith.constant 0 : i32
      %dma_wait3A_48 = tpu.memref_slice %arg2[%dma_wait3A_46, %dma_wait3A_47] : memref<10240x128xf32, #tpu.memory_space<hbm>> -> memref<80x128xf32, #tpu.memory_space<hbm>>
      %dma_wait3A_49 = arith.constant 0 : i32
      %dma_wait3A_50 = arith.constant 0 : i32
      %dma_wait3A_51 = tpu.memref_slice %arg2[%dma_wait3A_49, %dma_wait3A_50] : memref<10240x128xf32, #tpu.memory_space<hbm>> -> memref<80x128xf32, #tpu.memory_space<hbm>>
      tpu.wait_dma2 semaphore(%arg11 : memref<!tpu.dma_semaphore, #tpu.memory_space<semaphore_mem>>) src(%dma_wait3A_51 : memref<80x128xf32, #tpu.memory_space<hbm>>) dst(%arg9 : memref<80x128xf32, #tpu.memory_space<vmem>>)
      %run_scoped3A_52 = arith.constant 0 : i32
      %run_scoped3A_53 = arith.constant 1 : i32
      "tpu.region"() ({
        %run_scoped3A_106 = tpu.sem_alloc : memref<!tpu.dma_semaphore, #tpu.memory_space<semaphore_mem>>
        %dma_start3A_107 = arith.constant 0 : i32
        %dma_start3A_108 = tpu.memref_slice %arg7[%run_scoped3A_52, %run_scoped3A_53, %dma_start3A_107] : memref<2x2x80xi32, #tpu.memory_space<vmem>> -> memref<1x1x80xi32, #tpu.memory_space<vmem>>
        %dma_start3A_109 = tpu.memref_squeeze %dma_start3A_108 : memref<1x1x80xi32, #tpu.memory_space<vmem>> -> memref<80xi32, #tpu.memory_space<vmem>>
        %dma_start3A_110 = arith.constant 0 : i32
        %dma_start3A_111 = arith.constant 0 : i32
        %dma_start3A_112 = tpu.memref_slice %arg6[%dma_start3A_110, %dma_start3A_111] : memref<10240x128xf32, #tpu.memory_space<vmem_shared>> -> memref<10240x128xf32, #tpu.memory_space<vmem_shared>>
        tpu.enqueue_indirect_dma source(%arg9 : memref<80x128xf32, #tpu.memory_space<vmem>>) target(%dma_start3A_112 : memref<10240x128xf32, #tpu.memory_space<vmem_shared>>) offsets(%dma_start3A_109 : memref<80xi32, #tpu.memory_space<vmem>>) semaphore(%run_scoped3A_106 : memref<!tpu.dma_semaphore, #tpu.memory_space<semaphore_mem>>) {add = true}
        %dma_wait3A_113 = arith.constant 0 : i32
        %dma_wait3A_114 = tpu.memref_slice %arg7[%run_scoped3A_52, %run_scoped3A_53, %dma_wait3A_113] : memref<2x2x80xi32, #tpu.memory_space<vmem>> -> memref<1x1x80xi32, #tpu.memory_space<vmem>>
        %dma_wait3A_115 = tpu.memref_squeeze %dma_wait3A_114 : memref<1x1x80xi32, #tpu.memory_space<vmem>> -> memref<80xi32, #tpu.memory_space<vmem>>
        %dma_wait3A_116 = arith.constant 0 : i32
        %dma_wait3A_117 = arith.constant 0 : i32
        %dma_wait3A_118 = tpu.memref_slice %arg6[%dma_wait3A_116, %dma_wait3A_117] : memref<10240x128xf32, #tpu.memory_space<vmem_shared>> -> memref<10240x128xf32, #tpu.memory_space<vmem_shared>>
        tpu.wait_indirect_dma semaphore(%run_scoped3A_106 : memref<!tpu.dma_semaphore, #tpu.memory_space<semaphore_mem>>) src(%arg9 : memref<80x128xf32, #tpu.memory_space<vmem>>) dst(%dma_wait3A_118 : memref<10240x128xf32, #tpu.memory_space<vmem_shared>>)
        tpu.yield
      }) : () -> ()
      %add3A_54 = arith.constant 2 : i32
      %add3A_55 = arith.addi %mul3A_37, %add3A_54 : i32
      "tpu.region"() ({
        %run_scoped3A_106 = tpu.sem_alloc : memref<!tpu.dma_semaphore, #tpu.memory_space<semaphore_mem>>
        %dma_start3A_107 = arith.constant 0 : i32
        %dma_start3A_108 = arith.constant 0 : i32
        %dma_start3A_109 = tpu.memref_slice %arg3[%add3A, %add3A_55, %dma_start3A_107, %dma_start3A_108] : memref<32x126x2x80xi32, #tpu.memory_space<hbm>> -> memref<1x2x2x80xi32, #tpu.memory_space<hbm>>
        %dma_start3A_110 = tpu.memref_squeeze %dma_start3A_109 : memref<1x2x2x80xi32, #tpu.memory_space<hbm>> -> memref<2x2x80xi32, #tpu.memory_space<hbm>>
        %dma_start3A_111 = arith.constant 0 : i32
        %dma_start3A_112 = arith.constant 0 : i32
        %dma_start3A_113 = tpu.memref_slice %arg3[%add3A, %add3A_55, %dma_start3A_111, %dma_start3A_112] : memref<32x126x2x80xi32, #tpu.memory_space<hbm>> -> memref<1x2x2x80xi32, #tpu.memory_space<hbm>>
        %dma_start3A_114 = tpu.memref_squeeze %dma_start3A_113 : memref<1x2x2x80xi32, #tpu.memory_space<hbm>> -> memref<2x2x80xi32, #tpu.memory_space<hbm>>
        tpu.enqueue_dma source(%dma_start3A_114 : memref<2x2x80xi32, #tpu.memory_space<hbm>>) target(%arg8 : memref<2x2x80xi32, #tpu.memory_space<vmem>>) target_semaphore(%run_scoped3A_106 : memref<!tpu.dma_semaphore, #tpu.memory_space<semaphore_mem>>)
        %dma_wait3A_115 = arith.constant 0 : i32
        %dma_wait3A_116 = arith.constant 0 : i32
        %dma_wait3A_117 = tpu.memref_slice %arg3[%add3A, %add3A_55, %dma_wait3A_115, %dma_wait3A_116] : memref<32x126x2x80xi32, #tpu.memory_space<hbm>> -> memref<1x2x2x80xi32, #tpu.memory_space<hbm>>
        %dma_wait3A_118 = tpu.memref_squeeze %dma_wait3A_117 : memref<1x2x2x80xi32, #tpu.memory_space<hbm>> -> memref<2x2x80xi32, #tpu.memory_space<hbm>>
        %dma_wait3A_119 = arith.constant 0 : i32
        %dma_wait3A_120 = arith.constant 0 : i32
        %dma_wait3A_121 = tpu.memref_slice %arg3[%add3A, %add3A_55, %dma_wait3A_119, %dma_wait3A_120] : memref<32x126x2x80xi32, #tpu.memory_space<hbm>> -> memref<1x2x2x80xi32, #tpu.memory_space<hbm>>
        %dma_wait3A_122 = tpu.memref_squeeze %dma_wait3A_121 : memref<1x2x2x80xi32, #tpu.memory_space<hbm>> -> memref<2x2x80xi32, #tpu.memory_space<hbm>>
        tpu.wait_dma2 semaphore(%run_scoped3A_106 : memref<!tpu.dma_semaphore, #tpu.memory_space<semaphore_mem>>) src(%dma_wait3A_122 : memref<2x2x80xi32, #tpu.memory_space<hbm>>) dst(%arg8 : memref<2x2x80xi32, #tpu.memory_space<vmem>>)
        tpu.yield
      }) : () -> ()
      %dma_start3A_56 = arith.constant 0 : i32
      %dma_start3A_57 = arith.constant 0 : i32
      %dma_start3A_58 = arith.constant 0 : i32
      %dma_start3A_59 = tpu.memref_slice %arg8[%dma_start3A_56, %dma_start3A_57, %dma_start3A_58] : memref<2x2x80xi32, #tpu.memory_space<vmem>> -> memref<1x1x80xi32, #tpu.memory_space<vmem>>
      %dma_start3A_60 = tpu.memref_squeeze %dma_start3A_59 : memref<1x1x80xi32, #tpu.memory_space<vmem>> -> memref<80xi32, #tpu.memory_space<vmem>>
      %dma_start3A_61 = arith.constant 0 : i32
      %dma_start3A_62 = arith.constant 0 : i32
      %dma_start3A_63 = tpu.memref_slice %arg2[%dma_start3A_61, %dma_start3A_62] : memref<10240x128xf32, #tpu.memory_space<hbm>> -> memref<10240x128xf32, #tpu.memory_space<hbm>>
      tpu.enqueue_indirect_dma source(%dma_start3A_63 : memref<10240x128xf32, #tpu.memory_space<hbm>>) target(%arg9 : memref<80x128xf32, #tpu.memory_space<vmem>>) offsets(%dma_start3A_60 : memref<80xi32, #tpu.memory_space<vmem>>) semaphore(%arg11 : memref<!tpu.dma_semaphore, #tpu.memory_space<semaphore_mem>>)
      %dma_wait3A_64 = arith.constant 0 : i32
      %dma_wait3A_65 = arith.constant 0 : i32
      %dma_wait3A_66 = tpu.memref_slice %arg2[%dma_wait3A_64, %dma_wait3A_65] : memref<10240x128xf32, #tpu.memory_space<hbm>> -> memref<80x128xf32, #tpu.memory_space<hbm>>
      %dma_wait3A_67 = arith.constant 0 : i32
      %dma_wait3A_68 = arith.constant 0 : i32
      %dma_wait3A_69 = tpu.memref_slice %arg2[%dma_wait3A_67, %dma_wait3A_68] : memref<10240x128xf32, #tpu.memory_space<hbm>> -> memref<80x128xf32, #tpu.memory_space<hbm>>
      tpu.wait_dma2 semaphore(%arg12 : memref<!tpu.dma_semaphore, #tpu.memory_space<semaphore_mem>>) src(%dma_wait3A_69 : memref<80x128xf32, #tpu.memory_space<hbm>>) dst(%arg10 : memref<80x128xf32, #tpu.memory_space<vmem>>)
      %run_scoped3A_70 = arith.constant 1 : i32
      %run_scoped3A_71 = arith.constant 1 : i32
      "tpu.region"() ({
        %run_scoped3A_106 = tpu.sem_alloc : memref<!tpu.dma_semaphore, #tpu.memory_space<semaphore_mem>>
        %dma_start3A_107 = arith.constant 0 : i32
        %dma_start3A_108 = tpu.memref_slice %arg7[%run_scoped3A_70, %run_scoped3A_71, %dma_start3A_107] : memref<2x2x80xi32, #tpu.memory_space<vmem>> -> memref<1x1x80xi32, #tpu.memory_space<vmem>>
        %dma_start3A_109 = tpu.memref_squeeze %dma_start3A_108 : memref<1x1x80xi32, #tpu.memory_space<vmem>> -> memref<80xi32, #tpu.memory_space<vmem>>
        %dma_start3A_110 = arith.constant 0 : i32
        %dma_start3A_111 = arith.constant 0 : i32
        %dma_start3A_112 = tpu.memref_slice %arg6[%dma_start3A_110, %dma_start3A_111] : memref<10240x128xf32, #tpu.memory_space<vmem_shared>> -> memref<10240x128xf32, #tpu.memory_space<vmem_shared>>
        tpu.enqueue_indirect_dma source(%arg10 : memref<80x128xf32, #tpu.memory_space<vmem>>) target(%dma_start3A_112 : memref<10240x128xf32, #tpu.memory_space<vmem_shared>>) offsets(%dma_start3A_109 : memref<80xi32, #tpu.memory_space<vmem>>) semaphore(%run_scoped3A_106 : memref<!tpu.dma_semaphore, #tpu.memory_space<semaphore_mem>>) {add = true}
        %dma_wait3A_113 = arith.constant 0 : i32
        %dma_wait3A_114 = tpu.memref_slice %arg7[%run_scoped3A_70, %run_scoped3A_71, %dma_wait3A_113] : memref<2x2x80xi32, #tpu.memory_space<vmem>> -> memref<1x1x80xi32, #tpu.memory_space<vmem>>
        %dma_wait3A_115 = tpu.memref_squeeze %dma_wait3A_114 : memref<1x1x80xi32, #tpu.memory_space<vmem>> -> memref<80xi32, #tpu.memory_space<vmem>>
        %dma_wait3A_116 = arith.constant 0 : i32
        %dma_wait3A_117 = arith.constant 0 : i32
        %dma_wait3A_118 = tpu.memref_slice %arg6[%dma_wait3A_116, %dma_wait3A_117] : memref<10240x128xf32, #tpu.memory_space<vmem_shared>> -> memref<10240x128xf32, #tpu.memory_space<vmem_shared>>
        tpu.wait_indirect_dma semaphore(%run_scoped3A_106 : memref<!tpu.dma_semaphore, #tpu.memory_space<semaphore_mem>>) src(%arg10 : memref<80x128xf32, #tpu.memory_space<vmem>>) dst(%dma_wait3A_118 : memref<10240x128xf32, #tpu.memory_space<vmem_shared>>)
        tpu.yield
      }) : () -> ()
      %dma_start3A_72 = arith.constant 1 : i32
      %dma_start3A_73 = arith.constant 0 : i32
      %dma_start3A_74 = arith.constant 0 : i32
      %dma_start3A_75 = tpu.memref_slice %arg8[%dma_start3A_72, %dma_start3A_73, %dma_start3A_74] : memref<2x2x80xi32, #tpu.memory_space<vmem>> -> memref<1x1x80xi32, #tpu.memory_space<vmem>>
      %dma_start3A_76 = tpu.memref_squeeze %dma_start3A_75 : memref<1x1x80xi32, #tpu.memory_space<vmem>> -> memref<80xi32, #tpu.memory_space<vmem>>
      %dma_start3A_77 = arith.constant 0 : i32
      %dma_start3A_78 = arith.constant 0 : i32
      %dma_start3A_79 = tpu.memref_slice %arg2[%dma_start3A_77, %dma_start3A_78] : memref<10240x128xf32, #tpu.memory_space<hbm>> -> memref<10240x128xf32, #tpu.memory_space<hbm>>
      tpu.enqueue_indirect_dma source(%dma_start3A_79 : memref<10240x128xf32, #tpu.memory_space<hbm>>) target(%arg10 : memref<80x128xf32, #tpu.memory_space<vmem>>) offsets(%dma_start3A_76 : memref<80xi32, #tpu.memory_space<vmem>>) semaphore(%arg12 : memref<!tpu.dma_semaphore, #tpu.memory_space<semaphore_mem>>)
      %dma_wait3A_80 = arith.constant 0 : i32
      %dma_wait3A_81 = arith.constant 0 : i32
      %dma_wait3A_82 = tpu.memref_slice %arg2[%dma_wait3A_80, %dma_wait3A_81] : memref<10240x128xf32, #tpu.memory_space<hbm>> -> memref<80x128xf32, #tpu.memory_space<hbm>>
      %dma_wait3A_83 = arith.constant 0 : i32
      %dma_wait3A_84 = arith.constant 0 : i32
      %dma_wait3A_85 = tpu.memref_slice %arg2[%dma_wait3A_83, %dma_wait3A_84] : memref<10240x128xf32, #tpu.memory_space<hbm>> -> memref<80x128xf32, #tpu.memory_space<hbm>>
      tpu.wait_dma2 semaphore(%arg11 : memref<!tpu.dma_semaphore, #tpu.memory_space<semaphore_mem>>) src(%dma_wait3A_85 : memref<80x128xf32, #tpu.memory_space<hbm>>) dst(%arg9 : memref<80x128xf32, #tpu.memory_space<vmem>>)
      %run_scoped3A_86 = arith.constant 0 : i32
      %run_scoped3A_87 = arith.constant 1 : i32
      "tpu.region"() ({
        %run_scoped3A_106 = tpu.sem_alloc : memref<!tpu.dma_semaphore, #tpu.memory_space<semaphore_mem>>
        %dma_start3A_107 = arith.constant 0 : i32
        %dma_start3A_108 = tpu.memref_slice %arg8[%run_scoped3A_86, %run_scoped3A_87, %dma_start3A_107] : memref<2x2x80xi32, #tpu.memory_space<vmem>> -> memref<1x1x80xi32, #tpu.memory_space<vmem>>
        %dma_start3A_109 = tpu.memref_squeeze %dma_start3A_108 : memref<1x1x80xi32, #tpu.memory_space<vmem>> -> memref<80xi32, #tpu.memory_space<vmem>>
        %dma_start3A_110 = arith.constant 0 : i32
        %dma_start3A_111 = arith.constant 0 : i32
        %dma_start3A_112 = tpu.memref_slice %arg6[%dma_start3A_110, %dma_start3A_111] : memref<10240x128xf32, #tpu.memory_space<vmem_shared>> -> memref<10240x128xf32, #tpu.memory_space<vmem_shared>>
        tpu.enqueue_indirect_dma source(%arg9 : memref<80x128xf32, #tpu.memory_space<vmem>>) target(%dma_start3A_112 : memref<10240x128xf32, #tpu.memory_space<vmem_shared>>) offsets(%dma_start3A_109 : memref<80xi32, #tpu.memory_space<vmem>>) semaphore(%run_scoped3A_106 : memref<!tpu.dma_semaphore, #tpu.memory_space<semaphore_mem>>) {add = true}
        %dma_wait3A_113 = arith.constant 0 : i32
        %dma_wait3A_114 = tpu.memref_slice %arg8[%run_scoped3A_86, %run_scoped3A_87, %dma_wait3A_113] : memref<2x2x80xi32, #tpu.memory_space<vmem>> -> memref<1x1x80xi32, #tpu.memory_space<vmem>>
        %dma_wait3A_115 = tpu.memref_squeeze %dma_wait3A_114 : memref<1x1x80xi32, #tpu.memory_space<vmem>> -> memref<80xi32, #tpu.memory_space<vmem>>
        %dma_wait3A_116 = arith.constant 0 : i32
        %dma_wait3A_117 = arith.constant 0 : i32
        %dma_wait3A_118 = tpu.memref_slice %arg6[%dma_wait3A_116, %dma_wait3A_117] : memref<10240x128xf32, #tpu.memory_space<vmem_shared>> -> memref<10240x128xf32, #tpu.memory_space<vmem_shared>>
        tpu.wait_indirect_dma semaphore(%run_scoped3A_106 : memref<!tpu.dma_semaphore, #tpu.memory_space<semaphore_mem>>) src(%arg9 : memref<80x128xf32, #tpu.memory_space<vmem>>) dst(%dma_wait3A_118 : memref<10240x128xf32, #tpu.memory_space<vmem_shared>>)
        tpu.yield
      }) : () -> ()
      %add3A_88 = arith.constant 4 : i32
      %add3A_89 = arith.addi %mul3A_37, %add3A_88 : i32
      "tpu.region"() ({
        %run_scoped3A_106 = tpu.sem_alloc : memref<!tpu.dma_semaphore, #tpu.memory_space<semaphore_mem>>
        %dma_start3A_107 = arith.constant 0 : i32
        %dma_start3A_108 = arith.constant 0 : i32
        %dma_start3A_109 = tpu.memref_slice %arg3[%add3A, %add3A_89, %dma_start3A_107, %dma_start3A_108] : memref<32x126x2x80xi32, #tpu.memory_space<hbm>> -> memref<1x2x2x80xi32, #tpu.memory_space<hbm>>
        %dma_start3A_110 = tpu.memref_squeeze %dma_start3A_109 : memref<1x2x2x80xi32, #tpu.memory_space<hbm>> -> memref<2x2x80xi32, #tpu.memory_space<hbm>>
        %dma_start3A_111 = arith.constant 0 : i32
        %dma_start3A_112 = arith.constant 0 : i32
        %dma_start3A_113 = tpu.memref_slice %arg3[%add3A, %add3A_89, %dma_start3A_111, %dma_start3A_112] : memref<32x126x2x80xi32, #tpu.memory_space<hbm>> -> memref<1x2x2x80xi32, #tpu.memory_space<hbm>>
        %dma_start3A_114 = tpu.memref_squeeze %dma_start3A_113 : memref<1x2x2x80xi32, #tpu.memory_space<hbm>> -> memref<2x2x80xi32, #tpu.memory_space<hbm>>
        tpu.enqueue_dma source(%dma_start3A_114 : memref<2x2x80xi32, #tpu.memory_space<hbm>>) target(%arg7 : memref<2x2x80xi32, #tpu.memory_space<vmem>>) target_semaphore(%run_scoped3A_106 : memref<!tpu.dma_semaphore, #tpu.memory_space<semaphore_mem>>)
        %dma_wait3A_115 = arith.constant 0 : i32
        %dma_wait3A_116 = arith.constant 0 : i32
        %dma_wait3A_117 = tpu.memref_slice %arg3[%add3A, %add3A_89, %dma_wait3A_115, %dma_wait3A_116] : memref<32x126x2x80xi32, #tpu.memory_space<hbm>> -> memref<1x2x2x80xi32, #tpu.memory_space<hbm>>
        %dma_wait3A_118 = tpu.memref_squeeze %dma_wait3A_117 : memref<1x2x2x80xi32, #tpu.memory_space<hbm>> -> memref<2x2x80xi32, #tpu.memory_space<hbm>>
        %dma_wait3A_119 = arith.constant 0 : i32
        %dma_wait3A_120 = arith.constant 0 : i32
        %dma_wait3A_121 = tpu.memref_slice %arg3[%add3A, %add3A_89, %dma_wait3A_119, %dma_wait3A_120] : memref<32x126x2x80xi32, #tpu.memory_space<hbm>> -> memref<1x2x2x80xi32, #tpu.memory_space<hbm>>
        %dma_wait3A_122 = tpu.memref_squeeze %dma_wait3A_121 : memref<1x2x2x80xi32, #tpu.memory_space<hbm>> -> memref<2x2x80xi32, #tpu.memory_space<hbm>>
        tpu.wait_dma2 semaphore(%run_scoped3A_106 : memref<!tpu.dma_semaphore, #tpu.memory_space<semaphore_mem>>) src(%dma_wait3A_122 : memref<2x2x80xi32, #tpu.memory_space<hbm>>) dst(%arg7 : memref<2x2x80xi32, #tpu.memory_space<vmem>>)
        tpu.yield
      }) : () -> ()
      %dma_start3A_90 = arith.constant 0 : i32
      %dma_start3A_91 = arith.constant 0 : i32
      %dma_start3A_92 = arith.constant 0 : i32
      %dma_start3A_93 = tpu.memref_slice %arg7[%dma_start3A_90, %dma_start3A_91, %dma_start3A_92] : memref<2x2x80xi32, #tpu.memory_space<vmem>> -> memref<1x1x80xi32, #tpu.memory_space<vmem>>
      %dma_start3A_94 = tpu.memref_squeeze %dma_start3A_93 : memref<1x1x80xi32, #tpu.memory_space<vmem>> -> memref<80xi32, #tpu.memory_space<vmem>>
      %dma_start3A_95 = arith.constant 0 : i32
      %dma_start3A_96 = arith.constant 0 : i32
      %dma_start3A_97 = tpu.memref_slice %arg2[%dma_start3A_95, %dma_start3A_96] : memref<10240x128xf32, #tpu.memory_space<hbm>> -> memref<10240x128xf32, #tpu.memory_space<hbm>>
      tpu.enqueue_indirect_dma source(%dma_start3A_97 : memref<10240x128xf32, #tpu.memory_space<hbm>>) target(%arg9 : memref<80x128xf32, #tpu.memory_space<vmem>>) offsets(%dma_start3A_94 : memref<80xi32, #tpu.memory_space<vmem>>) semaphore(%arg11 : memref<!tpu.dma_semaphore, #tpu.memory_space<semaphore_mem>>)
      %dma_wait3A_98 = arith.constant 0 : i32
      %dma_wait3A_99 = arith.constant 0 : i32
      %dma_wait3A_100 = tpu.memref_slice %arg2[%dma_wait3A_98, %dma_wait3A_99] : memref<10240x128xf32, #tpu.memory_space<hbm>> -> memref<80x128xf32, #tpu.memory_space<hbm>>
      %dma_wait3A_101 = arith.constant 0 : i32
      %dma_wait3A_102 = arith.constant 0 : i32
      %dma_wait3A_103 = tpu.memref_slice %arg2[%dma_wait3A_101, %dma_wait3A_102] : memref<10240x128xf32, #tpu.memory_space<hbm>> -> memref<80x128xf32, #tpu.memory_space<hbm>>
      tpu.wait_dma2 semaphore(%arg12 : memref<!tpu.dma_semaphore, #tpu.memory_space<semaphore_mem>>) src(%dma_wait3A_103 : memref<80x128xf32, #tpu.memory_space<hbm>>) dst(%arg10 : memref<80x128xf32, #tpu.memory_space<vmem>>)
      %run_scoped3A_104 = arith.constant 1 : i32
      %run_scoped3A_105 = arith.constant 1 : i32
      "tpu.region"() ({
        %run_scoped3A_106 = tpu.sem_alloc : memref<!tpu.dma_semaphore, #tpu.memory_space<semaphore_mem>>
        %dma_start3A_107 = arith.constant 0 : i32
        %dma_start3A_108 = tpu.memref_slice %arg8[%run_scoped3A_104, %run_scoped3A_105, %dma_start3A_107] : memref<2x2x80xi32, #tpu.memory_space<vmem>> -> memref<1x1x80xi32, #tpu.memory_space<vmem>>
        %dma_start3A_109 = tpu.memref_squeeze %dma_start3A_108 : memref<1x1x80xi32, #tpu.memory_space<vmem>> -> memref<80xi32, #tpu.memory_space<vmem>>
        %dma_start3A_110 = arith.constant 0 : i32
        %dma_start3A_111 = arith.constant 0 : i32
        %dma_start3A_112 = tpu.memref_slice %arg6[%dma_start3A_110, %dma_start3A_111] : memref<10240x128xf32, #tpu.memory_space<vmem_shared>> -> memref<10240x128xf32, #tpu.memory_space<vmem_shared>>
        tpu.enqueue_indirect_dma source(%arg10 : memref<80x128xf32, #tpu.memory_space<vmem>>) target(%dma_start3A_112 : memref<10240x128xf32, #tpu.memory_space<vmem_shared>>) offsets(%dma_start3A_109 : memref<80xi32, #tpu.memory_space<vmem>>) semaphore(%run_scoped3A_106 : memref<!tpu.dma_semaphore, #tpu.memory_space<semaphore_mem>>) {add = true}
        %dma_wait3A_113 = arith.constant 0 : i32
        %dma_wait3A_114 = tpu.memref_slice %arg8[%run_scoped3A_104, %run_scoped3A_105, %dma_wait3A_113] : memref<2x2x80xi32, #tpu.memory_space<vmem>> -> memref<1x1x80xi32, #tpu.memory_space<vmem>>
        %dma_wait3A_115 = tpu.memref_squeeze %dma_wait3A_114 : memref<1x1x80xi32, #tpu.memory_space<vmem>> -> memref<80xi32, #tpu.memory_space<vmem>>
        %dma_wait3A_116 = arith.constant 0 : i32
        %dma_wait3A_117 = arith.constant 0 : i32
        %dma_wait3A_118 = tpu.memref_slice %arg6[%dma_wait3A_116, %dma_wait3A_117] : memref<10240x128xf32, #tpu.memory_space<vmem_shared>> -> memref<10240x128xf32, #tpu.memory_space<vmem_shared>>
        tpu.wait_indirect_dma semaphore(%run_scoped3A_106 : memref<!tpu.dma_semaphore, #tpu.memory_space<semaphore_mem>>) src(%arg10 : memref<80x128xf32, #tpu.memory_space<vmem>>) dst(%dma_wait3A_118 : memref<10240x128xf32, #tpu.memory_space<vmem_shared>>)
        tpu.yield
      }) : () -> ()
    }
    %scan3A_18 = arith.constant 31 : i32
    %dma_wait3A = arith.constant 0 : i32
    %dma_wait3A_19 = arith.constant 0 : i32
    %dma_wait3A_20 = tpu.memref_slice %arg2[%dma_wait3A, %dma_wait3A_19] : memref<10240x128xf32, #tpu.memory_space<hbm>> -> memref<80x128xf32, #tpu.memory_space<hbm>>
    %dma_wait3A_21 = arith.constant 0 : i32
    %dma_wait3A_22 = arith.constant 0 : i32
    %dma_wait3A_23 = tpu.memref_slice %arg2[%dma_wait3A_21, %dma_wait3A_22] : memref<10240x128xf32, #tpu.memory_space<hbm>> -> memref<80x128xf32, #tpu.memory_space<hbm>>
    tpu.wait_dma2 semaphore(%arg11 : memref<!tpu.dma_semaphore, #tpu.memory_space<semaphore_mem>>) src(%dma_wait3A_23 : memref<80x128xf32, #tpu.memory_space<hbm>>) dst(%arg9 : memref<80x128xf32, #tpu.memory_space<vmem>>)
    %run_scoped3A = arith.constant 0 : i32
    %run_scoped3A_24 = arith.constant 1 : i32
    "tpu.region"() ({
      %run_scoped3A_31 = tpu.sem_alloc : memref<!tpu.dma_semaphore, #tpu.memory_space<semaphore_mem>>
      %dma_start3A_32 = arith.constant 0 : i32
      %dma_start3A_33 = tpu.memref_slice %arg7[%run_scoped3A, %run_scoped3A_24, %dma_start3A_32] : memref<2x2x80xi32, #tpu.memory_space<vmem>> -> memref<1x1x80xi32, #tpu.memory_space<vmem>>
      %dma_start3A_34 = tpu.memref_squeeze %dma_start3A_33 : memref<1x1x80xi32, #tpu.memory_space<vmem>> -> memref<80xi32, #tpu.memory_space<vmem>>
      %dma_start3A_35 = arith.constant 0 : i32
      %dma_start3A_36 = arith.constant 0 : i32
      %dma_start3A_37 = tpu.memref_slice %arg6[%dma_start3A_35, %dma_start3A_36] : memref<10240x128xf32, #tpu.memory_space<vmem_shared>> -> memref<10240x128xf32, #tpu.memory_space<vmem_shared>>
      tpu.enqueue_indirect_dma source(%arg9 : memref<80x128xf32, #tpu.memory_space<vmem>>) target(%dma_start3A_37 : memref<10240x128xf32, #tpu.memory_space<vmem_shared>>) offsets(%dma_start3A_34 : memref<80xi32, #tpu.memory_space<vmem>>) semaphore(%run_scoped3A_31 : memref<!tpu.dma_semaphore, #tpu.memory_space<semaphore_mem>>) {add = true}
      %dma_wait3A_38 = arith.constant 0 : i32
      %dma_wait3A_39 = tpu.memref_slice %arg7[%run_scoped3A, %run_scoped3A_24, %dma_wait3A_38] : memref<2x2x80xi32, #tpu.memory_space<vmem>> -> memref<1x1x80xi32, #tpu.memory_space<vmem>>
      %dma_wait3A_40 = tpu.memref_squeeze %dma_wait3A_39 : memref<1x1x80xi32, #tpu.memory_space<vmem>> -> memref<80xi32, #tpu.memory_space<vmem>>
      %dma_wait3A_41 = arith.constant 0 : i32
      %dma_wait3A_42 = arith.constant 0 : i32
      %dma_wait3A_43 = tpu.memref_slice %arg6[%dma_wait3A_41, %dma_wait3A_42] : memref<10240x128xf32, #tpu.memory_space<vmem_shared>> -> memref<10240x128xf32, #tpu.memory_space<vmem_shared>>
      tpu.wait_indirect_dma semaphore(%run_scoped3A_31 : memref<!tpu.dma_semaphore, #tpu.memory_space<semaphore_mem>>) src(%arg9 : memref<80x128xf32, #tpu.memory_space<vmem>>) dst(%dma_wait3A_43 : memref<10240x128xf32, #tpu.memory_space<vmem_shared>>)
      tpu.yield
    }) : () -> ()
    %barrier3A_25 = arith.constant 0 : index
    tpu.barrier barrier_id(%barrier3A_25)
    %scan3A_26 = arith.constant 0 : i32
    %scan3A_27 = arith.constant 8 : i32
    %scan3A_28 = arith.addi %scan3A_26, %scan3A_27 : i32
    %scan3A_29 = arith.constant 1 : i32
    scf.for %scan3A_31 = %scan3A_26 to %scan3A_28 step %scan3A_29  : i32 {
      %mul3A_32 = arith.constant 1 : i32
      %mul3A_33 = arith.muli %scan3A_31, %mul3A_32 : i32
      %add3A_34 = arith.constant 0 : i32
      %add3A_35 = arith.addi %add3A_34, %mul3A_33 : i32
      %mul3A_36 = arith.constant 80 : i32
      %mul3A_37 = arith.muli %add3A_35, %mul3A_36 : i32
      %add3A_38 = arith.addi %mul3A_2, %mul3A_37 : i32
      %dma_start3A_39 = arith.constant 0 : i32
      %dma_start3A_40 = tpu.memref_slice %arg6[%add3A_38, %dma_start3A_39] : memref<10240x128xf32, #tpu.memory_space<vmem_shared>> -> memref<80x128xf32, #tpu.memory_space<vmem_shared>>
      %dma_start3A_41 = arith.constant 0 : i32
      %dma_start3A_42 = tpu.memref_slice %arg6[%add3A_38, %dma_start3A_41] : memref<10240x128xf32, #tpu.memory_space<vmem_shared>> -> memref<80x128xf32, #tpu.memory_space<vmem_shared>>
      tpu.enqueue_dma source(%dma_start3A_42 : memref<80x128xf32, #tpu.memory_space<vmem_shared>>) target(%arg9 : memref<80x128xf32, #tpu.memory_space<vmem>>) target_semaphore(%arg11 : memref<!tpu.dma_semaphore, #tpu.memory_space<semaphore_mem>>)
      %dma_wait3A_43 = arith.constant 0 : i32
      %dma_wait3A_44 = tpu.memref_slice %arg6[%add3A_38, %dma_wait3A_43] : memref<10240x128xf32, #tpu.memory_space<vmem_shared>> -> memref<80x128xf32, #tpu.memory_space<vmem_shared>>
      %dma_wait3A_45 = arith.constant 0 : i32
      %dma_wait3A_46 = tpu.memref_slice %arg6[%add3A_38, %dma_wait3A_45] : memref<10240x128xf32, #tpu.memory_space<vmem_shared>> -> memref<80x128xf32, #tpu.memory_space<vmem_shared>>
      tpu.wait_dma2 semaphore(%arg11 : memref<!tpu.dma_semaphore, #tpu.memory_space<semaphore_mem>>) src(%dma_wait3A_46 : memref<80x128xf32, #tpu.memory_space<vmem_shared>>) dst(%arg9 : memref<80x128xf32, #tpu.memory_space<vmem>>)
      "tpu.region"() ({
        %run_scoped3A_47 = tpu.sem_alloc : memref<!tpu.dma_semaphore, #tpu.memory_space<semaphore_mem>>
        %dma_start3A_48 = arith.constant 0 : i32
        %dma_start3A_49 = tpu.memref_slice %arg5[%arg0, %add3A_38, %dma_start3A_48] : memref<2x10240x128xf32, #tpu.memory_space<hbm>> -> memref<1x80x128xf32, #tpu.memory_space<hbm>>
        %dma_start3A_50 = tpu.memref_squeeze %dma_start3A_49 : memref<1x80x128xf32, #tpu.memory_space<hbm>> -> memref<80x128xf32, #tpu.memory_space<hbm>>
        %dma_start3A_51 = arith.constant 0 : i32
        %dma_start3A_52 = tpu.memref_slice %arg5[%arg0, %add3A_38, %dma_start3A_51] : memref<2x10240x128xf32, #tpu.memory_space<hbm>> -> memref<1x80x128xf32, #tpu.memory_space<hbm>>
        %dma_start3A_53 = tpu.memref_squeeze %dma_start3A_52 : memref<1x80x128xf32, #tpu.memory_space<hbm>> -> memref<80x128xf32, #tpu.memory_space<hbm>>
        tpu.enqueue_dma source(%arg9 : memref<80x128xf32, #tpu.memory_space<vmem>>) target(%dma_start3A_53 : memref<80x128xf32, #tpu.memory_space<hbm>>) target_semaphore(%run_scoped3A_47 : memref<!tpu.dma_semaphore, #tpu.memory_space<semaphore_mem>>)
        %dma_wait3A_54 = arith.constant 0 : i32
        %dma_wait3A_55 = tpu.memref_slice %arg5[%arg0, %add3A_38, %dma_wait3A_54] : memref<2x10240x128xf32, #tpu.memory_space<hbm>> -> memref<1x80x128xf32, #tpu.memory_space<hbm>>
        %dma_wait3A_56 = tpu.memref_squeeze %dma_wait3A_55 : memref<1x80x128xf32, #tpu.memory_space<hbm>> -> memref<80x128xf32, #tpu.memory_space<hbm>>
        %dma_wait3A_57 = arith.constant 0 : i32
        %dma_wait3A_58 = tpu.memref_slice %arg5[%arg0, %add3A_38, %dma_wait3A_57] : memref<2x10240x128xf32, #tpu.memory_space<hbm>> -> memref<1x80x128xf32, #tpu.memory_space<hbm>>
        %dma_wait3A_59 = tpu.memref_squeeze %dma_wait3A_58 : memref<1x80x128xf32, #tpu.memory_space<hbm>> -> memref<80x128xf32, #tpu.memory_space<hbm>>
        tpu.wait_dma2 semaphore(%run_scoped3A_47 : memref<!tpu.dma_semaphore, #tpu.memory_space<semaphore_mem>>) src(%arg9 : memref<80x128xf32, #tpu.memory_space<vmem>>) dst(%dma_wait3A_59 : memref<80x128xf32, #tpu.memory_space<hbm>>)
        tpu.yield
      }) : () -> ()
    }
    %scan3A_30 = arith.constant 8 : i32
    return
  }
}

module attributes {stable_mosaic.version = 14 : i64} {
  func.func @_tc_in_body(%arg0: i32, %arg1: memref<512x128xf32, #tpu.memory_space<vmem>>, %arg2: memref<128x128xf32, #tpu.memory_space<vmem>>, %arg3: memref<128x128xf32, #tpu.memory_space<vmem>>, %arg4: memref<1x128xf32, #tpu.memory_space<vmem>>, %arg5: memref<512x128xf32, #tpu.memory_space<vmem>>, %arg6: memref<512x128xf32, #tpu.memory_space<vmem>>) attributes {dimension_semantics = [#tpu.dimension_semantics<arbitrary>], iteration_bounds = array<i64: 20>, scalar_prefetch = 0 : i64, scratch_operands = 0 : i64, tpu.core_type = #tpu.core_type<tc>, window_params = [{transform_indices = @transform_0, window_bounds = array<i64: 512, 128>}, {pipeline_mode = #tpu.pipeline_mode<synchronous>, transform_indices = @transform_1, window_bounds = array<i64: 128, 128>}, {pipeline_mode = #tpu.pipeline_mode<synchronous>, transform_indices = @transform_2, window_bounds = array<i64: 128, 128>}, {pipeline_mode = #tpu.pipeline_mode<synchronous>, transform_indices = @transform_3, window_bounds = array<i64: 1, 128>}, {transform_indices = @transform_4, window_bounds = array<i64: 512, 128>}, {transform_indices = @transform_5, window_bounds = array<i64: 512, 128>}]} {
    %get3A = arith.constant 0 : index
    %get3A_0 = arith.constant 0 : index
    %get3A_1 = vector.load %arg1[%get3A, %get3A_0] : memref<512x128xf32, #tpu.memory_space<vmem>>, vector<512x128xf32>
    %get3A_2 = arith.constant 0 : index
    %get3A_3 = arith.constant 0 : index
    %get3A_4 = vector.load %arg2[%get3A_2, %get3A_3] : memref<128x128xf32, #tpu.memory_space<vmem>>, vector<128x128xf32>
    %dot_general3A = arith.constant dense<0.000000e+00> : vector<512x128xf32>
    %dot_general3A_5 = tpu.matmul %get3A_1, %get3A_4, %dot_general3A {dimension_numbers = #tpu.dot_dimension_numbers<[1], [1], [0], [0], [0, 0, 1, 0], [], []>, transpose_lhs_hint = false} : vector<512x128xf32>, vector<128x128xf32>, vector<512x128xf32> -> vector<512x128xf32>
    %swap3A = arith.constant 0 : index
    %swap3A_6 = arith.constant 0 : index
    %swap3A_7 = vector.load %arg5[%swap3A, %swap3A_6] : memref<512x128xf32, #tpu.memory_space<vmem>>, vector<512x128xf32>
    tpu.vector_store %arg5[%swap3A, %swap3A_6], %dot_general3A_5 {strides = array<i32>} : memref<512x128xf32, #tpu.memory_space<vmem>>, vector<512x128xf32>,
    %get3A_8 = arith.constant 0 : index
    %get3A_9 = arith.constant 0 : index
    %get3A_10 = vector.load %arg3[%get3A_8, %get3A_9] : memref<128x128xf32, #tpu.memory_space<vmem>>, vector<128x128xf32>
    %dot_general3A_11 = arith.constant dense<0.000000e+00> : vector<512x128xf32>
    %dot_general3A_12 = tpu.matmul %get3A_1, %get3A_10, %dot_general3A_11 {dimension_numbers = #tpu.dot_dimension_numbers<[1], [1], [0], [0], [0, 0, 1, 0], [], []>, transpose_lhs_hint = false} : vector<512x128xf32>, vector<128x128xf32>, vector<512x128xf32> -> vector<512x128xf32>
    %get3A_13 = arith.constant 0 : index
    %get3A_14 = arith.constant 0 : index
    %get3A_15 = vector.load %arg4[%get3A_13, %get3A_14] : memref<1x128xf32, #tpu.memory_space<vmem>>, vector<1x128xf32>
    %add3A = vector.broadcast %get3A_15 : vector<1x128xf32> to vector<512x128xf32>
    %add3A_16 = arith.addf %dot_general3A_12, %add3A : vector<512x128xf32>
    %swap3A_17 = arith.constant 0 : index
    %swap3A_18 = arith.constant 0 : index
    %swap3A_19 = vector.load %arg6[%swap3A_17, %swap3A_18] : memref<512x128xf32, #tpu.memory_space<vmem>>, vector<512x128xf32>
    tpu.vector_store %arg6[%swap3A_17, %swap3A_18], %add3A_16 {strides = array<i32>} : memref<512x128xf32, #tpu.memory_space<vmem>>, vector<512x128xf32>,
    return
  }
  func.func @transform_0(%arg0: i32) -> (i32, i32) {
    %c0_i32 = arith.constant 0 : i32
    %c0_i32_0 = arith.constant 0 : i32
    return %arg0, %c0_i32 : i32, i32
  }
  func.func @transform_1(%arg0: i32) -> (i32, i32) {
    %c0_i32 = arith.constant 0 : i32
    %c0_i32_0 = arith.constant 0 : i32
    %c0_i32_1 = arith.constant 0 : i32
    return %c0_i32, %c0_i32_0 : i32, i32
  }
  func.func @transform_2(%arg0: i32) -> (i32, i32) {
    %c0_i32 = arith.constant 0 : i32
    %c0_i32_0 = arith.constant 0 : i32
    %c0_i32_1 = arith.constant 0 : i32
    return %c0_i32, %c0_i32_0 : i32, i32
  }
  func.func @transform_3(%arg0: i32) -> (i32, i32) {
    %c0_i32 = arith.constant 0 : i32
    %c0_i32_0 = arith.constant 0 : i32
    %c0_i32_1 = arith.constant 0 : i32
    return %c0_i32, %c0_i32_0 : i32, i32
  }
  func.func @transform_4(%arg0: i32) -> (i32, i32) {
    %c0_i32 = arith.constant 0 : i32
    %c0_i32_0 = arith.constant 0 : i32
    return %arg0, %c0_i32 : i32, i32
  }
  func.func @transform_5(%arg0: i32) -> (i32, i32) {
    %c0_i32 = arith.constant 0 : i32
    %c0_i32_0 = arith.constant 0 : i32
    return %arg0, %c0_i32 : i32, i32
  }
}

module attributes {stable_mosaic.version = 14 : i64} {
  func.func @_tc_mid_body(%arg0: i32, %arg1: memref<2x512x128xf32, #tpu.memory_space<vmem>>, %arg2: memref<2x512x16xf32, #tpu.memory_space<vmem>>, %arg3: memref<512x128xf32, #tpu.memory_space<vmem>>, %arg4: memref<128x128xf32, #tpu.memory_space<vmem>>, %arg5: memref<128x128xf32, #tpu.memory_space<vmem>>, %arg6: memref<1x128xf32, #tpu.memory_space<vmem>>, %arg7: memref<512x128xf32, #tpu.memory_space<vmem>>, %arg8: memref<512x128xf32, #tpu.memory_space<vmem>>) attributes {dimension_semantics = [#tpu.dimension_semantics<arbitrary>], iteration_bounds = array<i64: 20>, scalar_prefetch = 0 : i64, scratch_operands = 0 : i64, tpu.core_type = #tpu.core_type<tc>, window_params = [{transform_indices = @transform_0, window_bounds = array<i64: 2, 512, 128>}, {transform_indices = @transform_1, window_bounds = array<i64: 2, 512, 16>}, {transform_indices = @transform_2, window_bounds = array<i64: 512, 128>}, {pipeline_mode = #tpu.pipeline_mode<synchronous>, transform_indices = @transform_3, window_bounds = array<i64: 128, 128>}, {pipeline_mode = #tpu.pipeline_mode<synchronous>, transform_indices = @transform_4, window_bounds = array<i64: 128, 128>}, {pipeline_mode = #tpu.pipeline_mode<synchronous>, transform_indices = @transform_5, window_bounds = array<i64: 1, 128>}, {transform_indices = @transform_6, window_bounds = array<i64: 512, 128>}, {transform_indices = @transform_7, window_bounds = array<i64: 512, 128>}]} {
    %get3A = arith.constant 0 : index
    %get3A_0 = arith.constant 0 : index
    %get3A_1 = arith.constant 0 : index
    %get3A_2 = vector.load %arg1[%get3A, %get3A_0, %get3A_1] : memref<2x512x128xf32, #tpu.memory_space<vmem>>, vector<1x512x128xf32>
    %get3A_3 = vector.shape_cast %get3A_2 : vector<1x512x128xf32> to vector<512x128xf32>
    %get3A_4 = arith.constant 1 : index
    %get3A_5 = arith.constant 0 : index
    %get3A_6 = arith.constant 0 : index
    %get3A_7 = vector.load %arg1[%get3A_4, %get3A_5, %get3A_6] : memref<2x512x128xf32, #tpu.memory_space<vmem>>, vector<1x512x128xf32>
    %get3A_8 = vector.shape_cast %get3A_7 : vector<1x512x128xf32> to vector<512x128xf32>
    %add3A = arith.addf %get3A_3, %get3A_8 : vector<512x128xf32>
    %get3A_9 = arith.constant 0 : index
    %get3A_10 = arith.constant 0 : index
    %get3A_11 = arith.constant 0 : index
    %get3A_12 = vector.load %arg2[%get3A_9, %get3A_10, %get3A_11] : memref<2x512x16xf32, #tpu.memory_space<vmem>>, vector<1x512x1xf32>
    %get3A_13 = vector.shape_cast %get3A_12 : vector<1x512x1xf32> to vector<512x1xf32>
    %get3A_14 = arith.constant 1 : index
    %get3A_15 = arith.constant 0 : index
    %get3A_16 = arith.constant 0 : index
    %get3A_17 = vector.load %arg2[%get3A_14, %get3A_15, %get3A_16] : memref<2x512x16xf32, #tpu.memory_space<vmem>>, vector<1x512x1xf32>
    %get3A_18 = vector.shape_cast %get3A_17 : vector<1x512x1xf32> to vector<512x1xf32>
    %add3A_19 = arith.addf %get3A_13, %get3A_18 : vector<512x1xf32>
    %max3A = arith.constant 1.000000e+00 : f32
    %max3A_20 = vector.broadcast %max3A : f32 to vector<512x1xf32>
    %max3A_21 = arith.maximumf %add3A_19, %max3A_20 : vector<512x1xf32>
    %div3A = vector.broadcast %max3A_21 : vector<512x1xf32> to vector<512x128xf32>
    %div3A_22 = arith.divf %add3A, %div3A : vector<512x128xf32>
    %get3A_23 = arith.constant 0 : index
    %get3A_24 = arith.constant 0 : index
    %get3A_25 = vector.load %arg3[%get3A_23, %get3A_24] : memref<512x128xf32, #tpu.memory_space<vmem>>, vector<512x128xf32>
    %add3A_26 = arith.addf %div3A_22, %get3A_25 : vector<512x128xf32>
    %max3A_27 = arith.constant 0.000000e+00 : f32
    %max3A_28 = vector.broadcast %max3A_27 : f32 to vector<512x128xf32>
    %max3A_29 = arith.maximumf %add3A_26, %max3A_28 : vector<512x128xf32>
    %get3A_30 = arith.constant 0 : index
    %get3A_31 = arith.constant 0 : index
    %get3A_32 = vector.load %arg4[%get3A_30, %get3A_31] : memref<128x128xf32, #tpu.memory_space<vmem>>, vector<128x128xf32>
    %dot_general3A = arith.constant dense<0.000000e+00> : vector<512x128xf32>
    %dot_general3A_33 = tpu.matmul %max3A_29, %get3A_32, %dot_general3A {dimension_numbers = #tpu.dot_dimension_numbers<[1], [1], [0], [0], [0, 0, 1, 0], [], []>, transpose_lhs_hint = false} : vector<512x128xf32>, vector<128x128xf32>, vector<512x128xf32> -> vector<512x128xf32>
    %swap3A = arith.constant 0 : index
    %swap3A_34 = arith.constant 0 : index
    %swap3A_35 = vector.load %arg7[%swap3A, %swap3A_34] : memref<512x128xf32, #tpu.memory_space<vmem>>, vector<512x128xf32>
    tpu.vector_store %arg7[%swap3A, %swap3A_34], %dot_general3A_33 {strides = array<i32>} : memref<512x128xf32, #tpu.memory_space<vmem>>, vector<512x128xf32>,
    %get3A_36 = arith.constant 0 : index
    %get3A_37 = arith.constant 0 : index
    %get3A_38 = vector.load %arg5[%get3A_36, %get3A_37] : memref<128x128xf32, #tpu.memory_space<vmem>>, vector<128x128xf32>
    %dot_general3A_39 = arith.constant dense<0.000000e+00> : vector<512x128xf32>
    %dot_general3A_40 = tpu.matmul %max3A_29, %get3A_38, %dot_general3A_39 {dimension_numbers = #tpu.dot_dimension_numbers<[1], [1], [0], [0], [0, 0, 1, 0], [], []>, transpose_lhs_hint = false} : vector<512x128xf32>, vector<128x128xf32>, vector<512x128xf32> -> vector<512x128xf32>
    %get3A_41 = arith.constant 0 : index
    %get3A_42 = arith.constant 0 : index
    %get3A_43 = vector.load %arg6[%get3A_41, %get3A_42] : memref<1x128xf32, #tpu.memory_space<vmem>>, vector<1x128xf32>
    %add3A_44 = vector.broadcast %get3A_43 : vector<1x128xf32> to vector<512x128xf32>
    %add3A_45 = arith.addf %dot_general3A_40, %add3A_44 : vector<512x128xf32>
    %swap3A_46 = arith.constant 0 : index
    %swap3A_47 = arith.constant 0 : index
    %swap3A_48 = vector.load %arg8[%swap3A_46, %swap3A_47] : memref<512x128xf32, #tpu.memory_space<vmem>>, vector<512x128xf32>
    tpu.vector_store %arg8[%swap3A_46, %swap3A_47], %add3A_45 {strides = array<i32>} : memref<512x128xf32, #tpu.memory_space<vmem>>, vector<512x128xf32>,
    return
  }
  func.func @transform_0(%arg0: i32) -> (i32, i32, i32) {
    %c0_i32 = arith.constant 0 : i32
    %c0_i32_0 = arith.constant 0 : i32
    %c0_i32_1 = arith.constant 0 : i32
    return %c0_i32, %arg0, %c0_i32_0 : i32, i32, i32
  }
  func.func @transform_1(%arg0: i32) -> (i32, i32, i32) {
    %c0_i32 = arith.constant 0 : i32
    %c0_i32_0 = arith.constant 0 : i32
    %c0_i32_1 = arith.constant 0 : i32
    return %c0_i32, %arg0, %c0_i32_0 : i32, i32, i32
  }
  func.func @transform_2(%arg0: i32) -> (i32, i32) {
    %c0_i32 = arith.constant 0 : i32
    %c0_i32_0 = arith.constant 0 : i32
    return %arg0, %c0_i32 : i32, i32
  }
  func.func @transform_3(%arg0: i32) -> (i32, i32) {
    %c0_i32 = arith.constant 0 : i32
    %c0_i32_0 = arith.constant 0 : i32
    %c0_i32_1 = arith.constant 0 : i32
    return %c0_i32, %c0_i32_0 : i32, i32
  }
  func.func @transform_4(%arg0: i32) -> (i32, i32) {
    %c0_i32 = arith.constant 0 : i32
    %c0_i32_0 = arith.constant 0 : i32
    %c0_i32_1 = arith.constant 0 : i32
    return %c0_i32, %c0_i32_0 : i32, i32
  }
  func.func @transform_5(%arg0: i32) -> (i32, i32) {
    %c0_i32 = arith.constant 0 : i32
    %c0_i32_0 = arith.constant 0 : i32
    %c0_i32_1 = arith.constant 0 : i32
    return %c0_i32, %c0_i32_0 : i32, i32
  }
  func.func @transform_6(%arg0: i32) -> (i32, i32) {
    %c0_i32 = arith.constant 0 : i32
    %c0_i32_0 = arith.constant 0 : i32
    return %arg0, %c0_i32 : i32, i32
  }
  func.func @transform_7(%arg0: i32) -> (i32, i32) {
    %c0_i32 = arith.constant 0 : i32
    %c0_i32_0 = arith.constant 0 : i32
    return %arg0, %c0_i32 : i32, i32
  }
}

module attributes {stable_mosaic.version = 14 : i64} {
  func.func @_tc_out_body(%arg0: i32, %arg1: memref<2x512x128xf32, #tpu.memory_space<vmem>>, %arg2: memref<2x512x16xf32, #tpu.memory_space<vmem>>, %arg3: memref<512x128xf32, #tpu.memory_space<vmem>>, %arg4: memref<512x128xf32, #tpu.memory_space<vmem>>) attributes {dimension_semantics = [#tpu.dimension_semantics<arbitrary>], iteration_bounds = array<i64: 20>, scalar_prefetch = 0 : i64, scratch_operands = 0 : i64, tpu.core_type = #tpu.core_type<tc>, window_params = [{transform_indices = @transform_0, window_bounds = array<i64: 2, 512, 128>}, {transform_indices = @transform_1, window_bounds = array<i64: 2, 512, 16>}, {transform_indices = @transform_2, window_bounds = array<i64: 512, 128>}, {transform_indices = @transform_3, window_bounds = array<i64: 512, 128>}]} {
    %get3A = arith.constant 0 : index
    %get3A_0 = arith.constant 0 : index
    %get3A_1 = arith.constant 0 : index
    %get3A_2 = vector.load %arg1[%get3A, %get3A_0, %get3A_1] : memref<2x512x128xf32, #tpu.memory_space<vmem>>, vector<1x512x128xf32>
    %get3A_3 = vector.shape_cast %get3A_2 : vector<1x512x128xf32> to vector<512x128xf32>
    %get3A_4 = arith.constant 1 : index
    %get3A_5 = arith.constant 0 : index
    %get3A_6 = arith.constant 0 : index
    %get3A_7 = vector.load %arg1[%get3A_4, %get3A_5, %get3A_6] : memref<2x512x128xf32, #tpu.memory_space<vmem>>, vector<1x512x128xf32>
    %get3A_8 = vector.shape_cast %get3A_7 : vector<1x512x128xf32> to vector<512x128xf32>
    %add3A = arith.addf %get3A_3, %get3A_8 : vector<512x128xf32>
    %get3A_9 = arith.constant 0 : index
    %get3A_10 = arith.constant 0 : index
    %get3A_11 = arith.constant 0 : index
    %get3A_12 = vector.load %arg2[%get3A_9, %get3A_10, %get3A_11] : memref<2x512x16xf32, #tpu.memory_space<vmem>>, vector<1x512x1xf32>
    %get3A_13 = vector.shape_cast %get3A_12 : vector<1x512x1xf32> to vector<512x1xf32>
    %get3A_14 = arith.constant 1 : index
    %get3A_15 = arith.constant 0 : index
    %get3A_16 = arith.constant 0 : index
    %get3A_17 = vector.load %arg2[%get3A_14, %get3A_15, %get3A_16] : memref<2x512x16xf32, #tpu.memory_space<vmem>>, vector<1x512x1xf32>
    %get3A_18 = vector.shape_cast %get3A_17 : vector<1x512x1xf32> to vector<512x1xf32>
    %add3A_19 = arith.addf %get3A_13, %get3A_18 : vector<512x1xf32>
    %max3A = arith.constant 1.000000e+00 : f32
    %max3A_20 = vector.broadcast %max3A : f32 to vector<512x1xf32>
    %max3A_21 = arith.maximumf %add3A_19, %max3A_20 : vector<512x1xf32>
    %div3A = vector.broadcast %max3A_21 : vector<512x1xf32> to vector<512x128xf32>
    %div3A_22 = arith.divf %add3A, %div3A : vector<512x128xf32>
    %get3A_23 = arith.constant 0 : index
    %get3A_24 = arith.constant 0 : index
    %get3A_25 = vector.load %arg3[%get3A_23, %get3A_24] : memref<512x128xf32, #tpu.memory_space<vmem>>, vector<512x128xf32>
    %add3A_26 = arith.addf %div3A_22, %get3A_25 : vector<512x128xf32>
    %swap3A = arith.constant 0 : index
    %swap3A_27 = arith.constant 0 : index
    %swap3A_28 = vector.load %arg4[%swap3A, %swap3A_27] : memref<512x128xf32, #tpu.memory_space<vmem>>, vector<512x128xf32>
    tpu.vector_store %arg4[%swap3A, %swap3A_27], %add3A_26 {strides = array<i32>} : memref<512x128xf32, #tpu.memory_space<vmem>>, vector<512x128xf32>,
    return
  }
  func.func @transform_0(%arg0: i32) -> (i32, i32, i32) {
    %c0_i32 = arith.constant 0 : i32
    %c0_i32_0 = arith.constant 0 : i32
    %c0_i32_1 = arith.constant 0 : i32
    return %c0_i32, %arg0, %c0_i32_0 : i32, i32, i32
  }
  func.func @transform_1(%arg0: i32) -> (i32, i32, i32) {
    %c0_i32 = arith.constant 0 : i32
    %c0_i32_0 = arith.constant 0 : i32
    %c0_i32_1 = arith.constant 0 : i32
    return %c0_i32, %arg0, %c0_i32_0 : i32, i32, i32
  }
  func.func @transform_2(%arg0: i32) -> (i32, i32) {
    %c0_i32 = arith.constant 0 : i32
    %c0_i32_0 = arith.constant 0 : i32
    return %arg0, %c0_i32 : i32, i32
  }
  func.func @transform_3(%arg0: i32) -> (i32, i32) {
    %c0_i32 = arith.constant 0 : i32
    %c0_i32_0 = arith.constant 0 : i32
    return %arg0, %c0_i32 : i32, i32
  }
}

</mosaic_0001>

<sc_bundles>
// kernel: kernel.10.cloned.1.call-start
scs
__scs_entry_jumppad:
0x0: {  	(pc) =	sbr.rel $0x88, $3  }
0x1: {  	(tag) =	ssettag $0x0;
	lr =	simm.s32 $0x1  }
0x2: {  	[smem:$0x3F99] =	sst lr;
	_ =	strace $0xD0000000  }
0x3: {  	_ = 	snop  }
0x4: {  	_ = 	snop  }
0x5: {  	_ = 	snop  }
0x6: {  	_ = 	snop  }
0x7: {  	_ = 	snop  }
__scs_overlays_trampoline_lowered:
0x8: {  	[smem:$0x3FA8] =	sst s0  }
0x9: {  	[smem:$0x3FA9] =	sst s1  }
0xa: {  	[smem:$0x3FAA] =	sst s2  }
0xb: {  	[smem:$0x3FAB] =	sst s3  }
0xc: {  	[smem:$0x3FAC] =	sst s4  }
0xd: {  	[smem:$0x3FAD] =	sst s5  }
0xe: {  	[smem:$0x3FAE] =	sst s6  }
0xf: {  	[smem:$0x3FAF] =	sst s7  }
0x10: {  	[smem:$0x3FB0] =	sst s8  }
0x11: {  	[smem:$0x3FB1] =	sst s9;
	s0 =	simm.s32 @!p0 $0x0  }
0x12: {  	s1 =	sld [smem:$0x3F97];
	s0 =	simm.s32 @p0 $0x1  }
0x13: {  	[smem:$0x3FB2] =	sst s0;
	s0 =	simm.s32 @!p1 $0x0  }
0x14: {  	s2 =	sld [smem:$0x3F96];
	s0 =	simm.s32 @p1 $0x1  }
0x15: {  	[smem:$0x3FB3] =	sst s0;
	s0 =	simm.s32 @!p2 $0x0  }
0x16: {  	s3 =	sld [smem:$0x3FDB];
	s0 =	simm.s32 @p2 $0x1  }
0x17: {  	s4 =	simm.s32 $0x1BF5;
	[smem:$0x3FB5] =	sst s0  }
0x18: {  	s0 =	sld [smem:$0x3F98];
	_ =	swait.ge [sflag:s4], $0x0  }
0x19: {  	s7 =	sld [smem:$0x3F99]  }
0x1a: {  	s8 =	sadd.s32 $0xFFFFE003, lr  }
0x1b: {  	s9 =	sadd.s32 $0xFFFFFEF7, lr;
	s5 =	simm.s32 $0xFFFFFFFF;
	p2 =	slt.u32 s8, $0xFFFFF086  }
0x1c: {  	p1 =	slt.u32 s9, $0xF7A;
	s5 =	simm.s32 @!p2 $0x0  }
0x1d: {  	s5 =	simm.s32 @p1 $0x1;
	p0 =	seq.s32 s7, s2  }
0x1e: {  	s7 =	smul.u32 @!p0 $0xF7A, s2;
	p2 =	seq.s32 @!p0 s5, $0x0  }
0x1f: {  	s9 =	smul.u32 $0xF7A, s1;
	s8 =	simm.s32 @!p0 $0x1BF5;
	p2 =	por !p2, p0  }
0x20: {  	[sflag:s8] =	ssyncset.s32 @!p0 $0xFFFFF086;
	s6 =	sadd.s32 @!p0 s3, s7;
	s7 =	simm.s32 @!p0 $0x108  }
0x21: {  	s3 =	sadd.s32 s3, s9;
	s6 =	sadd.s32 @!p0 $0x88, s6;
	s7 =	simm.s32 @p2 $0x1082  }
0x22: {  	[simem:s7], [sflag:s8] =	dma.local @!p0 [hbm:s6], $0xF7A  }
0x23: {  	s9 =	sor.u32 $0xD0000000, s2;
	s6 =	simm.s32 $0x108;
	_ =	swait.ge @!p0 [sflag:s8], $0x0  }
0x24: {  	s3 =	sadd.s32 $0x88, s3;
	s6 =	simm.s32 @!p1 $0x1082;
	[sflag:s4] =	ssyncset.s32 $0xFFFFF086  }
0x25: {  	[simem:s6], [sflag:s4] =	dma.local [hbm:s3], $0xF7A  }
0x26: {  	[smem:$0x3F99] =	sst s1;
	(tag) =	ssettag s2;
	_ =	strace s9  }
0x27: {  	s1 =	sld [smem:$0x3FA9]  }
0x28: {  	s2 =	sld [smem:$0x3FAA]  }
0x29: {  	s4 =	sld [smem:$0x3FAC]  }
0x2a: {  	p0 =	seq.s32 s5, $0x0;
	s5 =	sld [smem:$0x3FAD]  }
0x2b: {  	s6 =	sld [smem:$0x3FAE]  }
0x2c: {  	s7 =	sld [smem:$0x3FAF]  }
0x2d: {  	s3 =	simm.s32 $0x108;
	s8 =	sld [smem:$0x3FB0]  }
0x2e: {  	s3 =	simm.s32 @!p0 $0x1082;
	s9 =	sld [smem:$0x3FB1]  }
0x2f: {  	lr =	sadd.s32 s0, s3;
	s0 =	sld [smem:$0x3FA8]  }
0x30: {  	s3 =	sld [smem:$0x3FAB]  }
0x31: {  	[smem:$0x3FB4] =	sst s10  }
0x32: {  	s10 =	sld [smem:$0x3FB2];
	_ =	sdelay $0x3  }
0x33: {  	p0 =	seq.s32 s10, $0x1;
	s10 =	sld [smem:$0x3FB4];
	_ =	sdelay $0x3  }
0x34: {  	[smem:$0x3FB4] =	sst s10  }
0x35: {  	s10 =	sld [smem:$0x3FB3];
	_ =	sdelay $0x3  }
0x36: {  	p1 =	seq.s32 s10, $0x1;
	s10 =	sld [smem:$0x3FB4];
	_ =	sdelay $0x3  }
0x37: {  	[smem:$0x3FB4] =	sst s10  }
0x38: {  	s10 =	sld [smem:$0x3FB5]  }
0x39: {  	_ = 	snop;
	(pc) =	sbr.ind lr, $3  }
0x3a: {  	_ = 	snop  }
0x3b: {  	_ = 	snop  }
0x3c: {  	p2 =	seq.s32 s10, $0x1;
	s10 =	sld [smem:$0x3FB4]  }
0x3d: {  	_ =	shalt  }
0x3e: {  	_ =	shalt  }
0x3f: {  	_ =	shalt  }
0x40: {  	_ =	shalt  }
0x41: {  	_ =	shalt  }
0x42: {  	_ =	shalt  }
0x43: {  	_ =	shalt  }
0x44: {  	_ =	shalt  }
0x45: {  	_ =	shalt  }
0x46: {  	_ =	shalt  }
0x47: {  	_ =	shalt  }
0x48: {  	_ =	shalt  }
0x49: {  	_ =	shalt  }
0x4a: {  	_ =	shalt  }
0x4b: {  	_ =	shalt  }
0x4c: {  	_ =	shalt  }
0x4d: {  	_ =	shalt  }
0x4e: {  	_ =	shalt  }
0x4f: {  	_ =	shalt  }
0x50: {  	_ =	shalt  }
0x51: {  	_ =	shalt  }
0x52: {  	_ =	shalt  }
0x53: {  	_ =	shalt  }
0x54: {  	_ =	shalt  }
0x55: {  	_ =	shalt  }
0x56: {  	_ =	shalt  }
0x57: {  	_ =	shalt  }
0x58: {  	_ =	shalt  }
0x59: {  	_ =	shalt  }
0x5a: {  	_ =	shalt  }
0x5b: {  	_ =	shalt  }
0x5c: {  	_ =	shalt  }
0x5d: {  	_ =	shalt  }
0x5e: {  	_ =	shalt  }
0x5f: {  	_ =	shalt  }
0x60: {  	_ =	shalt  }
0x61: {  	_ =	shalt  }
0x62: {  	_ =	shalt  }
0x63: {  	_ =	shalt  }
0x64: {  	_ =	shalt  }
0x65: {  	_ =	shalt  }
0x66: {  	_ =	shalt  }
0x67: {  	_ =	shalt  }
0x68: {  	_ =	shalt  }
0x69: {  	_ =	shalt  }
0x6a: {  	_ =	shalt  }
0x6b: {  	_ =	shalt  }
0x6c: {  	_ =	shalt  }
0x6d: {  	_ =	shalt  }
0x6e: {  	_ =	shalt  }
0x6f: {  	_ =	shalt  }
0x70: {  	_ =	shalt  }
0x71: {  	_ =	shalt  }
0x72: {  	_ =	shalt  }
0x73: {  	_ =	shalt  }
0x74: {  	_ =	shalt  }
0x75: {  	_ =	shalt  }
0x76: {  	_ =	shalt  }
0x77: {  	_ =	shalt  }
0x78: {  	_ =	shalt  }
0x79: {  	_ =	shalt  }
0x7a: {  	_ =	shalt  }
0x7b: {  	_ =	shalt  }
0x7c: {  	_ =	shalt  }
0x7d: {  	_ =	shalt  }
0x7e: {  	_ =	shalt  }
0x7f: {  	_ =	shalt  }
0x80: {  	_ =	shalt  }
0x81: {  	_ =	shalt  }
0x82: {  	_ =	shalt  }
0x83: {  	_ =	shalt  }
0x84: {  	_ =	shalt  }
0x85: {  	_ =	shalt  }
0x86: {  	_ =	shalt  }
0x87: {  	_ =	shalt  }
.Lfunc_end0:
.L_simem_size_0:
called_computation.1_lowered:
.L_overlay_start_0:
0x88: {  	s2 =	sld [smem:$0x3FD9]  }
0x89: {  	s3 =	sld [smem:$0x3FFE];
	_ =	sdelay $0x1  }
0x8a: {  	s1 =	srdreg.scid  }
0x8b: {  	s0 =	sand.u32 $0x1, s1  }
0x8c: {  	s17 =	sshll.u32 s0, $0xA;
	s2 =	sadd.s32 s3, s2  }
0x8d: {  	s2 =	sadd.s32 s2, s17  }
0x8e: {  	[smem:$0x3FC0] =	sst s2  }
0x8f: {  	_ = 	snop  }
0x90: {  	s2 =	sld [smem:$0x3FD0];
	(tm) =	ssettm $0x1  }
0x91: {  	s18 =	sld [smem:$0x3FFB];
	_ =	sdelay $0x3  }
0x92: {  	_ =	strace s18  }
0x93: {  	s3 =	sld [smem:$0x3FFC];
	_ =	sdelay $0x3  }
0x94: {  	_ =	strace s3  }
0x95: {  	s3 =	sld [smem:$0x3FFD];
	_ =	sdelay $0x3  }
0x96: {  	_ =	strace s3  }
0x97: {  	_ =	strace $0x8FFFFFFF  }
0x98: {  	s19 =	sld [smem:$0x3FDB];
	_ =	sdelay $0x1  }
0x99: {  	s4 =	simm.s32 $_scs_section_size  }
0x9a: {  	s5 =	simm.s32 $_size__tile_overlayer_lowered;
	s6 =	simm.s32 $_tile_overlayer_lowered  }
0x9b: {  	s22 =	simm.s32 $0x1BFF;
	s21 =	sshll.u32 s6, $0x1;
	s3 =	sadd.s32 s4, s19  }
0x9c: {  	s7 =	simm.s32 $0x0;
	s20 =	sshll.u32 s5, $0x1;
	s5 =	sadd.s32 s21, s3  }
0x9d: {  	[timem:s7], [sflag:s22] =	dma.local [hbm:s5], s20  }
0x9e: {  	_ =	swait.ge [sflag:s22], s20  }
0x9f: {  	s4 =	ssub.s32 $0x0, s20;
	[sflag:s22] =	ssyncset.done $0x0  }
0xa0: {  	[sflag:s22] =	ssyncadd.s32 s4;
	_ =	sdelay $0x1  }
0xa1: {  	s23 =	simm.s32 $0x1B8B  }
0xa2: {  	_ =	swait.ge [sflag:s23], $0x1  }
0xa3: {  	[sflag:s23] =	ssyncset.done $0x0  }
0xa4: {  	s25 =	simm.s32 $0x1B8E;
	s24 =	sld [smem:$0x3FFE];
	[sflag:s23] =	ssyncadd.s32 $0xFFFFFFFF  }
0xa5: {  	s26 =	simm.s32 $execute0_lowered;
	[smem:$0x3FD2] =	sst s25  }
0xa6: {  	s5 =	sshll.u32 s26, $0x1;
	_ =	strace $0x80000049;
	[dreg:$0x1] =	wrdreg $0xFFFFFFFF  }
0xa7: {  	s28 =	simm.s32 $_size_execute0_lowered;
	s3 =	sadd.s32 s3, s5;
	[dreg:$0x0] =	wrdreg $0x0  }
0xa8: {  	s5 =	sshll.u32 s28, $0x1;
	[dreg:$0x2] =	wrdreg s3  }
0xa9: {  	[dreg:$0x3] =	wrdreg s5  }
0xaa: {  	[dreg:$0x4] =	wrdreg $0xC0  }
0xab: {  	_ =	task [dreg:s7], $0x5FFFF  }
0xac: {  	[dreg:$0x1] =	wrdreg $0xFFFFFFFF  }
0xad: {  	[dreg:$0x0] =	wrdreg $0x60  }
0xae: {  	[dreg:$0x2] =	wrdreg s24  }
0xaf: {  	[dreg:$0x3] =	wrdreg s2  }
0xb0: {  	[dreg:$0x4] =	wrdreg $0x0  }
0xb1: {  	[dreg:$0x5] =	wrdreg $0x9  }
0xb2: {  	_ =	task.clear_ibuf [dreg:s7], $0x6FFFF;
	_ =	strace $0x90000049  }
0xb3: {  	s29 =	simm.s32 $0x9;
	_ =	strace $0x8000004B  }
0xb4: {  	_ =	swait.ge [sflag:s29], $0x1  }
0xb5: {  	[sflag:s29] =	ssyncadd.s32 $0xFFFFFFFF  }
0xb6: {  	_ =	strace $0x9000004B  }
0xb7: {  	_ =	sfence  }
0xb8: {  	s30 =	sld [smem:$0x0];
	_ =	sdelay $0x2  }
0xb9: {  	s31 =	sshll.u32 s1, $0xD;
	s1 =	sshrl.u32 s1, $0x2  }
0xba: {  	s3 =	sand.u32 $0x4000, s31;
	s1 =	sadd.s32 s1, s30  }
0xbb: {  	s0 =	sor.u32 s3, s0;
	s1 =	sshll.u32 s1, $0x11  }
0xbc: {  	s0 =	sor.u32 s1, s0  }
0xbd: {  	s0 =	sadd.s32 $0x8F2B, s0  }
0xbe: {  	[sflag:s0] =	ssyncadd.remote.s32 $0x1  }
0xbf: {  	_ =	sfence.sel $0xFFFF  }
0xc0: {  	[dreg:$0x0] =	wrdreg $0xFFFFFFFF;
	(pc) =	sbr.abs _section_cstart, $3  }
0xc1: {  	[dreg:$0x1] =	wrdreg $0xFFFFFFFF  }
0xc2: {  	_ =	task.clear_ibuf [dreg:s7], $0x2FFFF;
	_ =	strace $0x9FFFFFFF  }
0xc3: {  	(tm) =	ssettm $0x7FFFFFFF  }
tec
execute0_lowered:
.L_overlay_start_1:
0x0: {  	(tag) =	ssettag $0x1  }
0x1: {  	s0 =	rddreg [dreg:$0x0]  }
0x2: {  	s2 =	rddreg [dreg:$0x1];
	s1 =	srdreg.scid  }
0x3: {  	s18 =	stileid.u32;
	s3 =	rddreg [dreg:$0x2]  }
0x4: {  	s28 =	simm.s32 $0x14400;
	s29 =	simm.s32 $0x3;
	s30 =	simm.s32 $0x14000  }
0x5: {  	s31 =	simm.s32 $0x50;
	s1 =	sand.u32 $0x1, s1;
	s8 =	smul.u32 $0x14000, s18  }
0x6: {  	s4 =	sshll.u32 s18, $0x1;
	s9 =	sadd.s32 $0x2CC00, s0;
	s20 =	smul.u32 $0xFC00, s18  }
0x7: {  	s5 =	sor.u32 s1, s4;
	s4 =	simm.s32 $0x0;
	s6 =	ssub.s32 $0x2, s1  }
0x8: {  	s5 =	smul.u32 $0x7E00, s5;
	[smem:$0x7FF] =	sst s4;
	s7 =	sshrl.u32 s6, $0x1  }
0x9: {  	s10 =	sor.u32 $0x2800, s8;
	s11 =	sadd.s32 $0x5000, s8;
	s12 =	sadd.s32 $0x7800, s8  }
0xa: {  	s14 =	sadd.s32 $0xA000, s8;
	s6 =	ssub.s32 s6, s7;
	s7 =	smul.u32 $0x140000, s1  }
0xb: {  	s15 =	sadd.s32 $0xC800, s8;
	s17 =	sadd.s32 $0xF000, s8;
	s24 =	sadd.s32 $0x11800, s8  }
0xc: {  	s1 =	smul.u32 $0x7E00, s1;
	s5 =	sshrl.u32 s5, $0x3;
	s8 =	sadd.s32 s7, s8  }
0xd: {  	s13 =	sadd.s32 s7, s10;
	s16 =	sadd.s32 s7, s11;
	s23 =	sadd.s32 s7, s12  }
0xe: {  	s25 =	sadd.s32 s7, s14;
	s26 =	sadd.s32 s7, s15;
	s19 =	sadd.s32 s7, s17  }
0xf: {  	s7 =	sadd.s32 s7, s24;
	s1 =	sadd.s32 s1, s20;
	s20 =	sadd.s32 s11, s3  }
0x10: {  	s17 =	sadd.s32 s17, s3;
	s11 =	simm.s32 $0x14280;
	s8 =	sshrl.u32 s8, $0x3  }
0x11: {  	s13 =	sshrl.u32 s13, $0x3;
	s22 =	sshrl.u32 s16, $0x3;
	s16 =	sshrl.u32 s26, $0x3  }
0x12: {  	s7 =	sshrl.u32 s7, $0x3;
	s26 =	sadd.s32 $0x200, s1;
	s1 =	sadd.s32 $0x400, s1  }
0x13: {  	s8 =	sadd.s32 s9, s8;
	s21 =	sadd.s32 s9, s13;
	s13 =	sshrl.u32 s25, $0x3  }
0x14: {  	s7 =	sadd.s32 s9, s7;
	s25 =	smax.u32 s6, $0x1;
	[dreg:$0x4] =	wrdreg s8  }
0x15: {  	s6 =	simm.s32 $0x14080;
	[dreg:$0x5] =	wrdreg s21;
	s8 =	sadd.s32 s9, s22  }
0x16: {  	s13 =	sadd.s32 s9, s13;
	s21 =	smul.u32 $0x50000, s18;
	[dreg:$0xb] =	wrdreg s7  }
0x17: {  	s18 =	sadd.s32 s15, s3;
	[dreg:$0x6] =	wrdreg s8;
	s8 =	sshrl.u32 s23, $0x3  }
0x18: {  	s7 =	simm.s32 $0x14200;
	[dreg:$0x8] =	wrdreg s13;
	s8 =	sadd.s32 s9, s8  }
0x19: {  	s13 =	sadd.s32 $0x2400, s0;
	[dreg:$0x7] =	wrdreg s8;
	s8 =	sadd.s32 s9, s16  }
0x1a: {  	s0 =	sadd.s32 $0x2C400, s0;
	[dreg:$0x9] =	wrdreg s8;
	s8 =	sshrl.u32 s19, $0x3  }
0x1b: {  	s23 =	sadd.s32 s2, s5;
	s5 =	simm.s32 $0x1;
	s8 =	sadd.s32 s9, s8  }
0x1c: {  	s22 =	sshrl.u32 s21, $0x2;
	s21 =	sadd.s32 s12, s3;
	[dreg:$0xa] =	wrdreg s8  }
0x1d: {  	s12 =	simm.s32 $0x14380;
	_ =	strace $0x8000004A;
	[dreg:$0xc] =	wrdreg s0  }
0x1e: {  	s16 =	sadd.s32 s22, s3;
	s22 =	sadd.s32 s24, s3;
	[dreg:$0xd] =	wrdreg s23  }
0x1f: {  	s9 =	simm.s32 $0x14180;
	s8 =	simm.s32 $0x2;
	[dreg:$0xe] =	wrdreg s25  }
0x20: {  	s25 =	sadd.s32 s10, s3;
	s23 =	sadd.s32 s14, s3;
	[dreg:$0x12] =	wrdreg s1  }
0x21: {  	s0 =	sshrl.u32 s26, $0x3;
	s1 =	simm.s32 $0x14100;
	[dreg:$0xf] =	wrdreg s18  }
0x22: {  	s10 =	simm.s32 $0x14300;
	s14 =	simm.s32 $0x0;
	[dreg:$0x11] =	wrdreg s21  }
0x23: {  	s26 =	sadd.s32 s0, s2;
	s0 =	simm.s32 $0x16C00;
	[dreg:$0x10] =	wrdreg s23  }
.LBB2_1:
0x24: {  	s15 =	rddreg [dreg:$0xc]  }
0x25: {  	[tilespmem:s28], [sflag:$0x3] =	stream.linear.gather [hbm4b:s15+s4], $0x2800, $0x38;
	[tilespmem:$0x19400] =	vst v63  }
0x26: {  	_ =	swait.ge [sflag:s29], $0x2800  }
0x27: {  	[sflag:s29] =	ssyncset.done $0x0  }
0x28: {  	[sflag:s29] =	ssyncadd.s32 $0xFFFFD800  }
0x29: {  	[spmem:s16] =	stream.linear.scatter [tilespmem:s28], [sflag:$0x3], $0x2800, $0x38;
	[tilespmem:$0x19400] =	vst v63  }
0x2a: {  	_ =	swait.ge [sflag:s29], $0x2800  }
0x2b: {  	[sflag:s29] =	ssyncset.done $0x0  }
0x2c: {  	[sflag:s29] =	ssyncadd.s32 $0xFFFFD800  }
0x2d: {  	[spmem:s25] =	stream.linear.scatter [tilespmem:s28], [sflag:$0x3], $0x2800, $0x38;
	[tilespmem:$0x19400] =	vst v63  }
0x2e: {  	_ =	swait.ge [sflag:s29], $0x2800  }
0x2f: {  	[sflag:s29] =	ssyncset.done $0x0  }
0x30: {  	[sflag:s29] =	ssyncadd.s32 $0xFFFFD800  }
0x31: {  	[spmem:s20] =	stream.linear.scatter [tilespmem:s28], [sflag:$0x3], $0x2800, $0x38;
	[tilespmem:$0x19400] =	vst v63  }
0x32: {  	_ =	swait.ge [sflag:s29], $0x2800  }
0x33: {  	[sflag:s29] =	ssyncset.done $0x0  }
0x34: {  	[sflag:s29] =	ssyncadd.s32 $0xFFFFD800  }
0x35: {  	[spmem:s21] =	stream.linear.scatter [tilespmem:s28], [sflag:$0x3], $0x2800, $0x38;
	[tilespmem:$0x19400] =	vst v63  }
0x36: {  	_ =	swait.ge [sflag:s29], $0x2800  }
0x37: {  	[sflag:s29] =	ssyncset.done $0x0  }
0x38: {  	[sflag:s29] =	ssyncadd.s32 $0xFFFFD800  }
0x39: {  	[spmem:s23] =	stream.linear.scatter [tilespmem:s28], [sflag:$0x3], $0x2800, $0x38;
	[tilespmem:$0x19400] =	vst v63  }
0x3a: {  	_ =	swait.ge [sflag:s29], $0x2800  }
0x3b: {  	[sflag:s29] =	ssyncset.done $0x0  }
0x3c: {  	s15 =	smov.u32 s18;
	[sflag:s29] =	ssyncadd.s32 $0xFFFFD800  }
0x3d: {  	[spmem:s15] =	stream.linear.scatter [tilespmem:s28], [sflag:$0x3], $0x2800, $0x38;
	[tilespmem:$0x19400] =	vst v63  }
0x3e: {  	_ =	swait.ge [sflag:s29], $0x2800  }
0x3f: {  	[sflag:s29] =	ssyncset.done $0x0  }
0x40: {  	s24 =	smov.u32 s17;
	[sflag:s29] =	ssyncadd.s32 $0xFFFFD800  }
0x41: {  	[spmem:s24] =	stream.linear.scatter [tilespmem:s28], [sflag:$0x3], $0x2800, $0x38;
	[tilespmem:$0x19400] =	vst v63  }
0x42: {  	_ =	swait.ge [sflag:s29], $0x2800  }
0x43: {  	[sflag:s29] =	ssyncset.done $0x0  }
0x44: {  	[sflag:s29] =	ssyncadd.s32 $0xFFFFD800  }
0x45: {  	[spmem:s22] =	stream.linear.scatter [tilespmem:s28], [sflag:$0x3], $0x2800, $0x38;
	[tilespmem:$0x19400] =	vst v63  }
0x46: {  	_ =	swait.ge [sflag:s29], $0x2800  }
0x47: {  	[sflag:s29] =	ssyncset.done $0x0  }
0x48: {  	[sflag:s29] =	ssyncadd.s32 $0xFFFFD800  }
0x49: {  	[bflag:$0x0] =	sbarrier.arrive $0xFFFF  }
0x4a: {  	s21 =	rddreg [dreg:$0xd]  }
0x4b: {  	[tilespmem:s30], [sflag:$0x3] =	stream.linear.gather [hbm4b:s21+s4], $0x200, $0x38;
	[tilespmem:$0x19400] =	vst v63  }
0x4c: {  	_ =	swait.ge [sflag:s29], $0x200  }
0x4d: {  	[sflag:s29] =	ssyncset.done $0x0  }
0x4e: {  	[sflag:s29] =	ssyncadd.s32 $0xFFFFFE00  }
0x4f: {  	[tilespmem:s28], [sflag:$0x1] =	stream.indirect.gather [hbm4b:s13+s31], $0x80, s30, s31, $0xb8;
	[tilespmem:$0x19400] =	vst v63  }
0x50: {  	_ = 	snop  }
0x51: {  	[tilespmem:s0], [sflag:$0x2] =	stream.indirect.gather [hbm4b:s13+s31], $0x80, s1, s31, $0xb8;
	[tilespmem:$0x19400] =	vst v63  }
0x52: {  	_ =	swait.ge [sflag:s5], $0x2800  }
0x53: {  	[sflag:s5] =	ssyncset.done $0x0  }
0x54: {  	[sflag:s5] =	ssyncadd.s32 $0xFFFFD800  }
0x55: {  	[spmem:s3] =	stream.indirect.scatter.add.f32 [tilespmem:s28], [sflag:$0x3], $0x80, s6, s31, $0xb8;
	[tilespmem:$0x19400] =	vst v63  }
0x56: {  	_ =	swait.ge [sflag:s29], $0x2800  }
0x57: {  	[sflag:s29] =	ssyncset.done $0x0  }
0x58: {  	s23 =	sadd.s32 $0x0, s26;
	[sflag:s29] =	ssyncadd.s32 $0xFFFFD800  }
0x59: {  	[tilespmem:s7], [sflag:$0x3] =	stream.linear.gather [hbm4b:s23+s4], $0x200, $0x38;
	[tilespmem:$0x19400] =	vst v63  }
0x5a: {  	_ =	swait.ge [sflag:s29], $0x200  }
0x5b: {  	[sflag:s29] =	ssyncset.done $0x0  }
0x5c: {  	[sflag:s29] =	ssyncadd.s32 $0xFFFFFE00  }
0x5d: {  	[tilespmem:s28], [sflag:$0x1] =	stream.indirect.gather [hbm4b:s13+s31], $0x80, s7, s31, $0xb8;
	[tilespmem:$0x19400] =	vst v63  }
0x5e: {  	_ =	swait.ge [sflag:s8], $0x2800  }
0x5f: {  	[sflag:s8] =	ssyncset.done $0x0  }
0x60: {  	[sflag:s8] =	ssyncadd.s32 $0xFFFFD800  }
0x61: {  	[spmem:s3] =	stream.indirect.scatter.add.f32 [tilespmem:s0], [sflag:$0x3], $0x80, s9, s31, $0xb8;
	[tilespmem:$0x19400] =	vst v63  }
0x62: {  	_ =	swait.ge [sflag:s29], $0x2800  }
0x63: {  	[sflag:s29] =	ssyncset.done $0x0  }
0x64: {  	[sflag:s29] =	ssyncadd.s32 $0xFFFFD800  }
0x65: {  	[tilespmem:s0], [sflag:$0x2] =	stream.indirect.gather [hbm4b:s13+s31], $0x80, s10, s31, $0xb8;
	[tilespmem:$0x19400] =	vst v63  }
0x66: {  	_ =	swait.ge [sflag:s5], $0x2800  }
0x67: {  	[sflag:s5] =	ssyncset.done $0x0  }
0x68: {  	[sflag:s5] =	ssyncadd.s32 $0xFFFFD800  }
0x69: {  	[spmem:s3] =	stream.indirect.scatter.add.f32 [tilespmem:s28], [sflag:$0x3], $0x80, s11, s31, $0xb8;
	[tilespmem:$0x19400] =	vst v63  }
0x6a: {  	_ =	swait.ge [sflag:s29], $0x2800  }
0x6b: {  	s19 =	smov.u32 s25;
	s25 =	rddreg [dreg:$0x12]  }
0x6c: {  	s17 =	smov.u32 s24;
	[sflag:s29] =	ssyncset.done $0x0;
	s24 =	sshrl.u32 s25, $0x3  }
0x6d: {  	[sflag:s29] =	ssyncadd.s32 $0xFFFFD800;
	s15 =	sadd.s32 s2, s24  }
0x6e: {  	[tilespmem:s30], [sflag:$0x3] =	stream.linear.gather [hbm4b:s15+s4], $0x200, $0x38;
	[tilespmem:$0x19400] =	vst v63  }
0x6f: {  	_ =	swait.ge [sflag:s29], $0x200  }
0x70: {  	[sflag:s29] =	ssyncset.done $0x0  }
0x71: {  	[sflag:s29] =	ssyncadd.s32 $0xFFFFFE00  }
0x72: {  	[tilespmem:s28], [sflag:$0x1] =	stream.indirect.gather [hbm4b:s13+s31], $0x80, s30, s31, $0xb8;
	[tilespmem:$0x19400] =	vst v63  }
0x73: {  	_ =	swait.ge [sflag:s8], $0x2800  }
0x74: {  	[sflag:s8] =	ssyncset.done $0x0  }
0x75: {  	[sflag:s8] =	ssyncadd.s32 $0xFFFFD800  }
0x76: {  	[spmem:s3] =	stream.indirect.scatter.add.f32 [tilespmem:s0], [sflag:$0x3], $0x80, s12, s31, $0xb8;
	[tilespmem:$0x19400] =	vst v63  }
0x77: {  	_ =	swait.ge [sflag:s29], $0x2800  }
0x78: {  	s18 =	smov.u32 s16;
	s15 =	simm.s32 $0x80;
	[sflag:s29] =	ssyncset.done $0x0  }
.LBB2_2:
0x79: {  	p0 =	sne.s32 s15, $0xF00;
	[sflag:s29] =	ssyncadd.s32 $0xFFFFD800;
	s25 =	sadd.s32 $0x400, s25  }
0x7a: {  	[tilespmem:s0], [sflag:$0x2] =	stream.indirect.gather [hbm4b:s13+s31], $0x80, s1, s31, $0xb8;
	[tilespmem:$0x19400] =	vst v63  }
0x7b: {  	s16 =	smov.u32 s15;
	s15 =	sadd.s32 $0x80, s15;
	_ =	swait.ge [sflag:s5], $0x2800  }
0x7c: {  	[sflag:s5] =	ssyncset.done $0x0  }
0x7d: {  	[sflag:s5] =	ssyncadd.s32 $0xFFFFD800  }
0x7e: {  	[spmem:s3] =	stream.indirect.scatter.add.f32 [tilespmem:s28], [sflag:$0x3], $0x80, s6, s31, $0xb8;
	[tilespmem:$0x19400] =	vst v63  }
0x7f: {  	_ =	swait.ge [sflag:s29], $0x2800  }
0x80: {  	[sflag:s29] =	ssyncset.done $0x0  }
0x81: {  	s16 =	sadd.s32 s16, s26;
	[sflag:s29] =	ssyncadd.s32 $0xFFFFD800  }
0x82: {  	[tilespmem:s7], [sflag:$0x3] =	stream.linear.gather [hbm4b:s16+s4], $0x200, $0x38;
	[tilespmem:$0x19400] =	vst v63  }
0x83: {  	_ =	swait.ge [sflag:s29], $0x200  }
0x84: {  	[sflag:s29] =	ssyncset.done $0x0  }
0x85: {  	[sflag:s29] =	ssyncadd.s32 $0xFFFFFE00  }
0x86: {  	[tilespmem:s28], [sflag:$0x1] =	stream.indirect.gather [hbm4b:s13+s31], $0x80, s7, s31, $0xb8;
	[tilespmem:$0x19400] =	vst v63  }
0x87: {  	_ =	swait.ge [sflag:s8], $0x2800  }
0x88: {  	[sflag:s8] =	ssyncset.done $0x0  }
0x89: {  	[sflag:s8] =	ssyncadd.s32 $0xFFFFD800  }
0x8a: {  	[spmem:s3] =	stream.indirect.scatter.add.f32 [tilespmem:s0], [sflag:$0x3], $0x80, s9, s31, $0xb8;
	[tilespmem:$0x19400] =	vst v63  }
0x8b: {  	_ =	swait.ge [sflag:s29], $0x2800  }
0x8c: {  	[sflag:s29] =	ssyncset.done $0x0  }
0x8d: {  	[sflag:s29] =	ssyncadd.s32 $0xFFFFD800  }
0x8e: {  	[tilespmem:s0], [sflag:$0x2] =	stream.indirect.gather [hbm4b:s13+s31], $0x80, s10, s31, $0xb8;
	[tilespmem:$0x19400] =	vst v63  }
0x8f: {  	_ =	swait.ge [sflag:s5], $0x2800  }
0x90: {  	[sflag:s5] =	ssyncset.done $0x0  }
0x91: {  	[sflag:s5] =	ssyncadd.s32 $0xFFFFD800  }
0x92: {  	[spmem:s3] =	stream.indirect.scatter.add.f32 [tilespmem:s28], [sflag:$0x3], $0x80, s11, s31, $0xb8;
	[tilespmem:$0x19400] =	vst v63  }
0x93: {  	_ =	swait.ge [sflag:s29], $0x2800  }
0x94: {  	s16 =	sshrl.u32 s25, $0x3;
	[sflag:s29] =	ssyncset.done $0x0  }
0x95: {  	s16 =	sadd.s32 s2, s16;
	[sflag:s29] =	ssyncadd.s32 $0xFFFFD800  }
0x96: {  	[tilespmem:s30], [sflag:$0x3] =	stream.linear.gather [hbm4b:s16+s4], $0x200, $0x38;
	[tilespmem:$0x19400] =	vst v63  }
0x97: {  	_ =	swait.ge [sflag:s29], $0x200  }
0x98: {  	[sflag:s29] =	ssyncset.done $0x0  }
0x99: {  	[sflag:s29] =	ssyncadd.s32 $0xFFFFFE00  }
0x9a: {  	[tilespmem:s28], [sflag:$0x1] =	stream.indirect.gather [hbm4b:s13+s31], $0x80, s30, s31, $0xb8;
	[tilespmem:$0x19400] =	vst v63  }
0x9b: {  	_ =	swait.ge [sflag:s8], $0x2800  }
.Ltmp0:
0x9c: {  	[sflag:s8] =	ssyncset.done $0x0;
	(pc) =	sbr.rel @p0 .LBB2_2-.Ltmp0, $4  }
0x9d: {  	[sflag:s8] =	ssyncadd.s32 $0xFFFFD800  }
0x9e: {  	[spmem:s3] =	stream.indirect.scatter.add.f32 [tilespmem:s0], [sflag:$0x3], $0x80, s12, s31, $0xb8;
	[tilespmem:$0x19400] =	vst v63  }
0x9f: {  	_ =	swait.ge [sflag:s29], $0x2800  }
0xa0: {  	[sflag:s29] =	ssyncset.done $0x0  }
0xa1: {  	[sflag:s29] =	ssyncadd.s32 $0xFFFFD800  }
0xa2: {  	_ =	swait.ge [sflag:s5], $0x2800  }
0xa3: {  	[sflag:s5] =	ssyncset.done $0x0  }
0xa4: {  	[sflag:s5] =	ssyncadd.s32 $0xFFFFD800  }
0xa5: {  	[spmem:s3] =	stream.indirect.scatter.add.f32 [tilespmem:s28], [sflag:$0x3], $0x80, s6, s31, $0xb8;
	[tilespmem:$0x19400] =	vst v63  }
0xa6: {  	_ =	swait.ge [sflag:s29], $0x2800  }
0xa7: {  	[sflag:s29] =	ssyncset.done $0x0  }
0xa8: {  	[sflag:s29] =	ssyncadd.s32 $0xFFFFD800  }
0xa9: {  	[bflag:$0x0] =	sbarrier.arrive $0xFFFF  }
0xaa: {  	[tilespmem:s28], [sflag:$0x1] =	stream.linear.gather [spmem:s18], $0x2800, $0x38;
	[tilespmem:$0x19400] =	vst v63  }
0xab: {  	_ =	swait.ge [sflag:s5], $0x2800  }
0xac: {  	[sflag:s5] =	ssyncset.done $0x0  }
0xad: {  	s15 =	rddreg [dreg:$0x4];
	[sflag:s5] =	ssyncadd.s32 $0xFFFFD800  }
0xae: {  	[hbm4b:s15+s4] =	stream.linear.scatter [tilespmem:s28], [sflag:$0x3], $0x2800, $0x38;
	[tilespmem:$0x19400] =	vst v63  }
0xaf: {  	_ =	swait.ge [sflag:s29], $0x2800  }
0xb0: {  	[sflag:s29] =	ssyncset.done $0x0  }
0xb1: {  	[sflag:s29] =	ssyncadd.s32 $0xFFFFD800  }
0xb2: {  	[tilespmem:s28], [sflag:$0x1] =	stream.linear.gather [spmem:s19], $0x2800, $0x38;
	[tilespmem:$0x19400] =	vst v63  }
0xb3: {  	_ =	swait.ge [sflag:s5], $0x2800  }
0xb4: {  	[sflag:s5] =	ssyncset.done $0x0  }
0xb5: {  	s21 =	rddreg [dreg:$0x5];
	[sflag:s5] =	ssyncadd.s32 $0xFFFFD800  }
0xb6: {  	[hbm4b:s21+s4] =	stream.linear.scatter [tilespmem:s28], [sflag:$0x3], $0x2800, $0x38;
	[tilespmem:$0x19400] =	vst v63  }
0xb7: {  	_ =	swait.ge [sflag:s29], $0x2800  }
0xb8: {  	[sflag:s29] =	ssyncset.done $0x0  }
0xb9: {  	[sflag:s29] =	ssyncadd.s32 $0xFFFFD800  }
0xba: {  	[tilespmem:s28], [sflag:$0x1] =	stream.linear.gather [spmem:s20], $0x2800, $0x38;
	[tilespmem:$0x19400] =	vst v63  }
0xbb: {  	_ =	swait.ge [sflag:s5], $0x2800  }
0xbc: {  	[sflag:s5] =	ssyncset.done $0x0  }
0xbd: {  	s23 =	rddreg [dreg:$0x6];
	[sflag:s5] =	ssyncadd.s32 $0xFFFFD800  }
0xbe: {  	[hbm4b:s23+s4] =	stream.linear.scatter [tilespmem:s28], [sflag:$0x3], $0x2800, $0x38;
	[tilespmem:$0x19400] =	vst v63  }
0xbf: {  	_ =	swait.ge [sflag:s29], $0x2800  }
0xc0: {  	[sflag:s29] =	ssyncset.done $0x0  }
0xc1: {  	s21 =	rddreg [dreg:$0x11];
	[sflag:s29] =	ssyncadd.s32 $0xFFFFD800  }
0xc2: {  	[tilespmem:s28], [sflag:$0x1] =	stream.linear.gather [spmem:s21], $0x2800, $0x38;
	[tilespmem:$0x19400] =	vst v63  }
0xc3: {  	_ =	swait.ge [sflag:s5], $0x2800  }
0xc4: {  	[sflag:s5] =	ssyncset.done $0x0  }
0xc5: {  	s24 =	rddreg [dreg:$0x7];
	[sflag:s5] =	ssyncadd.s32 $0xFFFFD800  }
0xc6: {  	[hbm4b:s24+s4] =	stream.linear.scatter [tilespmem:s28], [sflag:$0x3], $0x2800, $0x38;
	[tilespmem:$0x19400] =	vst v63  }
0xc7: {  	_ =	swait.ge [sflag:s29], $0x2800  }
0xc8: {  	[sflag:s29] =	ssyncset.done $0x0  }
0xc9: {  	s23 =	rddreg [dreg:$0x10];
	[sflag:s29] =	ssyncadd.s32 $0xFFFFD800  }
0xca: {  	[tilespmem:s28], [sflag:$0x1] =	stream.linear.gather [spmem:s23], $0x2800, $0x38;
	[tilespmem:$0x19400] =	vst v63  }
0xcb: {  	_ =	swait.ge [sflag:s5], $0x2800  }
0xcc: {  	[sflag:s5] =	ssyncset.done $0x0  }
0xcd: {  	s16 =	smov.u32 s18;
	s18 =	rddreg [dreg:$0x8];
	[sflag:s5] =	ssyncadd.s32 $0xFFFFD800  }
0xce: {  	[hbm4b:s18+s4] =	stream.linear.scatter [tilespmem:s28], [sflag:$0x3], $0x2800, $0x38;
	[tilespmem:$0x19400] =	vst v63  }
0xcf: {  	_ =	swait.ge [sflag:s29], $0x2800  }
0xd0: {  	[sflag:s29] =	ssyncset.done $0x0  }
0xd1: {  	s18 =	rddreg [dreg:$0xf];
	[sflag:s29] =	ssyncadd.s32 $0xFFFFD800  }
0xd2: {  	[tilespmem:s28], [sflag:$0x1] =	stream.linear.gather [spmem:s18], $0x2800, $0x38;
	[tilespmem:$0x19400] =	vst v63  }
0xd3: {  	_ =	swait.ge [sflag:s5], $0x2800  }
0xd4: {  	[sflag:s5] =	ssyncset.done $0x0  }
0xd5: {  	s25 =	smov.u32 s19;
	s19 =	rddreg [dreg:$0x9];
	[sflag:s5] =	ssyncadd.s32 $0xFFFFD800  }
0xd6: {  	[hbm4b:s19+s4] =	stream.linear.scatter [tilespmem:s28], [sflag:$0x3], $0x2800, $0x38;
	[tilespmem:$0x19400] =	vst v63  }
0xd7: {  	_ =	swait.ge [sflag:s29], $0x2800  }
0xd8: {  	[sflag:s29] =	ssyncset.done $0x0  }
0xd9: {  	[sflag:s29] =	ssyncadd.s32 $0xFFFFD800  }
0xda: {  	[tilespmem:s28], [sflag:$0x1] =	stream.linear.gather [spmem:s17], $0x2800, $0x38;
	[tilespmem:$0x19400] =	vst v63  }
0xdb: {  	_ =	swait.ge [sflag:s5], $0x2800  }
0xdc: {  	[sflag:s5] =	ssyncset.done $0x0  }
0xdd: {  	s24 =	rddreg [dreg:$0xa];
	[sflag:s5] =	ssyncadd.s32 $0xFFFFD800  }
0xde: {  	[hbm4b:s24+s4] =	stream.linear.scatter [tilespmem:s28], [sflag:$0x3], $0x2800, $0x38;
	[tilespmem:$0x19400] =	vst v63  }
0xdf: {  	_ =	swait.ge [sflag:s29], $0x2800  }
0xe0: {  	[sflag:s29] =	ssyncset.done $0x0  }
0xe1: {  	[sflag:s29] =	ssyncadd.s32 $0xFFFFD800  }
0xe2: {  	[tilespmem:s28], [sflag:$0x1] =	stream.linear.gather [spmem:s22], $0x2800, $0x38;
	[tilespmem:$0x19400] =	vst v63  }
0xe3: {  	_ =	swait.ge [sflag:s5], $0x2800  }
0xe4: {  	[sflag:s5] =	ssyncset.done $0x0  }
0xe5: {  	s19 =	rddreg [dreg:$0xb];
	[sflag:s5] =	ssyncadd.s32 $0xFFFFD800  }
0xe6: {  	[hbm4b:s19+s4] =	stream.linear.scatter [tilespmem:s28], [sflag:$0x3], $0x2800, $0x38;
	[tilespmem:$0x19400] =	vst v63  }
0xe7: {  	_ =	swait.ge [sflag:s29], $0x2800  }
0xe8: {  	s14 =	sadd.s32 $0x1, s14;
	s24 =	rddreg [dreg:$0xe]  }
0xe9: {  	p0 =	sne.s32 s14, s24  }
.Ltmp1:
0xea: {  	_ = 	snop;
	(pc) =	sbr.rel @p0 .LBB2_1-.Ltmp1, $3  }
0xeb: {  	_ =	sdelay $0x1  }
0xec: {  	[sflag:s29] =	ssyncset.done $0x0  }
0xed: {  	[sflag:s29] =	ssyncadd.s32 $0xFFFFD800  }
0xee: {  	_ =	sfence.sel $0x180000  }
0xef: {  	[bflag:$0x0] =	sbarrier.arrive $0xFFFF  }
0xf0: {  	_ =	strace $0x9000004A  }
0xf1: {  	s0 =	stileid.u32;
	[bflag:$0x2] =	sbarrier.arrive $0xFFFF  }
0xf2: {  	p0 =	sne.s32 s0, $0x0;
	s0 =	rddreg [dreg:$0x3]  }
0xf3: {  	s0 =	sadd.s32 @!p0 $0x100000, s0  }
0xf4: {  	[sflag:s0] =	ssyncadd.tile.s32 @!p0 $0x1;
	_ =	shalt  }
.Lfunc_end2:
_tile_overlayer_lowered:
.L_overlay_start_2:
0xf5: {  	(tag) =	ssettag $0x2  }
0xf6: {  	s0 =	rddreg [dreg:$0x0];
	s2 =	stileid.u32  }
0xf7: {  	s1 =	rddreg [dreg:$0x1];
	p0 =	sne.s32 s2, $0x0  }
0xf8: {  	s3 =	rddreg [dreg:$0x2];
	[bflag:$0x3] =	sbarrier.arrive $0xFFFF;
	s2 =	simm.s32 @!p0 $0x1C03  }
0xf9: {  	[timem:s3], [sflag:s2] =	dma.local @!p0 [hbm:s0], s1  }
0xfa: {  	s0 =	simm.s32 @!p0 $0x3  }
0xfb: {  	_ =	swait.ge @!p0 [sflag:s0], s1  }
0xfc: {  	s1 =	ssub.s32 @!p0 $0x0, s1;
	[sflag:s0] =	ssyncset.done @!p0 $0x0  }
0xfd: {  	[sflag:s0] =	ssyncadd.s32 @!p0 s1  }
0xfe: {  	[bflag:$0x3] =	sbarrier.arrive $0xFFFF  }
0xff: {  	_ =	shalt  }

// kernel: kernel.7.cloned.1.call-start
scs
__scs_entry_jumppad:
0x0: {  	(pc) =	sbr.rel $0x88, $3  }
0x1: {  	(tag) =	ssettag $0x0;
	lr =	simm.s32 $0x1  }
0x2: {  	[smem:$0x3F99] =	sst lr;
	_ =	strace $0xD0000000  }
0x3: {  	_ = 	snop  }
0x4: {  	_ = 	snop  }
0x5: {  	_ = 	snop  }
0x6: {  	_ = 	snop  }
0x7: {  	_ = 	snop  }
__scs_overlays_trampoline_lowered:
0x8: {  	[smem:$0x3FA8] =	sst s0  }
0x9: {  	[smem:$0x3FA9] =	sst s1  }
0xa: {  	[smem:$0x3FAA] =	sst s2  }
0xb: {  	[smem:$0x3FAB] =	sst s3  }
0xc: {  	[smem:$0x3FAC] =	sst s4  }
0xd: {  	[smem:$0x3FAD] =	sst s5  }
0xe: {  	[smem:$0x3FAE] =	sst s6  }
0xf: {  	[smem:$0x3FAF] =	sst s7  }
0x10: {  	[smem:$0x3FB0] =	sst s8  }
0x11: {  	[smem:$0x3FB1] =	sst s9;
	s0 =	simm.s32 @!p0 $0x0  }
0x12: {  	s1 =	sld [smem:$0x3F97];
	s0 =	simm.s32 @p0 $0x1  }
0x13: {  	[smem:$0x3FB2] =	sst s0;
	s0 =	simm.s32 @!p1 $0x0  }
0x14: {  	s2 =	sld [smem:$0x3F96];
	s0 =	simm.s32 @p1 $0x1  }
0x15: {  	[smem:$0x3FB3] =	sst s0;
	s0 =	simm.s32 @!p2 $0x0  }
0x16: {  	s3 =	sld [smem:$0x3FDB];
	s0 =	simm.s32 @p2 $0x1  }
0x17: {  	s4 =	simm.s32 $0x1BF5;
	[smem:$0x3FB5] =	sst s0  }
0x18: {  	s0 =	sld [smem:$0x3F98];
	_ =	swait.ge [sflag:s4], $0x0  }
0x19: {  	s7 =	sld [smem:$0x3F99]  }
0x1a: {  	s8 =	sadd.s32 $0xFFFFE003, lr  }
0x1b: {  	s9 =	sadd.s32 $0xFFFFFEF7, lr;
	s5 =	simm.s32 $0xFFFFFFFF;
	p2 =	slt.u32 s8, $0xFFFFF086  }
0x1c: {  	p1 =	slt.u32 s9, $0xF7A;
	s5 =	simm.s32 @!p2 $0x0  }
0x1d: {  	s5 =	simm.s32 @p1 $0x1;
	p0 =	seq.s32 s7, s2  }
0x1e: {  	s7 =	smul.u32 @!p0 $0xF7A, s2;
	p2 =	seq.s32 @!p0 s5, $0x0  }
0x1f: {  	s9 =	smul.u32 $0xF7A, s1;
	s8 =	simm.s32 @!p0 $0x1BF5;
	p2 =	por !p2, p0  }
0x20: {  	[sflag:s8] =	ssyncset.s32 @!p0 $0xFFFFF086;
	s6 =	sadd.s32 @!p0 s3, s7;
	s7 =	simm.s32 @!p0 $0x108  }
0x21: {  	s3 =	sadd.s32 s3, s9;
	s6 =	sadd.s32 @!p0 $0x88, s6;
	s7 =	simm.s32 @p2 $0x1082  }
0x22: {  	[simem:s7], [sflag:s8] =	dma.local @!p0 [hbm:s6], $0xF7A  }
0x23: {  	s9 =	sor.u32 $0xD0000000, s2;
	s6 =	simm.s32 $0x108;
	_ =	swait.ge @!p0 [sflag:s8], $0x0  }
0x24: {  	s3 =	sadd.s32 $0x88, s3;
	s6 =	simm.s32 @!p1 $0x1082;
	[sflag:s4] =	ssyncset.s32 $0xFFFFF086  }
0x25: {  	[simem:s6], [sflag:s4] =	dma.local [hbm:s3], $0xF7A  }
0x26: {  	[smem:$0x3F99] =	sst s1;
	(tag) =	ssettag s2;
	_ =	strace s9  }
0x27: {  	s1 =	sld [smem:$0x3FA9]  }
0x28: {  	s2 =	sld [smem:$0x3FAA]  }
0x29: {  	s4 =	sld [smem:$0x3FAC]  }
0x2a: {  	p0 =	seq.s32 s5, $0x0;
	s5 =	sld [smem:$0x3FAD]  }
0x2b: {  	s6 =	sld [smem:$0x3FAE]  }
0x2c: {  	s7 =	sld [smem:$0x3FAF]  }
0x2d: {  	s3 =	simm.s32 $0x108;
	s8 =	sld [smem:$0x3FB0]  }
0x2e: {  	s3 =	simm.s32 @!p0 $0x1082;
	s9 =	sld [smem:$0x3FB1]  }
0x2f: {  	lr =	sadd.s32 s0, s3;
	s0 =	sld [smem:$0x3FA8]  }
0x30: {  	s3 =	sld [smem:$0x3FAB]  }
0x31: {  	[smem:$0x3FB4] =	sst s10  }
0x32: {  	s10 =	sld [smem:$0x3FB2];
	_ =	sdelay $0x3  }
0x33: {  	p0 =	seq.s32 s10, $0x1;
	s10 =	sld [smem:$0x3FB4];
	_ =	sdelay $0x3  }
0x34: {  	[smem:$0x3FB4] =	sst s10  }
0x35: {  	s10 =	sld [smem:$0x3FB3];
	_ =	sdelay $0x3  }
0x36: {  	p1 =	seq.s32 s10, $0x1;
	s10 =	sld [smem:$0x3FB4];
	_ =	sdelay $0x3  }
0x37: {  	[smem:$0x3FB4] =	sst s10  }
0x38: {  	s10 =	sld [smem:$0x3FB5]  }
0x39: {  	_ = 	snop;
	(pc) =	sbr.ind lr, $3  }
0x3a: {  	_ = 	snop  }
0x3b: {  	_ = 	snop  }
0x3c: {  	p2 =	seq.s32 s10, $0x1;
	s10 =	sld [smem:$0x3FB4]  }
0x3d: {  	_ =	shalt  }
0x3e: {  	_ =	shalt  }
0x3f: {  	_ =	shalt  }
0x40: {  	_ =	shalt  }
0x41: {  	_ =	shalt  }
0x42: {  	_ =	shalt  }
0x43: {  	_ =	shalt  }
0x44: {  	_ =	shalt  }
0x45: {  	_ =	shalt  }
0x46: {  	_ =	shalt  }
0x47: {  	_ =	shalt  }
0x48: {  	_ =	shalt  }
0x49: {  	_ =	shalt  }
0x4a: {  	_ =	shalt  }
0x4b: {  	_ =	shalt  }
0x4c: {  	_ =	shalt  }
0x4d: {  	_ =	shalt  }
0x4e: {  	_ =	shalt  }
0x4f: {  	_ =	shalt  }
0x50: {  	_ =	shalt  }
0x51: {  	_ =	shalt  }
0x52: {  	_ =	shalt  }
0x53: {  	_ =	shalt  }
0x54: {  	_ =	shalt  }
0x55: {  	_ =	shalt  }
0x56: {  	_ =	shalt  }
0x57: {  	_ =	shalt  }
0x58: {  	_ =	shalt  }
0x59: {  	_ =	shalt  }
0x5a: {  	_ =	shalt  }
0x5b: {  	_ =	shalt  }
0x5c: {  	_ =	shalt  }
0x5d: {  	_ =	shalt  }
0x5e: {  	_ =	shalt  }
0x5f: {  	_ =	shalt  }
0x60: {  	_ =	shalt  }
0x61: {  	_ =	shalt  }
0x62: {  	_ =	shalt  }
0x63: {  	_ =	shalt  }
0x64: {  	_ =	shalt  }
0x65: {  	_ =	shalt  }
0x66: {  	_ =	shalt  }
0x67: {  	_ =	shalt  }
0x68: {  	_ =	shalt  }
0x69: {  	_ =	shalt  }
0x6a: {  	_ =	shalt  }
0x6b: {  	_ =	shalt  }
0x6c: {  	_ =	shalt  }
0x6d: {  	_ =	shalt  }
0x6e: {  	_ =	shalt  }
0x6f: {  	_ =	shalt  }
0x70: {  	_ =	shalt  }
0x71: {  	_ =	shalt  }
0x72: {  	_ =	shalt  }
0x73: {  	_ =	shalt  }
0x74: {  	_ =	shalt  }
0x75: {  	_ =	shalt  }
0x76: {  	_ =	shalt  }
0x77: {  	_ =	shalt  }
0x78: {  	_ =	shalt  }
0x79: {  	_ =	shalt  }
0x7a: {  	_ =	shalt  }
0x7b: {  	_ =	shalt  }
0x7c: {  	_ =	shalt  }
0x7d: {  	_ =	shalt  }
0x7e: {  	_ =	shalt  }
0x7f: {  	_ =	shalt  }
0x80: {  	_ =	shalt  }
0x81: {  	_ =	shalt  }
0x82: {  	_ =	shalt  }
0x83: {  	_ =	shalt  }
0x84: {  	_ =	shalt  }
0x85: {  	_ =	shalt  }
0x86: {  	_ =	shalt  }
0x87: {  	_ =	shalt  }
.Lfunc_end0:
.L_simem_size_0:
called_computation_lowered:
.L_overlay_start_0:
0x88: {  	s2 =	sld [smem:$0x3FD9]  }
0x89: {  	s3 =	sld [smem:$0x3FFE];
	_ =	sdelay $0x1  }
0x8a: {  	s1 =	srdreg.scid  }
0x8b: {  	s0 =	sand.u32 $0x1, s1  }
0x8c: {  	s17 =	sshll.u32 s0, $0xA;
	s2 =	sadd.s32 s3, s2  }
0x8d: {  	s2 =	sadd.s32 s2, s17  }
0x8e: {  	[smem:$0x3FC0] =	sst s2  }
0x8f: {  	_ = 	snop  }
0x90: {  	s2 =	sld [smem:$0x3FD0];
	(tm) =	ssettm $0x1  }
0x91: {  	s18 =	sld [smem:$0x3FFB];
	_ =	sdelay $0x3  }
0x92: {  	_ =	strace s18  }
0x93: {  	s3 =	sld [smem:$0x3FFC];
	_ =	sdelay $0x3  }
0x94: {  	_ =	strace s3  }
0x95: {  	s3 =	sld [smem:$0x3FFD];
	_ =	sdelay $0x3  }
0x96: {  	_ =	strace s3  }
0x97: {  	_ =	strace $0x8FFFFFFF  }
0x98: {  	s19 =	sld [smem:$0x3FDB];
	_ =	sdelay $0x1  }
0x99: {  	s4 =	simm.s32 $_scs_section_size  }
0x9a: {  	s5 =	simm.s32 $_size__tile_overlayer_lowered;
	s6 =	simm.s32 $_tile_overlayer_lowered  }
0x9b: {  	s22 =	simm.s32 $0x1BFF;
	s21 =	sshll.u32 s6, $0x1;
	s3 =	sadd.s32 s4, s19  }
0x9c: {  	s7 =	simm.s32 $0x0;
	s20 =	sshll.u32 s5, $0x1;
	s5 =	sadd.s32 s21, s3  }
0x9d: {  	[timem:s7], [sflag:s22] =	dma.local [hbm:s5], s20  }
0x9e: {  	_ =	swait.ge [sflag:s22], s20  }
0x9f: {  	s4 =	ssub.s32 $0x0, s20;
	[sflag:s22] =	ssyncset.done $0x0  }
0xa0: {  	[sflag:s22] =	ssyncadd.s32 s4;
	_ =	sdelay $0x1  }
0xa1: {  	s23 =	simm.s32 $0x1B8B  }
0xa2: {  	_ =	swait.ge [sflag:s23], $0x1  }
0xa3: {  	[sflag:s23] =	ssyncset.done $0x0  }
0xa4: {  	s25 =	simm.s32 $0x1B8E;
	s24 =	sld [smem:$0x3FFE];
	[sflag:s23] =	ssyncadd.s32 $0xFFFFFFFF  }
0xa5: {  	s26 =	simm.s32 $execute0_lowered;
	[smem:$0x3FD2] =	sst s25  }
0xa6: {  	s5 =	sshll.u32 s26, $0x1;
	_ =	strace $0x80000046;
	[dreg:$0x1] =	wrdreg $0xFFFFFFFF  }
0xa7: {  	s28 =	simm.s32 $_size_execute0_lowered;
	s3 =	sadd.s32 s3, s5;
	[dreg:$0x0] =	wrdreg $0x0  }
0xa8: {  	s5 =	sshll.u32 s28, $0x1;
	[dreg:$0x2] =	wrdreg s3  }
0xa9: {  	[dreg:$0x3] =	wrdreg s5  }
0xaa: {  	[dreg:$0x4] =	wrdreg $0xC0  }
0xab: {  	_ =	task [dreg:s7], $0x5FFFF  }
0xac: {  	[dreg:$0x1] =	wrdreg $0xFFFFFFFF  }
0xad: {  	[dreg:$0x0] =	wrdreg $0x60  }
0xae: {  	[dreg:$0x2] =	wrdreg s24  }
0xaf: {  	[dreg:$0x3] =	wrdreg s2  }
0xb0: {  	[dreg:$0x4] =	wrdreg $0x0  }
0xb1: {  	[dreg:$0x5] =	wrdreg $0x140000  }
0xb2: {  	[dreg:$0x6] =	wrdreg $0x9  }
0xb3: {  	_ =	task.clear_ibuf [dreg:s7], $0x7FFFF;
	_ =	strace $0x90000046  }
0xb4: {  	s29 =	simm.s32 $0x9;
	_ =	strace $0x80000048  }
0xb5: {  	_ =	swait.ge [sflag:s29], $0x1  }
0xb6: {  	[sflag:s29] =	ssyncadd.s32 $0xFFFFFFFF  }
0xb7: {  	_ =	strace $0x90000048  }
0xb8: {  	_ =	sfence  }
0xb9: {  	s30 =	sld [smem:$0x0];
	_ =	sdelay $0x2  }
0xba: {  	s31 =	sshll.u32 s1, $0xD;
	s1 =	sshrl.u32 s1, $0x2  }
0xbb: {  	s3 =	sand.u32 $0x4000, s31;
	s1 =	sadd.s32 s1, s30  }
0xbc: {  	s0 =	sor.u32 s3, s0;
	s1 =	sshll.u32 s1, $0x11  }
0xbd: {  	s0 =	sor.u32 s1, s0  }
0xbe: {  	s0 =	sadd.s32 $0x8F2B, s0  }
0xbf: {  	[sflag:s0] =	ssyncadd.remote.s32 $0x1  }
0xc0: {  	_ =	sfence.sel $0xFFFF  }
0xc1: {  	[dreg:$0x0] =	wrdreg $0xFFFFFFFF;
	(pc) =	sbr.abs _section_cstart, $3  }
0xc2: {  	[dreg:$0x1] =	wrdreg $0xFFFFFFFF  }
0xc3: {  	_ =	task.clear_ibuf [dreg:s7], $0x2FFFF;
	_ =	strace $0x9FFFFFFF  }
0xc4: {  	(tm) =	ssettm $0x7FFFFFFF  }
0xc5: {  	_ =	shalt  }
tec
execute0_lowered:
.L_overlay_start_1:
0x0: {  	(tag) =	ssettag $0x1  }
0x1: {  	s4 =	rddreg [dreg:$0x0]  }
0x2: {  	s1 =	rddreg [dreg:$0x1]  }
0x3: {  	s2 =	rddreg [dreg:$0x2]  }
0x4: {  	s3 =	rddreg [dreg:$0x3]  }
0x5: {  	s0 =	srdreg.scid;
	s23 =	stileid.u32  }
0x6: {  	s5 =	simm.s32 $0x0;
	s30 =	simm.s32 $0x1;
	s8 =	smul.u32 $0x14000, s23  }
0x7: {  	s31 =	simm.s32 $0x16880;
	s6 =	sand.u32 $0x1, s0;
	s28 =	smul.u32 $0xFC00, s23  }
0x8: {  	s25 =	sshll.u32 s23, $0x8;
	s12 =	sshll.u32 s23, $0x1;
	s23 =	smul.u32 $0x50000, s23  }
0x9: {  	[smem:$0x7FF] =	sst s5;
	s9 =	sadd.s32 $0x2CC00, s4;
	s7 =	smul.u32 $0x140000, s6  }
0xa: {  	_ =	strace $0x80000047;
	s0 =	sadd.s32 s25, s4;
	s11 =	ssub.s32 $0x2, s6  }
0xb: {  	s12 =	sor.u32 s6, s12;
	s6 =	smul.u32 $0x7E00, s6;
	s13 =	sshrl.u32 s11, $0x1  }
0xc: {  	s12 =	smul.u32 $0x7E00, s12;
	s15 =	sadd.s32 $0x5000, s8;
	s16 =	sadd.s32 $0x7800, s8  }
0xd: {  	s17 =	sadd.s32 $0xA000, s8;
	s18 =	sadd.s32 $0xC800, s8;
	s19 =	sadd.s32 $0xF000, s8  }
0xe: {  	s29 =	sadd.s32 $0x2400, s0;
	s10 =	sadd.s32 s7, s8;
	s11 =	ssub.s32 s11, s13  }
0xf: {  	s13 =	sor.u32 $0x2800, s8;
	s8 =	sadd.s32 $0x11800, s8;
	s20 =	sadd.s32 s7, s15  }
0x10: {  	s21 =	sadd.s32 s7, s16;
	s22 =	sadd.s32 s7, s17;
	s6 =	sadd.s32 s6, s28  }
0x11: {  	s28 =	sadd.s32 s7, s19;
	s10 =	sshrl.u32 s10, $0x3;
	s14 =	sadd.s32 s7, s13  }
0x12: {  	s26 =	sshrl.u32 s20, $0x3;
	s20 =	sshrl.u32 s28, $0x3;
	s28 =	smax.u32 s11, $0x1  }
0x13: {  	s21 =	sshrl.u32 s21, $0x3;
	s11 =	sadd.s32 s17, s2;
	[dreg:$0x11] =	wrdreg s28  }
0x14: {  	s24 =	sshrl.u32 s22, $0x3;
	s17 =	sadd.s32 $0x2440, s0;
	[dreg:$0x14] =	wrdreg s11  }
0x15: {  	s14 =	sshrl.u32 s14, $0x3;
	s25 =	sadd.s32 s9, s24;
	[dreg:$0x19] =	wrdreg s17  }
0x16: {  	s22 =	sadd.s32 s9, s10;
	s24 =	sadd.s32 $0x2C400, s4;
	[dreg:$0x8] =	wrdreg s25  }
0x17: {  	s17 =	simm.s32 $0x50;
	s14 =	sadd.s32 s9, s14;
	[dreg:$0xc] =	wrdreg s22  }
0x18: {  	[dreg:$0xd] =	wrdreg s24;
	s25 =	sadd.s32 $0x2B400, s4;
	s22 =	sadd.s32 $0x200, s6  }
0x19: {  	[dreg:$0x5] =	wrdreg s14;
	s14 =	sadd.s32 s9, s26;
	s26 =	sadd.s32 s7, s18  }
0x1a: {  	s7 =	sadd.s32 s7, s8;
	[dreg:$0xe] =	wrdreg s25;
	s24 =	sshrl.u32 s22, $0x3  }
0x1b: {  	[dreg:$0x6] =	wrdreg s14;
	s14 =	sadd.s32 s9, s21;
	s7 =	sshrl.u32 s7, $0x3  }
0x1c: {  	s21 =	sadd.s32 s9, s20;
	s20 =	sadd.s32 $0x24A0, s0;
	[dreg:$0x7] =	wrdreg s14  }
0x1d: {  	s14 =	sshrl.u32 s26, $0x3;
	[dreg:$0xa] =	wrdreg s21;
	s7 =	sadd.s32 s9, s7  }
0x1e: {  	s26 =	sshrl.u32 s12, $0x3;
	s12 =	sadd.s32 s18, s2;
	[dreg:$0x1c] =	wrdreg s20  }
0x1f: {  	s18 =	sadd.s32 $0x2460, s0;
	s21 =	sadd.s32 $0x24C0, s0;
	[dreg:$0xb] =	wrdreg s7  }
0x20: {  	s20 =	simm.s32 $0x16B80;
	s14 =	sadd.s32 s9, s14;
	[dreg:$0x15] =	wrdreg s12  }
0x21: {  	s7 =	sadd.s32 s10, s4;
	s9 =	sshrl.u32 s23, $0x2;
	[dreg:$0x1a] =	wrdreg s18  }
0x22: {  	s10 =	sadd.s32 s16, s2;
	s16 =	sadd.s32 $0x2420, s0;
	[dreg:$0x1d] =	wrdreg s21  }
0x23: {  	s23 =	sadd.s32 $0x400, s6;
	s12 =	simm.s32 $0x16C00;
	[dreg:$0x9] =	wrdreg s14  }
0x24: {  	s18 =	simm.s32 $0x16900;
	s6 =	simm.s32 $0x16980;
	[dreg:$0x13] =	wrdreg s10  }
0x25: {  	s14 =	sadd.s32 $0x3400, s4;
	s4 =	sadd.s32 $0x2BC00, s4;
	[dreg:$0x18] =	wrdreg s16  }
0x26: {  	s25 =	sadd.s32 s9, s2;
	s9 =	sadd.s32 s15, s2;
	[dreg:$0xf] =	wrdreg s4  }
0x27: {  	s21 =	simm.s32 $0x0;
	s15 =	sadd.s32 s8, s2;
	[dreg:$0x12] =	wrdreg s9  }
0x28: {  	s10 =	sadd.s32 s24, s1;
	s28 =	sadd.s32 $0x7CC00, s7;
	[dreg:$0x17] =	wrdreg s15  }
0x29: {  	s16 =	simm.s32 $0x16800;
	s4 =	sadd.s32 s1, s26;
	[dreg:$0x1f] =	wrdreg s28  }
0x2a: {  	s26 =	sadd.s32 s13, s2;
	s13 =	sadd.s32 s19, s2;
	[dreg:$0x10] =	wrdreg s4  }
0x2b: {  	s7 =	simm.s32 $0x16B00;
	s19 =	sadd.s32 $0x2480, s0;
	[dreg:$0x16] =	wrdreg s13  }
0x2c: {  	s8 =	simm.s32 $0x16A80;
	s0 =	sadd.s32 $0x24E0, s0;
	[dreg:$0x1b] =	wrdreg s19  }
0x2d: {  	s15 =	simm.s32 $0x1BC00;
	[dreg:$0x1e] =	wrdreg s0;
	s13 =	simm.s32 $0x3  }
0x2e: {  	s19 =	simm.s32 $0x19400;
	s0 =	simm.s32 $0x16A00;
	s4 =	simm.s32 $0x2  }
.LBB2_1:
0x2f: {  	s9 =	rddreg [dreg:$0xd]  }
0x30: {  	[tilespmem:s12], [sflag:$0x3] =	stream.linear.gather [hbm4b:s9+s5], $0x2800, $0x38;
	[tilespmem:$0x1E400] =	vst v63  }
0x31: {  	_ =	swait.ge [sflag:s13], $0x2800  }
0x32: {  	[sflag:s13] =	ssyncset.done $0x0  }
0x33: {  	[sflag:s13] =	ssyncadd.s32 $0xFFFFD800  }
0x34: {  	[spmem:s25] =	stream.linear.scatter [tilespmem:s12], [sflag:$0x3], $0x2800, $0x38;
	[tilespmem:$0x1E400] =	vst v63  }
0x35: {  	_ =	swait.ge [sflag:s13], $0x2800  }
0x36: {  	[sflag:s13] =	ssyncset.done $0x0  }
0x37: {  	[sflag:s13] =	ssyncadd.s32 $0xFFFFD800  }
0x38: {  	[spmem:s26] =	stream.linear.scatter [tilespmem:s12], [sflag:$0x3], $0x2800, $0x38;
	[tilespmem:$0x1E400] =	vst v63  }
0x39: {  	_ =	swait.ge [sflag:s13], $0x2800  }
0x3a: {  	[sflag:s13] =	ssyncset.done $0x0  }
0x3b: {  	s24 =	rddreg [dreg:$0x12];
	[sflag:s13] =	ssyncadd.s32 $0xFFFFD800  }
0x3c: {  	[spmem:s24] =	stream.linear.scatter [tilespmem:s12], [sflag:$0x3], $0x2800, $0x38;
	[tilespmem:$0x1E400] =	vst v63  }
0x3d: {  	_ =	swait.ge [sflag:s13], $0x2800  }
0x3e: {  	[sflag:s13] =	ssyncset.done $0x0  }
0x3f: {  	s28 =	rddreg [dreg:$0x13];
	[sflag:s13] =	ssyncadd.s32 $0xFFFFD800  }
0x40: {  	[spmem:s28] =	stream.linear.scatter [tilespmem:s12], [sflag:$0x3], $0x2800, $0x38;
	[tilespmem:$0x1E400] =	vst v63  }
0x41: {  	_ =	swait.ge [sflag:s13], $0x2800  }
0x42: {  	[sflag:s13] =	ssyncset.done $0x0  }
0x43: {  	s11 =	rddreg [dreg:$0x14];
	[sflag:s13] =	ssyncadd.s32 $0xFFFFD800  }
0x44: {  	[spmem:s11] =	stream.linear.scatter [tilespmem:s12], [sflag:$0x3], $0x2800, $0x38;
	[tilespmem:$0x1E400] =	vst v63  }
0x45: {  	_ =	swait.ge [sflag:s13], $0x2800  }
0x46: {  	[sflag:s13] =	ssyncset.done $0x0  }
0x47: {  	s22 =	rddreg [dreg:$0x15];
	[sflag:s13] =	ssyncadd.s32 $0xFFFFD800  }
0x48: {  	[spmem:s22] =	stream.linear.scatter [tilespmem:s12], [sflag:$0x3], $0x2800, $0x38;
	[tilespmem:$0x1E400] =	vst v63  }
0x49: {  	_ =	swait.ge [sflag:s13], $0x2800  }
0x4a: {  	[sflag:s13] =	ssyncset.done $0x0  }
0x4b: {  	s24 =	rddreg [dreg:$0x16];
	[sflag:s13] =	ssyncadd.s32 $0xFFFFD800  }
0x4c: {  	[spmem:s24] =	stream.linear.scatter [tilespmem:s12], [sflag:$0x3], $0x2800, $0x38;
	[tilespmem:$0x1E400] =	vst v63  }
0x4d: {  	_ =	swait.ge [sflag:s13], $0x2800  }
0x4e: {  	[sflag:s13] =	ssyncset.done $0x0  }
0x4f: {  	s28 =	rddreg [dreg:$0x17];
	[sflag:s13] =	ssyncadd.s32 $0xFFFFD800  }
0x50: {  	[spmem:s28] =	stream.linear.scatter [tilespmem:s12], [sflag:$0x3], $0x2800, $0x38;
	[tilespmem:$0x1E400] =	vst v63  }
0x51: {  	_ =	swait.ge [sflag:s13], $0x2800  }
0x52: {  	[sflag:s13] =	ssyncset.done $0x0  }
0x53: {  	s11 =	rddreg [dreg:$0xe];
	[sflag:s13] =	ssyncadd.s32 $0xFFFFD800  }
0x54: {  	[tilespmem:s15], [sflag:$0x3] =	stream.linear.gather [hbm4b:s11+s5], $0x2800, $0x38;
	[tilespmem:$0x1E400] =	vst v63  }
0x55: {  	_ =	swait.ge [sflag:s13], $0x2800  }
0x56: {  	[sflag:s13] =	ssyncset.done $0x0  }
0x57: {  	[sflag:s13] =	ssyncadd.s32 $0xFFFFD800  }
0x58: {  	[tilespmem:s16], [sflag:$0x3] =	stream.linear.gather [hbm4b:s29+s5], $0x100, $0x38;
	[tilespmem:$0x1E400] =	vst v63  }
0x59: {  	_ =	swait.ge [sflag:s13], $0x100  }
0x5a: {  	[sflag:s13] =	ssyncset.done $0x0  }
0x5b: {  	[sflag:s13] =	ssyncadd.s32 $0xFFFFFF00  }
0x5c: {  	[spmem:s3] =	stream.indirect.scatter [tilespmem:s15], [sflag:$0x3], $0x10, s16, s17, $0xb8;
	[tilespmem:$0x1E400] =	vst v63  }
0x5d: {  	_ =	swait.ge [sflag:s13], $0x500  }
0x5e: {  	[sflag:s13] =	ssyncset.done $0x0  }
0x5f: {  	s22 =	rddreg [dreg:$0x18];
	[sflag:s13] =	ssyncadd.s32 $0xFFFFFB00  }
0x60: {  	[tilespmem:s16], [sflag:$0x3] =	stream.linear.gather [hbm4b:s22+s5], $0x100, $0x38;
	[tilespmem:$0x1E400] =	vst v63  }
0x61: {  	_ =	swait.ge [sflag:s13], $0x100  }
0x62: {  	[sflag:s13] =	ssyncset.done $0x0  }
0x63: {  	[sflag:s13] =	ssyncadd.s32 $0xFFFFFF00  }
0x64: {  	[spmem:s3] =	stream.indirect.scatter [tilespmem:s15], [sflag:$0x3], $0x10, s16, s17, $0xb8;
	[tilespmem:$0x1E400] =	vst v63  }
0x65: {  	_ =	swait.ge [sflag:s13], $0x500  }
0x66: {  	[sflag:s13] =	ssyncset.done $0x0  }
0x67: {  	s24 =	rddreg [dreg:$0x19];
	[sflag:s13] =	ssyncadd.s32 $0xFFFFFB00  }
0x68: {  	[tilespmem:s16], [sflag:$0x3] =	stream.linear.gather [hbm4b:s24+s5], $0x100, $0x38;
	[tilespmem:$0x1E400] =	vst v63  }
0x69: {  	_ =	swait.ge [sflag:s13], $0x100  }
0x6a: {  	[sflag:s13] =	ssyncset.done $0x0  }
0x6b: {  	[sflag:s13] =	ssyncadd.s32 $0xFFFFFF00  }
0x6c: {  	[spmem:s3] =	stream.indirect.scatter [tilespmem:s15], [sflag:$0x3], $0x10, s16, s17, $0xb8;
	[tilespmem:$0x1E400] =	vst v63  }
0x6d: {  	_ =	swait.ge [sflag:s13], $0x500  }
0x6e: {  	[sflag:s13] =	ssyncset.done $0x0  }
0x6f: {  	s28 =	rddreg [dreg:$0x1a];
	[sflag:s13] =	ssyncadd.s32 $0xFFFFFB00  }
0x70: {  	[tilespmem:s16], [sflag:$0x3] =	stream.linear.gather [hbm4b:s28+s5], $0x100, $0x38;
	[tilespmem:$0x1E400] =	vst v63  }
0x71: {  	_ =	swait.ge [sflag:s13], $0x100  }
0x72: {  	[sflag:s13] =	ssyncset.done $0x0  }
0x73: {  	[sflag:s13] =	ssyncadd.s32 $0xFFFFFF00  }
0x74: {  	[spmem:s3] =	stream.indirect.scatter [tilespmem:s15], [sflag:$0x3], $0x10, s16, s17, $0xb8;
	[tilespmem:$0x1E400] =	vst v63  }
0x75: {  	_ =	swait.ge [sflag:s13], $0x500  }
0x76: {  	[sflag:s13] =	ssyncset.done $0x0  }
0x77: {  	s11 =	rddreg [dreg:$0x1b];
	[sflag:s13] =	ssyncadd.s32 $0xFFFFFB00  }
0x78: {  	[tilespmem:s16], [sflag:$0x3] =	stream.linear.gather [hbm4b:s11+s5], $0x100, $0x38;
	[tilespmem:$0x1E400] =	vst v63  }
0x79: {  	_ =	swait.ge [sflag:s13], $0x100  }
0x7a: {  	[sflag:s13] =	ssyncset.done $0x0  }
0x7b: {  	[sflag:s13] =	ssyncadd.s32 $0xFFFFFF00  }
0x7c: {  	[spmem:s3] =	stream.indirect.scatter [tilespmem:s15], [sflag:$0x3], $0x10, s16, s17, $0xb8;
	[tilespmem:$0x1E400] =	vst v63  }
0x7d: {  	_ =	swait.ge [sflag:s13], $0x500  }
0x7e: {  	[sflag:s13] =	ssyncset.done $0x0  }
0x7f: {  	s22 =	rddreg [dreg:$0x1c];
	[sflag:s13] =	ssyncadd.s32 $0xFFFFFB00  }
0x80: {  	[tilespmem:s16], [sflag:$0x3] =	stream.linear.gather [hbm4b:s22+s5], $0x100, $0x38;
	[tilespmem:$0x1E400] =	vst v63  }
0x81: {  	_ =	swait.ge [sflag:s13], $0x100  }
0x82: {  	[sflag:s13] =	ssyncset.done $0x0  }
0x83: {  	[sflag:s13] =	ssyncadd.s32 $0xFFFFFF00  }
0x84: {  	[spmem:s3] =	stream.indirect.scatter [tilespmem:s15], [sflag:$0x3], $0x10, s16, s17, $0xb8;
	[tilespmem:$0x1E400] =	vst v63  }
0x85: {  	_ =	swait.ge [sflag:s13], $0x500  }
0x86: {  	[sflag:s13] =	ssyncset.done $0x0  }
0x87: {  	s24 =	rddreg [dreg:$0x1d];
	[sflag:s13] =	ssyncadd.s32 $0xFFFFFB00  }
0x88: {  	[tilespmem:s16], [sflag:$0x3] =	stream.linear.gather [hbm4b:s24+s5], $0x100, $0x38;
	[tilespmem:$0x1E400] =	vst v63  }
0x89: {  	_ =	swait.ge [sflag:s13], $0x100  }
0x8a: {  	[sflag:s13] =	ssyncset.done $0x0  }
0x8b: {  	[sflag:s13] =	ssyncadd.s32 $0xFFFFFF00  }
0x8c: {  	[spmem:s3] =	stream.indirect.scatter [tilespmem:s15], [sflag:$0x3], $0x10, s16, s17, $0xb8;
	[tilespmem:$0x1E400] =	vst v63  }
0x8d: {  	_ =	swait.ge [sflag:s13], $0x500  }
0x8e: {  	[sflag:s13] =	ssyncset.done $0x0  }
0x8f: {  	s28 =	rddreg [dreg:$0x1e];
	[sflag:s13] =	ssyncadd.s32 $0xFFFFFB00  }
0x90: {  	[tilespmem:s16], [sflag:$0x3] =	stream.linear.gather [hbm4b:s28+s5], $0x100, $0x38;
	[tilespmem:$0x1E400] =	vst v63  }
0x91: {  	_ =	swait.ge [sflag:s13], $0x100  }
0x92: {  	[sflag:s13] =	ssyncset.done $0x0  }
0x93: {  	[sflag:s13] =	ssyncadd.s32 $0xFFFFFF00  }
0x94: {  	[spmem:s3] =	stream.indirect.scatter [tilespmem:s15], [sflag:$0x3], $0x10, s16, s17, $0xb8;
	[tilespmem:$0x1E400] =	vst v63  }
0x95: {  	_ =	swait.ge [sflag:s13], $0x500  }
0x96: {  	[sflag:s13] =	ssyncset.done $0x0  }
0x97: {  	s11 =	rddreg [dreg:$0xf];
	[sflag:s13] =	ssyncadd.s32 $0xFFFFFB00  }
0x98: {  	[tilespmem:s15], [sflag:$0x3] =	stream.linear.gather [hbm4b:s11+s5], $0x2800, $0x38;
	[tilespmem:$0x1E400] =	vst v63  }
0x99: {  	_ =	swait.ge [sflag:s13], $0x2800  }
0x9a: {  	[sflag:s13] =	ssyncset.done $0x0  }
0x9b: {  	[sflag:s13] =	ssyncadd.s32 $0xFFFFD800  }
0x9c: {  	[bflag:$0x0] =	sbarrier.arrive $0xFFFF  }
0x9d: {  	s22 =	rddreg [dreg:$0x10]  }
0x9e: {  	[tilespmem:s16], [sflag:$0x3] =	stream.linear.gather [hbm4b:s22+s5], $0x200, $0x38;
	[tilespmem:$0x1E400] =	vst v63  }
0x9f: {  	_ =	swait.ge [sflag:s13], $0x200  }
0xa0: {  	[sflag:s13] =	ssyncset.done $0x0  }
0xa1: {  	[sflag:s13] =	ssyncadd.s32 $0xFFFFFE00  }
0xa2: {  	[tilespmem:s12], [sflag:$0x1] =	stream.indirect.gather [hbm4b:s14+s17], $0x80, s16, s17, $0xb8;
	[tilespmem:$0x1E400] =	vst v63  }
0xa3: {  	_ = 	snop  }
0xa4: {  	[tilespmem:s19], [sflag:$0x2] =	stream.indirect.gather [hbm4b:s14+s17], $0x80, s18, s17, $0xb8;
	[tilespmem:$0x1E400] =	vst v63  }
0xa5: {  	_ =	swait.ge [sflag:s30], $0x2800  }
0xa6: {  	[sflag:s30] =	ssyncset.done $0x0  }
0xa7: {  	[sflag:s30] =	ssyncadd.s32 $0xFFFFD800  }
0xa8: {  	[spmem:s2] =	stream.indirect.scatter.add.f32 [tilespmem:s12], [sflag:$0x3], $0x80, s31, s17, $0xb8;
	[tilespmem:$0x1E400] =	vst v63  }
0xa9: {  	_ =	swait.ge [sflag:s13], $0x2800  }
0xaa: {  	[sflag:s13] =	ssyncset.done $0x0  }
0xab: {  	[sflag:s13] =	ssyncadd.s32 $0xFFFFD800  }
0xac: {  	[spmem:s3] =	stream.indirect.scatter.add.f32 [tilespmem:s15], [sflag:$0x3], $0x10, s31, s17, $0xb8;
	[tilespmem:$0x1E400] =	vst v63  }
0xad: {  	_ =	swait.ge [sflag:s13], $0x500  }
0xae: {  	[sflag:s13] =	ssyncset.done $0x0  }
0xaf: {  	s24 =	sadd.s32 $0x0, s10;
	[sflag:s13] =	ssyncadd.s32 $0xFFFFFB00  }
0xb0: {  	[tilespmem:s0], [sflag:$0x3] =	stream.linear.gather [hbm4b:s24+s5], $0x200, $0x38;
	[tilespmem:$0x1E400] =	vst v63  }
0xb1: {  	_ =	swait.ge [sflag:s13], $0x200  }
0xb2: {  	[sflag:s13] =	ssyncset.done $0x0  }
0xb3: {  	[sflag:s13] =	ssyncadd.s32 $0xFFFFFE00  }
0xb4: {  	[tilespmem:s12], [sflag:$0x1] =	stream.indirect.gather [hbm4b:s14+s17], $0x80, s0, s17, $0xb8;
	[tilespmem:$0x1E400] =	vst v63  }
0xb5: {  	_ =	swait.ge [sflag:s4], $0x2800  }
0xb6: {  	[sflag:s4] =	ssyncset.done $0x0  }
0xb7: {  	[sflag:s4] =	ssyncadd.s32 $0xFFFFD800  }
0xb8: {  	[spmem:s2] =	stream.indirect.scatter.add.f32 [tilespmem:s19], [sflag:$0x3], $0x80, s6, s17, $0xb8;
	[tilespmem:$0x1E400] =	vst v63  }
0xb9: {  	_ =	swait.ge [sflag:s13], $0x2800  }
0xba: {  	[sflag:s13] =	ssyncset.done $0x0  }
0xbb: {  	[sflag:s13] =	ssyncadd.s32 $0xFFFFD800  }
0xbc: {  	[spmem:s3] =	stream.indirect.scatter.add.f32 [tilespmem:s15], [sflag:$0x3], $0x10, s6, s17, $0xb8;
	[tilespmem:$0x1E400] =	vst v63  }
0xbd: {  	_ =	swait.ge [sflag:s13], $0x500  }
0xbe: {  	[sflag:s13] =	ssyncset.done $0x0  }
0xbf: {  	[sflag:s13] =	ssyncadd.s32 $0xFFFFFB00  }
0xc0: {  	[tilespmem:s19], [sflag:$0x2] =	stream.indirect.gather [hbm4b:s14+s17], $0x80, s7, s17, $0xb8;
	[tilespmem:$0x1E400] =	vst v63  }
0xc1: {  	_ =	swait.ge [sflag:s30], $0x2800  }
0xc2: {  	[sflag:s30] =	ssyncset.done $0x0  }
0xc3: {  	[sflag:s30] =	ssyncadd.s32 $0xFFFFD800  }
0xc4: {  	[spmem:s2] =	stream.indirect.scatter.add.f32 [tilespmem:s12], [sflag:$0x3], $0x80, s8, s17, $0xb8;
	[tilespmem:$0x1E400] =	vst v63  }
0xc5: {  	_ =	swait.ge [sflag:s13], $0x2800  }
0xc6: {  	[sflag:s13] =	ssyncset.done $0x0  }
0xc7: {  	[sflag:s13] =	ssyncadd.s32 $0xFFFFD800  }
0xc8: {  	[spmem:s3] =	stream.indirect.scatter.add.f32 [tilespmem:s15], [sflag:$0x3], $0x10, s8, s17, $0xb8;
	[tilespmem:$0x1E400] =	vst v63  }
0xc9: {  	_ =	swait.ge [sflag:s13], $0x500  }
0xca: {  	s28 =	sshrl.u32 s23, $0x3;
	[sflag:s13] =	ssyncset.done $0x0  }
0xcb: {  	s9 =	sadd.s32 s1, s28;
	[sflag:s13] =	ssyncadd.s32 $0xFFFFFB00  }
0xcc: {  	[tilespmem:s16], [sflag:$0x3] =	stream.linear.gather [hbm4b:s9+s5], $0x200, $0x38;
	[tilespmem:$0x1E400] =	vst v63  }
0xcd: {  	_ =	swait.ge [sflag:s13], $0x200  }
0xce: {  	[sflag:s13] =	ssyncset.done $0x0  }
0xcf: {  	[sflag:s13] =	ssyncadd.s32 $0xFFFFFE00  }
0xd0: {  	[tilespmem:s12], [sflag:$0x1] =	stream.indirect.gather [hbm4b:s14+s17], $0x80, s16, s17, $0xb8;
	[tilespmem:$0x1E400] =	vst v63  }
0xd1: {  	_ =	swait.ge [sflag:s4], $0x2800  }
0xd2: {  	[sflag:s4] =	ssyncset.done $0x0  }
0xd3: {  	[sflag:s4] =	ssyncadd.s32 $0xFFFFD800  }
0xd4: {  	[spmem:s2] =	stream.indirect.scatter.add.f32 [tilespmem:s19], [sflag:$0x3], $0x80, s20, s17, $0xb8;
	[tilespmem:$0x1E400] =	vst v63  }
0xd5: {  	_ =	swait.ge [sflag:s13], $0x2800  }
0xd6: {  	[sflag:s13] =	ssyncset.done $0x0  }
0xd7: {  	[sflag:s13] =	ssyncadd.s32 $0xFFFFD800  }
0xd8: {  	[spmem:s3] =	stream.indirect.scatter.add.f32 [tilespmem:s15], [sflag:$0x3], $0x10, s20, s17, $0xb8;
	[tilespmem:$0x1E400] =	vst v63  }
0xd9: {  	_ =	swait.ge [sflag:s13], $0x500  }
0xda: {  	s22 =	simm.s32 $0x80;
	s9 =	smov.u32 s23;
	[sflag:s13] =	ssyncset.done $0x0  }
.LBB2_2:
0xdb: {  	p0 =	sne.s32 s22, $0xF00;
	[sflag:s13] =	ssyncadd.s32 $0xFFFFFB00;
	s9 =	sadd.s32 $0x400, s9  }
0xdc: {  	[tilespmem:s19], [sflag:$0x2] =	stream.indirect.gather [hbm4b:s14+s17], $0x80, s18, s17, $0xb8;
	[tilespmem:$0x1E400] =	vst v63  }
0xdd: {  	s24 =	smov.u32 s22;
	s22 =	sadd.s32 $0x80, s22;
	_ =	swait.ge [sflag:s30], $0x2800  }
0xde: {  	[sflag:s30] =	ssyncset.done $0x0  }
0xdf: {  	[sflag:s30] =	ssyncadd.s32 $0xFFFFD800  }
0xe0: {  	[spmem:s2] =	stream.indirect.scatter.add.f32 [tilespmem:s12], [sflag:$0x3], $0x80, s31, s17, $0xb8;
	[tilespmem:$0x1E400] =	vst v63  }
0xe1: {  	_ =	swait.ge [sflag:s13], $0x2800  }
0xe2: {  	[sflag:s13] =	ssyncset.done $0x0  }
0xe3: {  	[sflag:s13] =	ssyncadd.s32 $0xFFFFD800  }
0xe4: {  	[spmem:s3] =	stream.indirect.scatter.add.f32 [tilespmem:s15], [sflag:$0x3], $0x10, s31, s17, $0xb8;
	[tilespmem:$0x1E400] =	vst v63  }
0xe5: {  	_ =	swait.ge [sflag:s13], $0x500  }
0xe6: {  	[sflag:s13] =	ssyncset.done $0x0  }
0xe7: {  	s24 =	sadd.s32 s24, s10;
	[sflag:s13] =	ssyncadd.s32 $0xFFFFFB00  }
0xe8: {  	[tilespmem:s0], [sflag:$0x3] =	stream.linear.gather [hbm4b:s24+s5], $0x200, $0x38;
	[tilespmem:$0x1E400] =	vst v63  }
0xe9: {  	_ =	swait.ge [sflag:s13], $0x200  }
0xea: {  	[sflag:s13] =	ssyncset.done $0x0  }
0xeb: {  	[sflag:s13] =	ssyncadd.s32 $0xFFFFFE00  }
0xec: {  	[tilespmem:s12], [sflag:$0x1] =	stream.indirect.gather [hbm4b:s14+s17], $0x80, s0, s17, $0xb8;
	[tilespmem:$0x1E400] =	vst v63  }
0xed: {  	_ =	swait.ge [sflag:s4], $0x2800  }
0xee: {  	[sflag:s4] =	ssyncset.done $0x0  }
0xef: {  	[sflag:s4] =	ssyncadd.s32 $0xFFFFD800  }
0xf0: {  	[spmem:s2] =	stream.indirect.scatter.add.f32 [tilespmem:s19], [sflag:$0x3], $0x80, s6, s17, $0xb8;
	[tilespmem:$0x1E400] =	vst v63  }
0xf1: {  	_ =	swait.ge [sflag:s13], $0x2800  }
0xf2: {  	[sflag:s13] =	ssyncset.done $0x0  }
0xf3: {  	[sflag:s13] =	ssyncadd.s32 $0xFFFFD800  }
0xf4: {  	[spmem:s3] =	stream.indirect.scatter.add.f32 [tilespmem:s15], [sflag:$0x3], $0x10, s6, s17, $0xb8;
	[tilespmem:$0x1E400] =	vst v63  }
0xf5: {  	_ =	swait.ge [sflag:s13], $0x500  }
0xf6: {  	[sflag:s13] =	ssyncset.done $0x0  }
0xf7: {  	[sflag:s13] =	ssyncadd.s32 $0xFFFFFB00  }
0xf8: {  	[tilespmem:s19], [sflag:$0x2] =	stream.indirect.gather [hbm4b:s14+s17], $0x80, s7, s17, $0xb8;
	[tilespmem:$0x1E400] =	vst v63  }
0xf9: {  	_ =	swait.ge [sflag:s30], $0x2800  }
0xfa: {  	[sflag:s30] =	ssyncset.done $0x0  }
0xfb: {  	[sflag:s30] =	ssyncadd.s32 $0xFFFFD800  }
0xfc: {  	[spmem:s2] =	stream.indirect.scatter.add.f32 [tilespmem:s12], [sflag:$0x3], $0x80, s8, s17, $0xb8;
	[tilespmem:$0x1E400] =	vst v63  }
0xfd: {  	_ =	swait.ge [sflag:s13], $0x2800  }
0xfe: {  	[sflag:s13] =	ssyncset.done $0x0  }
0xff: {  	[sflag:s13] =	ssyncadd.s32 $0xFFFFD800  }
0x100: {  	[spmem:s3] =	stream.indirect.scatter.add.f32 [tilespmem:s15], [sflag:$0x3], $0x10, s8, s17, $0xb8;
	[tilespmem:$0x1E400] =	vst v63  }
0x101: {  	_ =	swait.ge [sflag:s13], $0x500  }
0x102: {  	s24 =	sshrl.u32 s9, $0x3;
	[sflag:s13] =	ssyncset.done $0x0  }
0x103: {  	s24 =	sadd.s32 s1, s24;
	[sflag:s13] =	ssyncadd.s32 $0xFFFFFB00  }
0x104: {  	[tilespmem:s16], [sflag:$0x3] =	stream.linear.gather [hbm4b:s24+s5], $0x200, $0x38;
	[tilespmem:$0x1E400] =	vst v63  }
0x105: {  	_ =	swait.ge [sflag:s13], $0x200  }
0x106: {  	[sflag:s13] =	ssyncset.done $0x0  }
0x107: {  	[sflag:s13] =	ssyncadd.s32 $0xFFFFFE00  }
0x108: {  	[tilespmem:s12], [sflag:$0x1] =	stream.indirect.gather [hbm4b:s14+s17], $0x80, s16, s17, $0xb8;
	[tilespmem:$0x1E400] =	vst v63  }
0x109: {  	_ =	swait.ge [sflag:s4], $0x2800  }
0x10a: {  	[sflag:s4] =	ssyncset.done $0x0  }
0x10b: {  	[sflag:s4] =	ssyncadd.s32 $0xFFFFD800  }
0x10c: {  	[spmem:s2] =	stream.indirect.scatter.add.f32 [tilespmem:s19], [sflag:$0x3], $0x80, s20, s17, $0xb8;
	[tilespmem:$0x1E400] =	vst v63  }
0x10d: {  	_ =	swait.ge [sflag:s13], $0x2800  }
.Ltmp0:
0x10e: {  	[sflag:s13] =	ssyncset.done $0x0;
	(pc) =	sbr.rel @p0 .LBB2_2-.Ltmp0, $4  }
0x10f: {  	[sflag:s13] =	ssyncadd.s32 $0xFFFFD800  }
0x110: {  	[spmem:s3] =	stream.indirect.scatter.add.f32 [tilespmem:s15], [sflag:$0x3], $0x10, s20, s17, $0xb8;
	[tilespmem:$0x1E400] =	vst v63  }
0x111: {  	_ =	swait.ge [sflag:s13], $0x500  }
0x112: {  	[sflag:s13] =	ssyncset.done $0x0  }
0x113: {  	[sflag:s13] =	ssyncadd.s32 $0xFFFFFB00  }
0x114: {  	_ =	swait.ge [sflag:s30], $0x2800  }
0x115: {  	[sflag:s30] =	ssyncset.done $0x0  }
0x116: {  	[sflag:s30] =	ssyncadd.s32 $0xFFFFD800  }
0x117: {  	[spmem:s2] =	stream.indirect.scatter.add.f32 [tilespmem:s12], [sflag:$0x3], $0x80, s31, s17, $0xb8;
	[tilespmem:$0x1E400] =	vst v63  }
0x118: {  	_ =	swait.ge [sflag:s13], $0x2800  }
0x119: {  	[sflag:s13] =	ssyncset.done $0x0  }
0x11a: {  	[sflag:s13] =	ssyncadd.s32 $0xFFFFD800  }
0x11b: {  	[spmem:s3] =	stream.indirect.scatter.add.f32 [tilespmem:s15], [sflag:$0x3], $0x10, s31, s17, $0xb8;
	[tilespmem:$0x1E400] =	vst v63  }
0x11c: {  	_ =	swait.ge [sflag:s13], $0x500  }
0x11d: {  	[sflag:s13] =	ssyncset.done $0x0  }
0x11e: {  	[sflag:s13] =	ssyncadd.s32 $0xFFFFFB00  }
0x11f: {  	[bflag:$0x0] =	sbarrier.arrive $0xFFFF  }
0x120: {  	[tilespmem:s12], [sflag:$0x1] =	stream.linear.gather [spmem:s25], $0x2800, $0x38;
	[tilespmem:$0x1E400] =	vst v63  }
0x121: {  	_ =	swait.ge [sflag:s30], $0x2800  }
0x122: {  	[sflag:s30] =	ssyncset.done $0x0  }
0x123: {  	s9 =	simm.s32 $0x0;
	s22 =	rddreg [dreg:$0xc];
	[sflag:s30] =	ssyncadd.s32 $0xFFFFD800  }
0x124: {  	[hbm4b:s22+s9] =	stream.linear.scatter [tilespmem:s12], [sflag:$0x3], $0x2800, $0x38;
	[tilespmem:$0x1E400] =	vst v63  }
0x125: {  	_ =	swait.ge [sflag:s13], $0x2800  }
0x126: {  	[sflag:s13] =	ssyncset.done $0x0  }
0x127: {  	[sflag:s13] =	ssyncadd.s32 $0xFFFFD800  }
0x128: {  	[tilespmem:s12], [sflag:$0x1] =	stream.linear.gather [spmem:s26], $0x2800, $0x38;
	[tilespmem:$0x1E400] =	vst v63  }
0x129: {  	_ =	swait.ge [sflag:s30], $0x2800  }
0x12a: {  	[sflag:s30] =	ssyncset.done $0x0  }
0x12b: {  	s24 =	rddreg [dreg:$0x5];
	[sflag:s30] =	ssyncadd.s32 $0xFFFFD800  }
0x12c: {  	[hbm4b:s24+s9] =	stream.linear.scatter [tilespmem:s12], [sflag:$0x3], $0x2800, $0x38;
	[tilespmem:$0x1E400] =	vst v63  }
0x12d: {  	_ =	swait.ge [sflag:s13], $0x2800  }
0x12e: {  	[sflag:s13] =	ssyncset.done $0x0  }
0x12f: {  	s28 =	smov.u32 s25;
	s25 =	rddreg [dreg:$0x12];
	[sflag:s13] =	ssyncadd.s32 $0xFFFFD800  }
0x130: {  	[tilespmem:s12], [sflag:$0x1] =	stream.linear.gather [spmem:s25], $0x2800, $0x38;
	[tilespmem:$0x1E400] =	vst v63  }
0x131: {  	_ =	swait.ge [sflag:s30], $0x2800  }
0x132: {  	[sflag:s30] =	ssyncset.done $0x0  }
0x133: {  	s11 =	smov.u32 s26;
	s26 =	rddreg [dreg:$0x6];
	[sflag:s30] =	ssyncadd.s32 $0xFFFFD800  }
0x134: {  	[hbm4b:s26+s9] =	stream.linear.scatter [tilespmem:s12], [sflag:$0x3], $0x2800, $0x38;
	[tilespmem:$0x1E400] =	vst v63  }
0x135: {  	_ =	swait.ge [sflag:s13], $0x2800  }
0x136: {  	[sflag:s13] =	ssyncset.done $0x0  }
0x137: {  	s24 =	rddreg [dreg:$0x13];
	[sflag:s13] =	ssyncadd.s32 $0xFFFFD800  }
0x138: {  	[tilespmem:s12], [sflag:$0x1] =	stream.linear.gather [spmem:s24], $0x2800, $0x38;
	[tilespmem:$0x1E400] =	vst v63  }
0x139: {  	_ =	swait.ge [sflag:s30], $0x2800  }
0x13a: {  	[sflag:s30] =	ssyncset.done $0x0  }
0x13b: {  	s25 =	rddreg [dreg:$0x7];
	[sflag:s30] =	ssyncadd.s32 $0xFFFFD800  }
0x13c: {  	[hbm4b:s25+s9] =	stream.linear.scatter [tilespmem:s12], [sflag:$0x3], $0x2800, $0x38;
	[tilespmem:$0x1E400] =	vst v63  }
0x13d: {  	_ =	swait.ge [sflag:s13], $0x2800  }
0x13e: {  	[sflag:s13] =	ssyncset.done $0x0  }
0x13f: {  	s26 =	rddreg [dreg:$0x14];
	[sflag:s13] =	ssyncadd.s32 $0xFFFFD800  }
0x140: {  	[tilespmem:s12], [sflag:$0x1] =	stream.linear.gather [spmem:s26], $0x2800, $0x38;
	[tilespmem:$0x1E400] =	vst v63  }
0x141: {  	_ =	swait.ge [sflag:s30], $0x2800  }
0x142: {  	[sflag:s30] =	ssyncset.done $0x0  }
0x143: {  	s24 =	rddreg [dreg:$0x8];
	[sflag:s30] =	ssyncadd.s32 $0xFFFFD800  }
0x144: {  	[hbm4b:s24+s9] =	stream.linear.scatter [tilespmem:s12], [sflag:$0x3], $0x2800, $0x38;
	[tilespmem:$0x1E400] =	vst v63  }
0x145: {  	_ =	swait.ge [sflag:s13], $0x2800  }
0x146: {  	[sflag:s13] =	ssyncset.done $0x0  }
0x147: {  	s25 =	rddreg [dreg:$0x15];
	[sflag:s13] =	ssyncadd.s32 $0xFFFFD800  }
0x148: {  	[tilespmem:s12], [sflag:$0x1] =	stream.linear.gather [spmem:s25], $0x2800, $0x38;
	[tilespmem:$0x1E400] =	vst v63  }
0x149: {  	_ =	swait.ge [sflag:s30], $0x2800  }
0x14a: {  	[sflag:s30] =	ssyncset.done $0x0  }
0x14b: {  	s26 =	rddreg [dreg:$0x9];
	[sflag:s30] =	ssyncadd.s32 $0xFFFFD800  }
0x14c: {  	[hbm4b:s26+s9] =	stream.linear.scatter [tilespmem:s12], [sflag:$0x3], $0x2800, $0x38;
	[tilespmem:$0x1E400] =	vst v63  }
0x14d: {  	_ =	swait.ge [sflag:s13], $0x2800  }
0x14e: {  	[sflag:s13] =	ssyncset.done $0x0  }
0x14f: {  	s24 =	rddreg [dreg:$0x16];
	[sflag:s13] =	ssyncadd.s32 $0xFFFFD800  }
0x150: {  	[tilespmem:s12], [sflag:$0x1] =	stream.linear.gather [spmem:s24], $0x2800, $0x38;
	[tilespmem:$0x1E400] =	vst v63  }
0x151: {  	_ =	swait.ge [sflag:s30], $0x2800  }
0x152: {  	[sflag:s30] =	ssyncset.done $0x0  }
0x153: {  	s25 =	rddreg [dreg:$0xa];
	[sflag:s30] =	ssyncadd.s32 $0xFFFFD800  }
0x154: {  	[hbm4b:s25+s9] =	stream.linear.scatter [tilespmem:s12], [sflag:$0x3], $0x2800, $0x38;
	[tilespmem:$0x1E400] =	vst v63  }
0x155: {  	_ =	swait.ge [sflag:s13], $0x2800  }
0x156: {  	[sflag:s13] =	ssyncset.done $0x0  }
0x157: {  	s26 =	rddreg [dreg:$0x17];
	[sflag:s13] =	ssyncadd.s32 $0xFFFFD800  }
0x158: {  	[tilespmem:s12], [sflag:$0x1] =	stream.linear.gather [spmem:s26], $0x2800, $0x38;
	[tilespmem:$0x1E400] =	vst v63  }
0x159: {  	_ =	swait.ge [sflag:s30], $0x2800  }
0x15a: {  	[sflag:s30] =	ssyncset.done $0x0  }
0x15b: {  	s24 =	rddreg [dreg:$0xb];
	[sflag:s30] =	ssyncadd.s32 $0xFFFFD800  }
0x15c: {  	[hbm4b:s24+s9] =	stream.linear.scatter [tilespmem:s12], [sflag:$0x3], $0x2800, $0x38;
	[tilespmem:$0x1E400] =	vst v63  }
0x15d: {  	_ =	swait.ge [sflag:s13], $0x2800  }
0x15e: {  	[sflag:s13] =	ssyncset.done $0x0  }
0x15f: {  	s25 =	sadd.s32 $0x0, s29;
	[sflag:s13] =	ssyncadd.s32 $0xFFFFD800  }
0x160: {  	[tilespmem:s16], [sflag:$0x3] =	stream.linear.gather [hbm4b:s25+s5], $0x100, $0x38;
	[tilespmem:$0x1E400] =	vst v63  }
0x161: {  	_ =	swait.ge [sflag:s13], $0x100  }
0x162: {  	[sflag:s13] =	ssyncset.done $0x0  }
0x163: {  	[sflag:s13] =	ssyncadd.s32 $0xFFFFFF00  }
0x164: {  	[tilespmem:s15], [sflag:$0x1] =	stream.indirect.gather [spmem:s3], $0x10, s16, s17, $0xb8;
	[tilespmem:$0x1E400] =	vst v63  }
0x165: {  	_ =	swait.ge [sflag:s30], $0x500  }
0x166: {  	[sflag:s30] =	ssyncset.done $0x0  }
0x167: {  	s26 =	rddreg [dreg:$0x1f];
	[sflag:s30] =	ssyncadd.s32 $0xFFFFFB00  }
0x168: {  	[hbm4b:s26+s5] =	stream.linear.scatter [tilespmem:s15], [sflag:$0x3], $0x2800, $0x38;
	[tilespmem:$0x1E400] =	vst v63  }
0x169: {  	s22 =	simm.s32 $0x20;
	_ =	swait.ge [sflag:s13], $0x2800  }
0x16a: {  	s24 =	simm.s32 $0x40;
	s9 =	sadd.s32 $0x500, s26;
	[sflag:s13] =	ssyncset.done $0x0  }
.LBB2_4:
0x16b: {  	s25 =	sadd.s32 s22, s29  }
0x16c: {  	[sflag:s13] =	ssyncadd.s32 $0xFFFFD800;
	s22 =	smov.u32 s24;
	s26 =	sadd.s32 $0x20, s24  }
0x16d: {  	[tilespmem:s16], [sflag:$0x3] =	stream.linear.gather [hbm4b:s25+s5], $0x100, $0x38;
	[tilespmem:$0x1E400] =	vst v63  }
0x16e: {  	p0 =	sne.s32 s24, $0xE0;
	_ =	swait.ge [sflag:s13], $0x100  }
0x16f: {  	[sflag:s13] =	ssyncset.done $0x0  }
0x170: {  	[sflag:s13] =	ssyncadd.s32 $0xFFFFFF00  }
0x171: {  	[tilespmem:s15], [sflag:$0x1] =	stream.indirect.gather [spmem:s3], $0x10, s16, s17, $0xb8;
	[tilespmem:$0x1E400] =	vst v63  }
0x172: {  	_ =	swait.ge [sflag:s30], $0x500  }
.Ltmp1:
0x173: {  	[sflag:s30] =	ssyncset.done $0x0;
	(pc) =	sbr.rel @p0 .LBB2_4-.Ltmp1, $4  }
0x174: {  	[sflag:s30] =	ssyncadd.s32 $0xFFFFFB00  }
0x175: {  	[hbm4b:s9+s5] =	stream.linear.scatter [tilespmem:s15], [sflag:$0x3], $0x2800, $0x38;
	[tilespmem:$0x1E400] =	vst v63  }
0x176: {  	_ =	swait.ge [sflag:s13], $0x2800  }
0x177: {  	s24 =	smov.u32 s26;
	s9 =	sadd.s32 $0x500, s9;
	[sflag:s13] =	ssyncset.done $0x0  }
0x178: {  	s22 =	sadd.s32 s22, s29;
	[sflag:s13] =	ssyncadd.s32 $0xFFFFD800  }
0x179: {  	[tilespmem:s16], [sflag:$0x3] =	stream.linear.gather [hbm4b:s22+s5], $0x100, $0x38;
	[tilespmem:$0x1E400] =	vst v63  }
0x17a: {  	_ =	swait.ge [sflag:s13], $0x100  }
0x17b: {  	[sflag:s13] =	ssyncset.done $0x0  }
0x17c: {  	[sflag:s13] =	ssyncadd.s32 $0xFFFFFF00  }
0x17d: {  	[tilespmem:s15], [sflag:$0x1] =	stream.indirect.gather [spmem:s3], $0x10, s16, s17, $0xb8;
	[tilespmem:$0x1E400] =	vst v63  }
0x17e: {  	_ =	swait.ge [sflag:s30], $0x500  }
0x17f: {  	[sflag:s30] =	ssyncset.done $0x0  }
0x180: {  	[sflag:s30] =	ssyncadd.s32 $0xFFFFFB00  }
0x181: {  	[hbm4b:s9+s5] =	stream.linear.scatter [tilespmem:s15], [sflag:$0x3], $0x2800, $0x38;
	[tilespmem:$0x1E400] =	vst v63  }
0x182: {  	_ =	swait.ge [sflag:s13], $0x2800  }
0x183: {  	s21 =	sadd.s32 $0x1, s21;
	s26 =	rddreg [dreg:$0x11]  }
0x184: {  	p0 =	sne.s32 s21, s26  }
.Ltmp2:
0x185: {  	_ = 	snop;
	(pc) =	sbr.rel @p0 .LBB2_1-.Ltmp2, $3  }
0x186: {  	_ =	sdelay $0x1  }
0x187: {  	[sflag:s13] =	ssyncset.done $0x0  }
0x188: {  	s25 =	smov.u32 s28;
	[sflag:s13] =	ssyncadd.s32 $0xFFFFD800;
	s26 =	smov.u32 s11  }
0x189: {  	_ =	sfence.sel $0x180000  }
0x18a: {  	[bflag:$0x0] =	sbarrier.arrive $0xFFFF  }
0x18b: {  	_ =	strace $0x90000047  }
0x18c: {  	s0 =	stileid.u32;
	[bflag:$0x2] =	sbarrier.arrive $0xFFFF  }
0x18d: {  	p0 =	sne.s32 s0, $0x0;
	s0 =	rddreg [dreg:$0x4]  }
0x18e: {  	s0 =	sadd.s32 @!p0 $0x100000, s0  }
0x18f: {  	[sflag:s0] =	ssyncadd.tile.s32 @!p0 $0x1;
	_ =	shalt  }
.Lfunc_end2:
_tile_overlayer_lowered:
.L_overlay_start_2:
0x190: {  	(tag) =	ssettag $0x2  }
0x191: {  	s0 =	rddreg [dreg:$0x0];
	s2 =	stileid.u32  }
0x192: {  	s1 =	rddreg [dreg:$0x1];
	p0 =	sne.s32 s2, $0x0  }
0x193: {  	s3 =	rddreg [dreg:$0x2];
	[bflag:$0x3] =	sbarrier.arrive $0xFFFF;
	s2 =	simm.s32 @!p0 $0x1C03  }
0x194: {  	[timem:s3], [sflag:s2] =	dma.local @!p0 [hbm:s0], s1  }
0x195: {  	s0 =	simm.s32 @!p0 $0x3  }
0x196: {  	_ =	swait.ge @!p0 [sflag:s0], s1  }
0x197: {  	s1 =	ssub.s32 @!p0 $0x0, s1;
	[sflag:s0] =	ssyncset.done @!p0 $0x0  }
0x198: {  	[sflag:s0] =	ssyncadd.s32 @!p0 s1  }
0x199: {  	[bflag:$0x3] =	sbarrier.arrive $0xFFFF  }
0x19a: {  	_ =	shalt  }

</sc_bundles>
